<compile_context>
chip_gen: v7x
topology: tpu7x:2x2x1
jax: 0.10.2.dev20260603
libtpu: 0.0.44.dev20260713+nightly
codegen_flags: <defaults>
</compile_context>

<pallas_src>
import functools

import jax
import jax.numpy as jnp
from jax import lax
from jax.experimental import pallas as pl
from jax.experimental.pallas import tpu as pltpu
from jax.experimental.pallas import tpu_sc as plsc

N_NODES = 10000
N_PAD = 10240
D0 = 128
DH = 256
NC = 2
NS = 16
NW = NC * NS
CHUNK = 100
ZROWS = 80


def _make_seg_sum(nchunk, with_count):
    mesh = plsc.VectorSubcoreMesh(core_axis_name="c", subcore_axis_name="s")
    rows_per_tile = N_PAD // NS

    out_type = [jax.ShapeDtypeStruct((NC, N_PAD, D0), jnp.float32)]
    scratch = [
        pltpu.VMEM((nchunk, CHUNK), jnp.int32),
        pltpu.VMEM((CHUNK,), jnp.int32),
        pltpu.VMEM((CHUNK,), jnp.int32),
        pltpu.VMEM((CHUNK, D0), jnp.float32),
        pltpu.VMEM((CHUNK, D0), jnp.float32),
        pltpu.VMEM_SHARED((N_PAD, D0), jnp.float32),
        pltpu.SemaphoreType.DMA,
        pltpu.SemaphoreType.DMA,
        pltpu.SemaphoreType.DMA,
        pltpu.SemaphoreType.DMA,
    ]
    if with_count:
        out_type.append(jax.ShapeDtypeStruct((NC, N_PAD), jnp.float32))
        scratch += [
            pltpu.VMEM((128,), jnp.float32),
            pltpu.VMEM((128,), jnp.float32),
            pltpu.VMEM_SHARED((N_PAD,), jnp.float32),
        ]

    def body(*refs):
        if with_count:
            (table, sidx_h, didx_h, sum_out, cnt_out,
             didx_v, sidx_a, sidx_b, rows_a, rows_b, acc,
             isem_a, isem_b, rsem_a, rsem_b, ones_v, zer_v, cntacc) = refs
        else:
            (table, sidx_h, didx_h, sum_out,
             didx_v, sidx_a, sidx_b, rows_a, rows_b, acc,
             isem_a, isem_b, rsem_a, rsem_b) = refs

        cid = lax.axis_index("c")
        sid = lax.axis_index("s")
        wid = cid * NS + sid

        pltpu.sync_copy(didx_h.at[wid], didx_v)

        zero16 = jnp.zeros((16,), jnp.float32)

        def _zrow(i, carry):
            for c in range(D0 // 16):
                rows_a[i, pl.ds(c * 16, 16)] = zero16
            return carry

        lax.fori_loop(0, ZROWS, _zrow, 0)
        base = sid * rows_per_tile
        for k in range(rows_per_tile // ZROWS):
            pltpu.sync_copy(rows_a.at[pl.ds(0, ZROWS)],
                            acc.at[pl.ds(base + k * ZROWS, ZROWS)])
        if with_count:
            for c in range(128 // 16):
                ones_v[pl.ds(c * 16, 16)] = jnp.ones((16,), jnp.float32)
                zer_v[pl.ds(c * 16, 16)] = zero16
            for k in range(rows_per_tile // ZROWS):
                pltpu.sync_copy(zer_v.at[pl.ds(0, ZROWS)],
                                cntacc.at[pl.ds(base + k * ZROWS, ZROWS)])

        plsc.subcore_barrier()

        def _idx_cp(j, sbuf, sem):
            return pltpu.make_async_copy(sidx_h.at[wid, j], sbuf, sem)

        def _row_cp(sbuf, rbuf, sem):
            return pltpu.make_async_copy(table.at[sbuf], rbuf, sem)

        _idx_cp(0, sidx_a, isem_a).start()
        _idx_cp(1, sidx_b, isem_b).start()
        _idx_cp(0, sidx_a, isem_a).wait()
        _row_cp(sidx_a, rows_a, rsem_a).start()

        def _do(j, s_m, i_m, r_m, rs_m, s_o, i_o, r_o, rs_o):
            @pl.when(j + 1 < nchunk)
            def _():
                _idx_cp(j + 1, s_o, i_o).wait()
                _row_cp(s_o, r_o, rs_o).start()

            _row_cp(s_m, r_m, rs_m).wait()
            pltpu.sync_copy(r_m, acc.at[didx_v.at[j]], add=True)
            if with_count:
                pltpu.sync_copy(ones_v.at[pl.ds(0, CHUNK)],
                                cntacc.at[didx_v.at[j]], add=True)

            @pl.when(j + 2 < nchunk)
            def _():
                _idx_cp(j + 2, s_m, i_m).start()

        def _pair(i, carry):
            j = 2 * i
            _do(j, sidx_a, isem_a, rows_a, rsem_a,
                sidx_b, isem_b, rows_b, rsem_b)
            _do(j + 1, sidx_b, isem_b, rows_b, rsem_b,
                sidx_a, isem_a, rows_a, rsem_a)
            return carry

        lax.fori_loop(0, nchunk // 2, _pair, 0)
        if nchunk % 2:
            _do(nchunk - 1, sidx_a, isem_a, rows_a, rsem_a,
                sidx_b, isem_b, rows_b, rsem_b)

        plsc.subcore_barrier()

        pltpu.sync_copy(acc.at[pl.ds(base, rows_per_tile)],
                        sum_out.at[cid, pl.ds(base, rows_per_tile)])
        if with_count:
            pltpu.sync_copy(cntacc.at[pl.ds(base, rows_per_tile)],
                            cnt_out.at[cid, pl.ds(base, rows_per_tile)])

    return pl.kernel(body, out_type=out_type, mesh=mesh, scratch_types=scratch)


_DN = (((1,), (1,)), ((), ()))


def _tc1_body(ps1, cnt, x, w1l, w1r, b1, w2l, w2r, b2, y2_o, hr_o):
    s = ps1[0] + ps1[1]
    c = cnt[0] + cnt[1]
    r = 1.0 / jnp.maximum(c, 1.0)
    mean = s * r[:, None]
    h = lax.dot_general(mean, w1l[...], _DN, preferred_element_type=jnp.float32)
    h += lax.dot_general(x[...], w1r[...], _DN, preferred_element_type=jnp.float32)
    h = jnp.maximum(h + b1[...][None, :], 0.0)
    y2_o[...] = lax.dot_general(h, w2l[...], _DN, preferred_element_type=jnp.float32)
    hr_o[...] = (lax.dot_general(h, w2r[...], _DN, preferred_element_type=jnp.float32)
                 + b2[...][None, :])


def _tc2_body(ps2, cnt, hr, out):
    s = ps2[0] + ps2[1]
    c = cnt[0] + cnt[1]
    r = 1.0 / jnp.maximum(c, 1.0)
    out[...] = s * r[:, None] + hr[...]


def kernel(x, edge_index, W1_l, W1_r, b1, W2_l, W2_r, b2):
    n = x.shape[0]
    e = edge_index.shape[1]
    epw = e // NW
    nchunk = epw // CHUNK
    src = edge_index[0].astype(jnp.int32).reshape(NW, nchunk, CHUNK)
    dst = edge_index[1].astype(jnp.int32).reshape(NW, nchunk, CHUNK)
    x_pad = jnp.zeros((N_PAD, D0), jnp.float32).at[:n].set(x)

    seg1 = _make_seg_sum(nchunk, with_count=True)
    seg2 = _make_seg_sum(nchunk, with_count=False)

    ps1, pcnt = seg1(x_pad, src, dst)

    bm = 1280
    grid = (N_PAD // bm,)
    y2, hr = pl.pallas_call(
        _tc1_body,
        grid=grid,
        in_specs=[
            pl.BlockSpec((NC, bm, D0), lambda i: (0, i, 0)),
            pl.BlockSpec((NC, bm), lambda i: (0, i)),
            pl.BlockSpec((bm, D0), lambda i: (i, 0)),
            pl.BlockSpec((DH, D0), lambda i: (0, 0)),
            pl.BlockSpec((DH, D0), lambda i: (0, 0)),
            pl.BlockSpec((DH,), lambda i: (0,)),
            pl.BlockSpec((D0, DH), lambda i: (0, 0)),
            pl.BlockSpec((D0, DH), lambda i: (0, 0)),
            pl.BlockSpec((D0,), lambda i: (0,)),
        ],
        out_specs=[
            pl.BlockSpec((bm, D0), lambda i: (i, 0)),
            pl.BlockSpec((bm, D0), lambda i: (i, 0)),
        ],
        out_shape=[
            jax.ShapeDtypeStruct((N_PAD, D0), jnp.float32),
            jax.ShapeDtypeStruct((N_PAD, D0), jnp.float32),
        ],
    )(ps1, pcnt, x_pad, W1_l, W1_r, b1, W2_l, W2_r, b2)

    (ps2,) = seg2(y2, src, dst)

    out = pl.pallas_call(
        _tc2_body,
        grid=grid,
        in_specs=[
            pl.BlockSpec((NC, bm, D0), lambda i: (0, i, 0)),
            pl.BlockSpec((NC, bm), lambda i: (0, i)),
            pl.BlockSpec((bm, D0), lambda i: (i, 0)),
        ],
        out_specs=pl.BlockSpec((bm, D0), lambda i: (i, 0)),
        out_shape=jax.ShapeDtypeStruct((N_PAD, D0), jnp.float32),
    )(ps2, pcnt, hr)

    return out[:n]

# --- scband reference (transcript-rebuilt; emitter-appended) ---
"""Pipeline reference for scband-gcnencoder-39822936769196 (READ-ONLY COPY).

The authoritative reference and input builder live on the scoring server;
editing this copy changes nothing except your own understanding.
"""

import jax, jax.numpy as jnp
import numpy as np

N_NODES = 10000
N_EDGES = 320000
D_IN = 128
D_HID = 256
D_OUT = 128


def setup_inputs(seed: int = 0) -> dict:
    key = jax.random.key(seed)
    ks = [jax.random.fold_in(key, i) for i in range(8)]
    x = jax.random.normal(ks[0], (N_NODES, D_IN), dtype=jnp.float32)
    edge_index = jax.random.randint(ks[1], (2, N_EDGES), 0, N_NODES, dtype=jnp.int64)
    # SAGEConv params: lin_l acts on aggregated neighbors (has bias), lin_r on root (no bias)
    s1 = 1.0 / np.sqrt(D_IN)
    s2 = 1.0 / np.sqrt(D_HID)
    W1_l = jax.random.uniform(ks[2], (D_HID, D_IN), jnp.float32, -s1, s1)
    W1_r = jax.random.uniform(ks[3], (D_HID, D_IN), jnp.float32, -s1, s1)
    b1 = jax.random.uniform(ks[4], (D_HID,), jnp.float32, -s1, s1)
    W2_l = jax.random.uniform(ks[5], (D_OUT, D_HID), jnp.float32, -s2, s2)
    W2_r = jax.random.uniform(ks[6], (D_OUT, D_HID), jnp.float32, -s2, s2)
    b2 = jax.random.uniform(ks[7], (D_OUT,), jnp.float32, -s2, s2)
    return {"x": x, "edge_index": edge_index, "W1_l": W1_l, "W1_r": W1_r, "b1": b1,
            "W2_l": W2_l, "W2_r": W2_r, "b2": b2}


def _sage_conv(x, edge_index, W_l, W_r, b):
    # mean aggregation over incoming neighbors (PyG SAGEConv default)
    src = edge_index[0]
    dst = edge_index[1]
    n = x.shape[0]
    msg = jnp.take(x, src, axis=0)                      # gather
    summed = jax.ops.segment_sum(msg, dst, num_segments=n)   # scatter-add
    cnt = jax.ops.segment_sum(jnp.ones((edge_index.shape[1],), jnp.float32), dst, num_segments=n)
    mean = summed / jnp.clip(cnt, 1.0)[:, None]
    return mean @ W_l.T + x @ W_r.T + b


def reference(x, edge_index, W1_l, W1_r, b1, W2_l, W2_r, b2):
    h = _sage_conv(x, edge_index, W1_l, W1_r, b1)
    h = jax.nn.relu(h)
    out = _sage_conv(h, edge_index, W2_l, W2_r, b2)
    return out

if __name__ == "__main__":
    import jax
    _d = setup_inputs()
    print(jax.jit(kernel)(*tuple(_d.values())))

</pallas_src>

<mosaic_0001>
#map = affine_map<(d0, d1) -> (0, 0)>
#map1 = affine_map<(d0, d1) -> (0, 0, 0)>
module attributes {stable_mosaic.version = 14 : i64} {
  func.func @body(%arg0: i32, %arg1: i32, %arg2: memref<10240x128xf32, #tpu.memory_space<hbm>>, %arg3: memref<32x100x100xi32, #tpu.memory_space<hbm>>, %arg4: memref<32x100x100xi32, #tpu.memory_space<hbm>>, %arg5: memref<2x10240x128xf32, #tpu.memory_space<hbm>>, %arg6: memref<100x100xi32, #tpu.memory_space<vmem>>, %arg7: memref<100xi32, #tpu.memory_space<vmem>>, %arg8: memref<100xi32, #tpu.memory_space<vmem>>, %arg9: memref<100x128xf32, #tpu.memory_space<vmem>>, %arg10: memref<100x128xf32, #tpu.memory_space<vmem>>, %arg11: memref<10240x128xf32, #tpu.memory_space<vmem_shared>>, %arg12: memref<!tpu.dma_semaphore, #tpu.memory_space<semaphore_mem>>, %arg13: memref<!tpu.dma_semaphore, #tpu.memory_space<semaphore_mem>>, %arg14: memref<!tpu.dma_semaphore, #tpu.memory_space<semaphore_mem>>, %arg15: memref<!tpu.dma_semaphore, #tpu.memory_space<semaphore_mem>>) attributes {dimension_semantics = [#tpu.dimension_semantics<core_parallel>, #tpu.dimension_semantics<subcore_parallel>], iteration_bounds = array<i64: 2, 16>, scalar_prefetch = 0 : i64, scratch_operands = 10 : i64, tpu.core_type = #tpu.core_type<sc_vector_subcore>, window_params = [{transform_indices = #map}, {transform_indices = #map1}, {transform_indices = #map1}, {transform_indices = #map1}]} {
    %mul3A = arith.constant 16 : i32
    %mul3A_0 = arith.muli %arg0, %mul3A : i32
    %add3A = arith.addi %mul3A_0, %arg1 : i32
    "tpu.region"() ({
      %run_scoped3A = tpu.sem_alloc : memref<!tpu.dma_semaphore, #tpu.memory_space<semaphore_mem>>
      %dma_start3A_54 = arith.constant 0 : i32
      %dma_start3A_55 = arith.constant 0 : i32
      %dma_start3A_56 = tpu.memref_slice %arg4[%add3A, %dma_start3A_54, %dma_start3A_55] : memref<32x100x100xi32, #tpu.memory_space<hbm>> -> memref<1x100x100xi32, #tpu.memory_space<hbm>>
      %dma_start3A_57 = tpu.memref_squeeze %dma_start3A_56 : memref<1x100x100xi32, #tpu.memory_space<hbm>> -> memref<100x100xi32, #tpu.memory_space<hbm>>
      %dma_start3A_58 = arith.constant 0 : i32
      %dma_start3A_59 = arith.constant 0 : i32
      %dma_start3A_60 = tpu.memref_slice %arg4[%add3A, %dma_start3A_58, %dma_start3A_59] : memref<32x100x100xi32, #tpu.memory_space<hbm>> -> memref<1x100x100xi32, #tpu.memory_space<hbm>>
      %dma_start3A_61 = tpu.memref_squeeze %dma_start3A_60 : memref<1x100x100xi32, #tpu.memory_space<hbm>> -> memref<100x100xi32, #tpu.memory_space<hbm>>
      tpu.enqueue_dma source(%dma_start3A_61 : memref<100x100xi32, #tpu.memory_space<hbm>>) target(%arg6 : memref<100x100xi32, #tpu.memory_space<vmem>>) target_semaphore(%run_scoped3A : memref<!tpu.dma_semaphore, #tpu.memory_space<semaphore_mem>>)
      %dma_wait3A_62 = arith.constant 0 : i32
      %dma_wait3A_63 = arith.constant 0 : i32
      %dma_wait3A_64 = tpu.memref_slice %arg4[%add3A, %dma_wait3A_62, %dma_wait3A_63] : memref<32x100x100xi32, #tpu.memory_space<hbm>> -> memref<1x100x100xi32, #tpu.memory_space<hbm>>
      %dma_wait3A_65 = tpu.memref_squeeze %dma_wait3A_64 : memref<1x100x100xi32, #tpu.memory_space<hbm>> -> memref<100x100xi32, #tpu.memory_space<hbm>>
      %dma_wait3A_66 = arith.constant 0 : i32
      %dma_wait3A_67 = arith.constant 0 : i32
      %dma_wait3A_68 = tpu.memref_slice %arg4[%add3A, %dma_wait3A_66, %dma_wait3A_67] : memref<32x100x100xi32, #tpu.memory_space<hbm>> -> memref<1x100x100xi32, #tpu.memory_space<hbm>>
      %dma_wait3A_69 = tpu.memref_squeeze %dma_wait3A_68 : memref<1x100x100xi32, #tpu.memory_space<hbm>> -> memref<100x100xi32, #tpu.memory_space<hbm>>
      tpu.wait_dma2 semaphore(%run_scoped3A : memref<!tpu.dma_semaphore, #tpu.memory_space<semaphore_mem>>) src(%dma_wait3A_69 : memref<100x100xi32, #tpu.memory_space<hbm>>) dst(%arg6 : memref<100x100xi32, #tpu.memory_space<vmem>>)
      tpu.yield
    }) : () -> ()
    %broadcast_in_dim3A = arith.constant 0.000000e+00 : f32
    %broadcast_in_dim3A_1 = vector.broadcast %broadcast_in_dim3A : f32 to vector<16xf32>
    %scan3A = arith.constant 0 : i32
    %scan3A_2 = arith.constant 0 : i32
    %scan3A_3 = arith.constant 80 : i32
    %scan3A_4 = arith.addi %scan3A_2, %scan3A_3 : i32
    %scan3A_5 = arith.constant 1 : i32
    scf.for %scan3A_54 = %scan3A_2 to %scan3A_4 step %scan3A_5  : i32 {
      %swap3A = arith.index_cast %scan3A_54 : i32 to index
      %swap3A_55 = arith.constant 0 : index
      %swap3A_56 = tpu.vector_load %arg9[%swap3A, %swap3A_55] {strides = array<i32>} : memref<100x128xf32, #tpu.memory_space<vmem>>, vector<1x16xf32>,
      %swap3A_57 = vector.shape_cast %swap3A_56 : vector<1x16xf32> to vector<16xf32>
      %swap3A_58 = vector.shape_cast %broadcast_in_dim3A_1 : vector<16xf32> to vector<1x16xf32>
      tpu.vector_store %arg9[%swap3A, %swap3A_55], %swap3A_58 {strides = array<i32>} : memref<100x128xf32, #tpu.memory_space<vmem>>, vector<1x16xf32>,
      %swap3A_59 = arith.index_cast %scan3A_54 : i32 to index
      %swap3A_60 = arith.constant 16 : index
      %swap3A_61 = tpu.vector_load %arg9[%swap3A_59, %swap3A_60] {strides = array<i32>} : memref<100x128xf32, #tpu.memory_space<vmem>>, vector<1x16xf32>,
      %swap3A_62 = vector.shape_cast %swap3A_61 : vector<1x16xf32> to vector<16xf32>
      %swap3A_63 = vector.shape_cast %broadcast_in_dim3A_1 : vector<16xf32> to vector<1x16xf32>
      tpu.vector_store %arg9[%swap3A_59, %swap3A_60], %swap3A_63 {strides = array<i32>} : memref<100x128xf32, #tpu.memory_space<vmem>>, vector<1x16xf32>,
      %swap3A_64 = arith.index_cast %scan3A_54 : i32 to index
      %swap3A_65 = arith.constant 32 : index
      %swap3A_66 = tpu.vector_load %arg9[%swap3A_64, %swap3A_65] {strides = array<i32>} : memref<100x128xf32, #tpu.memory_space<vmem>>, vector<1x16xf32>,
      %swap3A_67 = vector.shape_cast %swap3A_66 : vector<1x16xf32> to vector<16xf32>
      %swap3A_68 = vector.shape_cast %broadcast_in_dim3A_1 : vector<16xf32> to vector<1x16xf32>
      tpu.vector_store %arg9[%swap3A_64, %swap3A_65], %swap3A_68 {strides = array<i32>} : memref<100x128xf32, #tpu.memory_space<vmem>>, vector<1x16xf32>,
      %swap3A_69 = arith.index_cast %scan3A_54 : i32 to index
      %swap3A_70 = arith.constant 48 : index
      %swap3A_71 = tpu.vector_load %arg9[%swap3A_69, %swap3A_70] {strides = array<i32>} : memref<100x128xf32, #tpu.memory_space<vmem>>, vector<1x16xf32>,
      %swap3A_72 = vector.shape_cast %swap3A_71 : vector<1x16xf32> to vector<16xf32>
      %swap3A_73 = vector.shape_cast %broadcast_in_dim3A_1 : vector<16xf32> to vector<1x16xf32>
      tpu.vector_store %arg9[%swap3A_69, %swap3A_70], %swap3A_73 {strides = array<i32>} : memref<100x128xf32, #tpu.memory_space<vmem>>, vector<1x16xf32>,
      %swap3A_74 = arith.index_cast %scan3A_54 : i32 to index
      %swap3A_75 = arith.constant 64 : index
      %swap3A_76 = tpu.vector_load %arg9[%swap3A_74, %swap3A_75] {strides = array<i32>} : memref<100x128xf32, #tpu.memory_space<vmem>>, vector<1x16xf32>,
      %swap3A_77 = vector.shape_cast %swap3A_76 : vector<1x16xf32> to vector<16xf32>
      %swap3A_78 = vector.shape_cast %broadcast_in_dim3A_1 : vector<16xf32> to vector<1x16xf32>
      tpu.vector_store %arg9[%swap3A_74, %swap3A_75], %swap3A_78 {strides = array<i32>} : memref<100x128xf32, #tpu.memory_space<vmem>>, vector<1x16xf32>,
      %swap3A_79 = arith.index_cast %scan3A_54 : i32 to index
      %swap3A_80 = arith.constant 80 : index
      %swap3A_81 = tpu.vector_load %arg9[%swap3A_79, %swap3A_80] {strides = array<i32>} : memref<100x128xf32, #tpu.memory_space<vmem>>, vector<1x16xf32>,
      %swap3A_82 = vector.shape_cast %swap3A_81 : vector<1x16xf32> to vector<16xf32>
      %swap3A_83 = vector.shape_cast %broadcast_in_dim3A_1 : vector<16xf32> to vector<1x16xf32>
      tpu.vector_store %arg9[%swap3A_79, %swap3A_80], %swap3A_83 {strides = array<i32>} : memref<100x128xf32, #tpu.memory_space<vmem>>, vector<1x16xf32>,
      %swap3A_84 = arith.index_cast %scan3A_54 : i32 to index
      %swap3A_85 = arith.constant 96 : index
      %swap3A_86 = tpu.vector_load %arg9[%swap3A_84, %swap3A_85] {strides = array<i32>} : memref<100x128xf32, #tpu.memory_space<vmem>>, vector<1x16xf32>,
      %swap3A_87 = vector.shape_cast %swap3A_86 : vector<1x16xf32> to vector<16xf32>
      %swap3A_88 = vector.shape_cast %broadcast_in_dim3A_1 : vector<16xf32> to vector<1x16xf32>
      tpu.vector_store %arg9[%swap3A_84, %swap3A_85], %swap3A_88 {strides = array<i32>} : memref<100x128xf32, #tpu.memory_space<vmem>>, vector<1x16xf32>,
      %swap3A_89 = arith.index_cast %scan3A_54 : i32 to index
      %swap3A_90 = arith.constant 112 : index
      %swap3A_91 = tpu.vector_load %arg9[%swap3A_89, %swap3A_90] {strides = array<i32>} : memref<100x128xf32, #tpu.memory_space<vmem>>, vector<1x16xf32>,
      %swap3A_92 = vector.shape_cast %swap3A_91 : vector<1x16xf32> to vector<16xf32>
      %swap3A_93 = vector.shape_cast %broadcast_in_dim3A_1 : vector<16xf32> to vector<1x16xf32>
      tpu.vector_store %arg9[%swap3A_89, %swap3A_90], %swap3A_93 {strides = array<i32>} : memref<100x128xf32, #tpu.memory_space<vmem>>, vector<1x16xf32>,
    }
    %scan3A_6 = arith.constant 80 : i32
    %mul3A_7 = arith.constant 640 : i32
    %mul3A_8 = arith.muli %arg1, %mul3A_7 : i32
    %add3A_9 = arith.constant 0 : i32
    %add3A_10 = arith.addi %mul3A_8, %add3A_9 : i32
    "tpu.region"() ({
      %run_scoped3A = tpu.sem_alloc : memref<!tpu.dma_semaphore, #tpu.memory_space<semaphore_mem>>
      %dma_start3A_54 = arith.constant 0 : i32
      %dma_start3A_55 = arith.constant 0 : i32
      %dma_start3A_56 = tpu.memref_slice %arg9[%dma_start3A_54, %dma_start3A_55] : memref<100x128xf32, #tpu.memory_space<vmem>> -> memref<80x128xf32, #tpu.memory_space<vmem>>
      %dma_start3A_57 = arith.constant 0 : i32
      %dma_start3A_58 = tpu.memref_slice %arg11[%add3A_10, %dma_start3A_57] : memref<10240x128xf32, #tpu.memory_space<vmem_shared>> -> memref<80x128xf32, #tpu.memory_space<vmem_shared>>
      %dma_start3A_59 = arith.constant 0 : i32
      %dma_start3A_60 = tpu.memref_slice %arg11[%add3A_10, %dma_start3A_59] : memref<10240x128xf32, #tpu.memory_space<vmem_shared>> -> memref<80x128xf32, #tpu.memory_space<vmem_shared>>
      %dma_start3A_61 = arith.constant 0 : i32
      %dma_start3A_62 = arith.constant 0 : i32
      %dma_start3A_63 = tpu.memref_slice %arg9[%dma_start3A_61, %dma_start3A_62] : memref<100x128xf32, #tpu.memory_space<vmem>> -> memref<80x128xf32, #tpu.memory_space<vmem>>
      tpu.enqueue_dma source(%dma_start3A_63 : memref<80x128xf32, #tpu.memory_space<vmem>>) target(%dma_start3A_60 : memref<80x128xf32, #tpu.memory_space<vmem_shared>>) target_semaphore(%run_scoped3A : memref<!tpu.dma_semaphore, #tpu.memory_space<semaphore_mem>>)
      %dma_wait3A_64 = arith.constant 0 : i32
      %dma_wait3A_65 = arith.constant 0 : i32
      %dma_wait3A_66 = tpu.memref_slice %arg9[%dma_wait3A_64, %dma_wait3A_65] : memref<100x128xf32, #tpu.memory_space<vmem>> -> memref<80x128xf32, #tpu.memory_space<vmem>>
      %dma_wait3A_67 = arith.constant 0 : i32
      %dma_wait3A_68 = tpu.memref_slice %arg11[%add3A_10, %dma_wait3A_67] : memref<10240x128xf32, #tpu.memory_space<vmem_shared>> -> memref<80x128xf32, #tpu.memory_space<vmem_shared>>
      %dma_wait3A_69 = arith.constant 0 : i32
      %dma_wait3A_70 = tpu.memref_slice %arg11[%add3A_10, %dma_wait3A_69] : memref<10240x128xf32, #tpu.memory_space<vmem_shared>> -> memref<80x128xf32, #tpu.memory_space<vmem_shared>>
      %dma_wait3A_71 = arith.constant 0 : i32
      %dma_wait3A_72 = arith.constant 0 : i32
      %dma_wait3A_73 = tpu.memref_slice %arg9[%dma_wait3A_71, %dma_wait3A_72] : memref<100x128xf32, #tpu.memory_space<vmem>> -> memref<80x128xf32, #tpu.memory_space<vmem>>
      tpu.wait_dma2 semaphore(%run_scoped3A : memref<!tpu.dma_semaphore, #tpu.memory_space<semaphore_mem>>) src(%dma_wait3A_73 : memref<80x128xf32, #tpu.memory_space<vmem>>) dst(%dma_wait3A_70 : memref<80x128xf32, #tpu.memory_space<vmem_shared>>)
      tpu.yield
    }) : () -> ()
    %add3A_11 = arith.constant 80 : i32
    %add3A_12 = arith.addi %mul3A_8, %add3A_11 : i32
    "tpu.region"() ({
      %run_scoped3A = tpu.sem_alloc : memref<!tpu.dma_semaphore, #tpu.memory_space<semaphore_mem>>
      %dma_start3A_54 = arith.constant 0 : i32
      %dma_start3A_55 = arith.constant 0 : i32
      %dma_start3A_56 = tpu.memref_slice %arg9[%dma_start3A_54, %dma_start3A_55] : memref<100x128xf32, #tpu.memory_space<vmem>> -> memref<80x128xf32, #tpu.memory_space<vmem>>
      %dma_start3A_57 = arith.constant 0 : i32
      %dma_start3A_58 = tpu.memref_slice %arg11[%add3A_12, %dma_start3A_57] : memref<10240x128xf32, #tpu.memory_space<vmem_shared>> -> memref<80x128xf32, #tpu.memory_space<vmem_shared>>
      %dma_start3A_59 = arith.constant 0 : i32
      %dma_start3A_60 = tpu.memref_slice %arg11[%add3A_12, %dma_start3A_59] : memref<10240x128xf32, #tpu.memory_space<vmem_shared>> -> memref<80x128xf32, #tpu.memory_space<vmem_shared>>
      %dma_start3A_61 = arith.constant 0 : i32
      %dma_start3A_62 = arith.constant 0 : i32
      %dma_start3A_63 = tpu.memref_slice %arg9[%dma_start3A_61, %dma_start3A_62] : memref<100x128xf32, #tpu.memory_space<vmem>> -> memref<80x128xf32, #tpu.memory_space<vmem>>
      tpu.enqueue_dma source(%dma_start3A_63 : memref<80x128xf32, #tpu.memory_space<vmem>>) target(%dma_start3A_60 : memref<80x128xf32, #tpu.memory_space<vmem_shared>>) target_semaphore(%run_scoped3A : memref<!tpu.dma_semaphore, #tpu.memory_space<semaphore_mem>>)
      %dma_wait3A_64 = arith.constant 0 : i32
      %dma_wait3A_65 = arith.constant 0 : i32
      %dma_wait3A_66 = tpu.memref_slice %arg9[%dma_wait3A_64, %dma_wait3A_65] : memref<100x128xf32, #tpu.memory_space<vmem>> -> memref<80x128xf32, #tpu.memory_space<vmem>>
      %dma_wait3A_67 = arith.constant 0 : i32
      %dma_wait3A_68 = tpu.memref_slice %arg11[%add3A_12, %dma_wait3A_67] : memref<10240x128xf32, #tpu.memory_space<vmem_shared>> -> memref<80x128xf32, #tpu.memory_space<vmem_shared>>
      %dma_wait3A_69 = arith.constant 0 : i32
      %dma_wait3A_70 = tpu.memref_slice %arg11[%add3A_12, %dma_wait3A_69] : memref<10240x128xf32, #tpu.memory_space<vmem_shared>> -> memref<80x128xf32, #tpu.memory_space<vmem_shared>>
      %dma_wait3A_71 = arith.constant 0 : i32
      %dma_wait3A_72 = arith.constant 0 : i32
      %dma_wait3A_73 = tpu.memref_slice %arg9[%dma_wait3A_71, %dma_wait3A_72] : memref<100x128xf32, #tpu.memory_space<vmem>> -> memref<80x128xf32, #tpu.memory_space<vmem>>
      tpu.wait_dma2 semaphore(%run_scoped3A : memref<!tpu.dma_semaphore, #tpu.memory_space<semaphore_mem>>) src(%dma_wait3A_73 : memref<80x128xf32, #tpu.memory_space<vmem>>) dst(%dma_wait3A_70 : memref<80x128xf32, #tpu.memory_space<vmem_shared>>)
      tpu.yield
    }) : () -> ()
    %add3A_13 = arith.constant 160 : i32
    %add3A_14 = arith.addi %mul3A_8, %add3A_13 : i32
    "tpu.region"() ({
      %run_scoped3A = tpu.sem_alloc : memref<!tpu.dma_semaphore, #tpu.memory_space<semaphore_mem>>
      %dma_start3A_54 = arith.constant 0 : i32
      %dma_start3A_55 = arith.constant 0 : i32
      %dma_start3A_56 = tpu.memref_slice %arg9[%dma_start3A_54, %dma_start3A_55] : memref<100x128xf32, #tpu.memory_space<vmem>> -> memref<80x128xf32, #tpu.memory_space<vmem>>
      %dma_start3A_57 = arith.constant 0 : i32
      %dma_start3A_58 = tpu.memref_slice %arg11[%add3A_14, %dma_start3A_57] : memref<10240x128xf32, #tpu.memory_space<vmem_shared>> -> memref<80x128xf32, #tpu.memory_space<vmem_shared>>
      %dma_start3A_59 = arith.constant 0 : i32
      %dma_start3A_60 = tpu.memref_slice %arg11[%add3A_14, %dma_start3A_59] : memref<10240x128xf32, #tpu.memory_space<vmem_shared>> -> memref<80x128xf32, #tpu.memory_space<vmem_shared>>
      %dma_start3A_61 = arith.constant 0 : i32
      %dma_start3A_62 = arith.constant 0 : i32
      %dma_start3A_63 = tpu.memref_slice %arg9[%dma_start3A_61, %dma_start3A_62] : memref<100x128xf32, #tpu.memory_space<vmem>> -> memref<80x128xf32, #tpu.memory_space<vmem>>
      tpu.enqueue_dma source(%dma_start3A_63 : memref<80x128xf32, #tpu.memory_space<vmem>>) target(%dma_start3A_60 : memref<80x128xf32, #tpu.memory_space<vmem_shared>>) target_semaphore(%run_scoped3A : memref<!tpu.dma_semaphore, #tpu.memory_space<semaphore_mem>>)
      %dma_wait3A_64 = arith.constant 0 : i32
      %dma_wait3A_65 = arith.constant 0 : i32
      %dma_wait3A_66 = tpu.memref_slice %arg9[%dma_wait3A_64, %dma_wait3A_65] : memref<100x128xf32, #tpu.memory_space<vmem>> -> memref<80x128xf32, #tpu.memory_space<vmem>>
      %dma_wait3A_67 = arith.constant 0 : i32
      %dma_wait3A_68 = tpu.memref_slice %arg11[%add3A_14, %dma_wait3A_67] : memref<10240x128xf32, #tpu.memory_space<vmem_shared>> -> memref<80x128xf32, #tpu.memory_space<vmem_shared>>
      %dma_wait3A_69 = arith.constant 0 : i32
      %dma_wait3A_70 = tpu.memref_slice %arg11[%add3A_14, %dma_wait3A_69] : memref<10240x128xf32, #tpu.memory_space<vmem_shared>> -> memref<80x128xf32, #tpu.memory_space<vmem_shared>>
      %dma_wait3A_71 = arith.constant 0 : i32
      %dma_wait3A_72 = arith.constant 0 : i32
      %dma_wait3A_73 = tpu.memref_slice %arg9[%dma_wait3A_71, %dma_wait3A_72] : memref<100x128xf32, #tpu.memory_space<vmem>> -> memref<80x128xf32, #tpu.memory_space<vmem>>
      tpu.wait_dma2 semaphore(%run_scoped3A : memref<!tpu.dma_semaphore, #tpu.memory_space<semaphore_mem>>) src(%dma_wait3A_73 : memref<80x128xf32, #tpu.memory_space<vmem>>) dst(%dma_wait3A_70 : memref<80x128xf32, #tpu.memory_space<vmem_shared>>)
      tpu.yield
    }) : () -> ()
    %add3A_15 = arith.constant 240 : i32
    %add3A_16 = arith.addi %mul3A_8, %add3A_15 : i32
    "tpu.region"() ({
      %run_scoped3A = tpu.sem_alloc : memref<!tpu.dma_semaphore, #tpu.memory_space<semaphore_mem>>
      %dma_start3A_54 = arith.constant 0 : i32
      %dma_start3A_55 = arith.constant 0 : i32
      %dma_start3A_56 = tpu.memref_slice %arg9[%dma_start3A_54, %dma_start3A_55] : memref<100x128xf32, #tpu.memory_space<vmem>> -> memref<80x128xf32, #tpu.memory_space<vmem>>
      %dma_start3A_57 = arith.constant 0 : i32
      %dma_start3A_58 = tpu.memref_slice %arg11[%add3A_16, %dma_start3A_57] : memref<10240x128xf32, #tpu.memory_space<vmem_shared>> -> memref<80x128xf32, #tpu.memory_space<vmem_shared>>
      %dma_start3A_59 = arith.constant 0 : i32
      %dma_start3A_60 = tpu.memref_slice %arg11[%add3A_16, %dma_start3A_59] : memref<10240x128xf32, #tpu.memory_space<vmem_shared>> -> memref<80x128xf32, #tpu.memory_space<vmem_shared>>
      %dma_start3A_61 = arith.constant 0 : i32
      %dma_start3A_62 = arith.constant 0 : i32
      %dma_start3A_63 = tpu.memref_slice %arg9[%dma_start3A_61, %dma_start3A_62] : memref<100x128xf32, #tpu.memory_space<vmem>> -> memref<80x128xf32, #tpu.memory_space<vmem>>
      tpu.enqueue_dma source(%dma_start3A_63 : memref<80x128xf32, #tpu.memory_space<vmem>>) target(%dma_start3A_60 : memref<80x128xf32, #tpu.memory_space<vmem_shared>>) target_semaphore(%run_scoped3A : memref<!tpu.dma_semaphore, #tpu.memory_space<semaphore_mem>>)
      %dma_wait3A_64 = arith.constant 0 : i32
      %dma_wait3A_65 = arith.constant 0 : i32
      %dma_wait3A_66 = tpu.memref_slice %arg9[%dma_wait3A_64, %dma_wait3A_65] : memref<100x128xf32, #tpu.memory_space<vmem>> -> memref<80x128xf32, #tpu.memory_space<vmem>>
      %dma_wait3A_67 = arith.constant 0 : i32
      %dma_wait3A_68 = tpu.memref_slice %arg11[%add3A_16, %dma_wait3A_67] : memref<10240x128xf32, #tpu.memory_space<vmem_shared>> -> memref<80x128xf32, #tpu.memory_space<vmem_shared>>
      %dma_wait3A_69 = arith.constant 0 : i32
      %dma_wait3A_70 = tpu.memref_slice %arg11[%add3A_16, %dma_wait3A_69] : memref<10240x128xf32, #tpu.memory_space<vmem_shared>> -> memref<80x128xf32, #tpu.memory_space<vmem_shared>>
      %dma_wait3A_71 = arith.constant 0 : i32
      %dma_wait3A_72 = arith.constant 0 : i32
      %dma_wait3A_73 = tpu.memref_slice %arg9[%dma_wait3A_71, %dma_wait3A_72] : memref<100x128xf32, #tpu.memory_space<vmem>> -> memref<80x128xf32, #tpu.memory_space<vmem>>
      tpu.wait_dma2 semaphore(%run_scoped3A : memref<!tpu.dma_semaphore, #tpu.memory_space<semaphore_mem>>) src(%dma_wait3A_73 : memref<80x128xf32, #tpu.memory_space<vmem>>) dst(%dma_wait3A_70 : memref<80x128xf32, #tpu.memory_space<vmem_shared>>)
      tpu.yield
    }) : () -> ()
    %add3A_17 = arith.constant 320 : i32
    %add3A_18 = arith.addi %mul3A_8, %add3A_17 : i32
    "tpu.region"() ({
      %run_scoped3A = tpu.sem_alloc : memref<!tpu.dma_semaphore, #tpu.memory_space<semaphore_mem>>
      %dma_start3A_54 = arith.constant 0 : i32
      %dma_start3A_55 = arith.constant 0 : i32
      %dma_start3A_56 = tpu.memref_slice %arg9[%dma_start3A_54, %dma_start3A_55] : memref<100x128xf32, #tpu.memory_space<vmem>> -> memref<80x128xf32, #tpu.memory_space<vmem>>
      %dma_start3A_57 = arith.constant 0 : i32
      %dma_start3A_58 = tpu.memref_slice %arg11[%add3A_18, %dma_start3A_57] : memref<10240x128xf32, #tpu.memory_space<vmem_shared>> -> memref<80x128xf32, #tpu.memory_space<vmem_shared>>
      %dma_start3A_59 = arith.constant 0 : i32
      %dma_start3A_60 = tpu.memref_slice %arg11[%add3A_18, %dma_start3A_59] : memref<10240x128xf32, #tpu.memory_space<vmem_shared>> -> memref<80x128xf32, #tpu.memory_space<vmem_shared>>
      %dma_start3A_61 = arith.constant 0 : i32
      %dma_start3A_62 = arith.constant 0 : i32
      %dma_start3A_63 = tpu.memref_slice %arg9[%dma_start3A_61, %dma_start3A_62] : memref<100x128xf32, #tpu.memory_space<vmem>> -> memref<80x128xf32, #tpu.memory_space<vmem>>
      tpu.enqueue_dma source(%dma_start3A_63 : memref<80x128xf32, #tpu.memory_space<vmem>>) target(%dma_start3A_60 : memref<80x128xf32, #tpu.memory_space<vmem_shared>>) target_semaphore(%run_scoped3A : memref<!tpu.dma_semaphore, #tpu.memory_space<semaphore_mem>>)
      %dma_wait3A_64 = arith.constant 0 : i32
      %dma_wait3A_65 = arith.constant 0 : i32
      %dma_wait3A_66 = tpu.memref_slice %arg9[%dma_wait3A_64, %dma_wait3A_65] : memref<100x128xf32, #tpu.memory_space<vmem>> -> memref<80x128xf32, #tpu.memory_space<vmem>>
      %dma_wait3A_67 = arith.constant 0 : i32
      %dma_wait3A_68 = tpu.memref_slice %arg11[%add3A_18, %dma_wait3A_67] : memref<10240x128xf32, #tpu.memory_space<vmem_shared>> -> memref<80x128xf32, #tpu.memory_space<vmem_shared>>
      %dma_wait3A_69 = arith.constant 0 : i32
      %dma_wait3A_70 = tpu.memref_slice %arg11[%add3A_18, %dma_wait3A_69] : memref<10240x128xf32, #tpu.memory_space<vmem_shared>> -> memref<80x128xf32, #tpu.memory_space<vmem_shared>>
      %dma_wait3A_71 = arith.constant 0 : i32
      %dma_wait3A_72 = arith.constant 0 : i32
      %dma_wait3A_73 = tpu.memref_slice %arg9[%dma_wait3A_71, %dma_wait3A_72] : memref<100x128xf32, #tpu.memory_space<vmem>> -> memref<80x128xf32, #tpu.memory_space<vmem>>
      tpu.wait_dma2 semaphore(%run_scoped3A : memref<!tpu.dma_semaphore, #tpu.memory_space<semaphore_mem>>) src(%dma_wait3A_73 : memref<80x128xf32, #tpu.memory_space<vmem>>) dst(%dma_wait3A_70 : memref<80x128xf32, #tpu.memory_space<vmem_shared>>)
      tpu.yield
    }) : () -> ()
    %add3A_19 = arith.constant 400 : i32
    %add3A_20 = arith.addi %mul3A_8, %add3A_19 : i32
    "tpu.region"() ({
      %run_scoped3A = tpu.sem_alloc : memref<!tpu.dma_semaphore, #tpu.memory_space<semaphore_mem>>
      %dma_start3A_54 = arith.constant 0 : i32
      %dma_start3A_55 = arith.constant 0 : i32
      %dma_start3A_56 = tpu.memref_slice %arg9[%dma_start3A_54, %dma_start3A_55] : memref<100x128xf32, #tpu.memory_space<vmem>> -> memref<80x128xf32, #tpu.memory_space<vmem>>
      %dma_start3A_57 = arith.constant 0 : i32
      %dma_start3A_58 = tpu.memref_slice %arg11[%add3A_20, %dma_start3A_57] : memref<10240x128xf32, #tpu.memory_space<vmem_shared>> -> memref<80x128xf32, #tpu.memory_space<vmem_shared>>
      %dma_start3A_59 = arith.constant 0 : i32
      %dma_start3A_60 = tpu.memref_slice %arg11[%add3A_20, %dma_start3A_59] : memref<10240x128xf32, #tpu.memory_space<vmem_shared>> -> memref<80x128xf32, #tpu.memory_space<vmem_shared>>
      %dma_start3A_61 = arith.constant 0 : i32
      %dma_start3A_62 = arith.constant 0 : i32
      %dma_start3A_63 = tpu.memref_slice %arg9[%dma_start3A_61, %dma_start3A_62] : memref<100x128xf32, #tpu.memory_space<vmem>> -> memref<80x128xf32, #tpu.memory_space<vmem>>
      tpu.enqueue_dma source(%dma_start3A_63 : memref<80x128xf32, #tpu.memory_space<vmem>>) target(%dma_start3A_60 : memref<80x128xf32, #tpu.memory_space<vmem_shared>>) target_semaphore(%run_scoped3A : memref<!tpu.dma_semaphore, #tpu.memory_space<semaphore_mem>>)
      %dma_wait3A_64 = arith.constant 0 : i32
      %dma_wait3A_65 = arith.constant 0 : i32
      %dma_wait3A_66 = tpu.memref_slice %arg9[%dma_wait3A_64, %dma_wait3A_65] : memref<100x128xf32, #tpu.memory_space<vmem>> -> memref<80x128xf32, #tpu.memory_space<vmem>>
      %dma_wait3A_67 = arith.constant 0 : i32
      %dma_wait3A_68 = tpu.memref_slice %arg11[%add3A_20, %dma_wait3A_67] : memref<10240x128xf32, #tpu.memory_space<vmem_shared>> -> memref<80x128xf32, #tpu.memory_space<vmem_shared>>
      %dma_wait3A_69 = arith.constant 0 : i32
      %dma_wait3A_70 = tpu.memref_slice %arg11[%add3A_20, %dma_wait3A_69] : memref<10240x128xf32, #tpu.memory_space<vmem_shared>> -> memref<80x128xf32, #tpu.memory_space<vmem_shared>>
      %dma_wait3A_71 = arith.constant 0 : i32
      %dma_wait3A_72 = arith.constant 0 : i32
      %dma_wait3A_73 = tpu.memref_slice %arg9[%dma_wait3A_71, %dma_wait3A_72] : memref<100x128xf32, #tpu.memory_space<vmem>> -> memref<80x128xf32, #tpu.memory_space<vmem>>
      tpu.wait_dma2 semaphore(%run_scoped3A : memref<!tpu.dma_semaphore, #tpu.memory_space<semaphore_mem>>) src(%dma_wait3A_73 : memref<80x128xf32, #tpu.memory_space<vmem>>) dst(%dma_wait3A_70 : memref<80x128xf32, #tpu.memory_space<vmem_shared>>)
      tpu.yield
    }) : () -> ()
    %add3A_21 = arith.constant 480 : i32
    %add3A_22 = arith.addi %mul3A_8, %add3A_21 : i32
    "tpu.region"() ({
      %run_scoped3A = tpu.sem_alloc : memref<!tpu.dma_semaphore, #tpu.memory_space<semaphore_mem>>
      %dma_start3A_54 = arith.constant 0 : i32
      %dma_start3A_55 = arith.constant 0 : i32
      %dma_start3A_56 = tpu.memref_slice %arg9[%dma_start3A_54, %dma_start3A_55] : memref<100x128xf32, #tpu.memory_space<vmem>> -> memref<80x128xf32, #tpu.memory_space<vmem>>
      %dma_start3A_57 = arith.constant 0 : i32
      %dma_start3A_58 = tpu.memref_slice %arg11[%add3A_22, %dma_start3A_57] : memref<10240x128xf32, #tpu.memory_space<vmem_shared>> -> memref<80x128xf32, #tpu.memory_space<vmem_shared>>
      %dma_start3A_59 = arith.constant 0 : i32
      %dma_start3A_60 = tpu.memref_slice %arg11[%add3A_22, %dma_start3A_59] : memref<10240x128xf32, #tpu.memory_space<vmem_shared>> -> memref<80x128xf32, #tpu.memory_space<vmem_shared>>
      %dma_start3A_61 = arith.constant 0 : i32
      %dma_start3A_62 = arith.constant 0 : i32
      %dma_start3A_63 = tpu.memref_slice %arg9[%dma_start3A_61, %dma_start3A_62] : memref<100x128xf32, #tpu.memory_space<vmem>> -> memref<80x128xf32, #tpu.memory_space<vmem>>
      tpu.enqueue_dma source(%dma_start3A_63 : memref<80x128xf32, #tpu.memory_space<vmem>>) target(%dma_start3A_60 : memref<80x128xf32, #tpu.memory_space<vmem_shared>>) target_semaphore(%run_scoped3A : memref<!tpu.dma_semaphore, #tpu.memory_space<semaphore_mem>>)
      %dma_wait3A_64 = arith.constant 0 : i32
      %dma_wait3A_65 = arith.constant 0 : i32
      %dma_wait3A_66 = tpu.memref_slice %arg9[%dma_wait3A_64, %dma_wait3A_65] : memref<100x128xf32, #tpu.memory_space<vmem>> -> memref<80x128xf32, #tpu.memory_space<vmem>>
      %dma_wait3A_67 = arith.constant 0 : i32
      %dma_wait3A_68 = tpu.memref_slice %arg11[%add3A_22, %dma_wait3A_67] : memref<10240x128xf32, #tpu.memory_space<vmem_shared>> -> memref<80x128xf32, #tpu.memory_space<vmem_shared>>
      %dma_wait3A_69 = arith.constant 0 : i32
      %dma_wait3A_70 = tpu.memref_slice %arg11[%add3A_22, %dma_wait3A_69] : memref<10240x128xf32, #tpu.memory_space<vmem_shared>> -> memref<80x128xf32, #tpu.memory_space<vmem_shared>>
      %dma_wait3A_71 = arith.constant 0 : i32
      %dma_wait3A_72 = arith.constant 0 : i32
      %dma_wait3A_73 = tpu.memref_slice %arg9[%dma_wait3A_71, %dma_wait3A_72] : memref<100x128xf32, #tpu.memory_space<vmem>> -> memref<80x128xf32, #tpu.memory_space<vmem>>
      tpu.wait_dma2 semaphore(%run_scoped3A : memref<!tpu.dma_semaphore, #tpu.memory_space<semaphore_mem>>) src(%dma_wait3A_73 : memref<80x128xf32, #tpu.memory_space<vmem>>) dst(%dma_wait3A_70 : memref<80x128xf32, #tpu.memory_space<vmem_shared>>)
      tpu.yield
    }) : () -> ()
    %add3A_23 = arith.constant 560 : i32
    %add3A_24 = arith.addi %mul3A_8, %add3A_23 : i32
    "tpu.region"() ({
      %run_scoped3A = tpu.sem_alloc : memref<!tpu.dma_semaphore, #tpu.memory_space<semaphore_mem>>
      %dma_start3A_54 = arith.constant 0 : i32
      %dma_start3A_55 = arith.constant 0 : i32
      %dma_start3A_56 = tpu.memref_slice %arg9[%dma_start3A_54, %dma_start3A_55] : memref<100x128xf32, #tpu.memory_space<vmem>> -> memref<80x128xf32, #tpu.memory_space<vmem>>
      %dma_start3A_57 = arith.constant 0 : i32
      %dma_start3A_58 = tpu.memref_slice %arg11[%add3A_24, %dma_start3A_57] : memref<10240x128xf32, #tpu.memory_space<vmem_shared>> -> memref<80x128xf32, #tpu.memory_space<vmem_shared>>
      %dma_start3A_59 = arith.constant 0 : i32
      %dma_start3A_60 = tpu.memref_slice %arg11[%add3A_24, %dma_start3A_59] : memref<10240x128xf32, #tpu.memory_space<vmem_shared>> -> memref<80x128xf32, #tpu.memory_space<vmem_shared>>
      %dma_start3A_61 = arith.constant 0 : i32
      %dma_start3A_62 = arith.constant 0 : i32
      %dma_start3A_63 = tpu.memref_slice %arg9[%dma_start3A_61, %dma_start3A_62] : memref<100x128xf32, #tpu.memory_space<vmem>> -> memref<80x128xf32, #tpu.memory_space<vmem>>
      tpu.enqueue_dma source(%dma_start3A_63 : memref<80x128xf32, #tpu.memory_space<vmem>>) target(%dma_start3A_60 : memref<80x128xf32, #tpu.memory_space<vmem_shared>>) target_semaphore(%run_scoped3A : memref<!tpu.dma_semaphore, #tpu.memory_space<semaphore_mem>>)
      %dma_wait3A_64 = arith.constant 0 : i32
      %dma_wait3A_65 = arith.constant 0 : i32
      %dma_wait3A_66 = tpu.memref_slice %arg9[%dma_wait3A_64, %dma_wait3A_65] : memref<100x128xf32, #tpu.memory_space<vmem>> -> memref<80x128xf32, #tpu.memory_space<vmem>>
      %dma_wait3A_67 = arith.constant 0 : i32
      %dma_wait3A_68 = tpu.memref_slice %arg11[%add3A_24, %dma_wait3A_67] : memref<10240x128xf32, #tpu.memory_space<vmem_shared>> -> memref<80x128xf32, #tpu.memory_space<vmem_shared>>
      %dma_wait3A_69 = arith.constant 0 : i32
      %dma_wait3A_70 = tpu.memref_slice %arg11[%add3A_24, %dma_wait3A_69] : memref<10240x128xf32, #tpu.memory_space<vmem_shared>> -> memref<80x128xf32, #tpu.memory_space<vmem_shared>>
      %dma_wait3A_71 = arith.constant 0 : i32
      %dma_wait3A_72 = arith.constant 0 : i32
      %dma_wait3A_73 = tpu.memref_slice %arg9[%dma_wait3A_71, %dma_wait3A_72] : memref<100x128xf32, #tpu.memory_space<vmem>> -> memref<80x128xf32, #tpu.memory_space<vmem>>
      tpu.wait_dma2 semaphore(%run_scoped3A : memref<!tpu.dma_semaphore, #tpu.memory_space<semaphore_mem>>) src(%dma_wait3A_73 : memref<80x128xf32, #tpu.memory_space<vmem>>) dst(%dma_wait3A_70 : memref<80x128xf32, #tpu.memory_space<vmem_shared>>)
      tpu.yield
    }) : () -> ()
    %barrier3A = arith.constant 0 : index
    tpu.barrier barrier_id(%barrier3A)
    %dma_start3A = arith.constant 0 : i32
    %dma_start3A_25 = arith.constant 0 : i32
    %dma_start3A_26 = tpu.memref_slice %arg3[%add3A, %dma_start3A, %dma_start3A_25] : memref<32x100x100xi32, #tpu.memory_space<hbm>> -> memref<1x1x100xi32, #tpu.memory_space<hbm>>
    %dma_start3A_27 = tpu.memref_squeeze %dma_start3A_26 : memref<1x1x100xi32, #tpu.memory_space<hbm>> -> memref<100xi32, #tpu.memory_space<hbm>>
    %dma_start3A_28 = arith.constant 0 : i32
    %dma_start3A_29 = tpu.memref_slice %arg3[%add3A, %dma_start3A, %dma_start3A_28] : memref<32x100x100xi32, #tpu.memory_space<hbm>> -> memref<1x1x100xi32, #tpu.memory_space<hbm>>
    %dma_start3A_30 = tpu.memref_squeeze %dma_start3A_29 : memref<1x1x100xi32, #tpu.memory_space<hbm>> -> memref<100xi32, #tpu.memory_space<hbm>>
    tpu.enqueue_dma source(%dma_start3A_30 : memref<100xi32, #tpu.memory_space<hbm>>) target(%arg7 : memref<100xi32, #tpu.memory_space<vmem>>) target_semaphore(%arg12 : memref<!tpu.dma_semaphore, #tpu.memory_space<semaphore_mem>>)
    %dma_start3A_31 = arith.constant 1 : i32
    %dma_start3A_32 = arith.constant 0 : i32
    %dma_start3A_33 = tpu.memref_slice %arg3[%add3A, %dma_start3A_31, %dma_start3A_32] : memref<32x100x100xi32, #tpu.memory_space<hbm>> -> memref<1x1x100xi32, #tpu.memory_space<hbm>>
    %dma_start3A_34 = tpu.memref_squeeze %dma_start3A_33 : memref<1x1x100xi32, #tpu.memory_space<hbm>> -> memref<100xi32, #tpu.memory_space<hbm>>
    %dma_start3A_35 = arith.constant 0 : i32
    %dma_start3A_36 = tpu.memref_slice %arg3[%add3A, %dma_start3A_31, %dma_start3A_35] : memref<32x100x100xi32, #tpu.memory_space<hbm>> -> memref<1x1x100xi32, #tpu.memory_space<hbm>>
    %dma_start3A_37 = tpu.memref_squeeze %dma_start3A_36 : memref<1x1x100xi32, #tpu.memory_space<hbm>> -> memref<100xi32, #tpu.memory_space<hbm>>
    tpu.enqueue_dma source(%dma_start3A_37 : memref<100xi32, #tpu.memory_space<hbm>>) target(%arg8 : memref<100xi32, #tpu.memory_space<vmem>>) target_semaphore(%arg13 : memref<!tpu.dma_semaphore, #tpu.memory_space<semaphore_mem>>)
    %dma_wait3A = arith.constant 0 : i32
    %dma_wait3A_38 = arith.constant 0 : i32
    %dma_wait3A_39 = tpu.memref_slice %arg3[%add3A, %dma_wait3A, %dma_wait3A_38] : memref<32x100x100xi32, #tpu.memory_space<hbm>> -> memref<1x1x100xi32, #tpu.memory_space<hbm>>
    %dma_wait3A_40 = tpu.memref_squeeze %dma_wait3A_39 : memref<1x1x100xi32, #tpu.memory_space<hbm>> -> memref<100xi32, #tpu.memory_space<hbm>>
    %dma_wait3A_41 = arith.constant 0 : i32
    %dma_wait3A_42 = tpu.memref_slice %arg3[%add3A, %dma_wait3A, %dma_wait3A_41] : memref<32x100x100xi32, #tpu.memory_space<hbm>> -> memref<1x1x100xi32, #tpu.memory_space<hbm>>
    %dma_wait3A_43 = tpu.memref_squeeze %dma_wait3A_42 : memref<1x1x100xi32, #tpu.memory_space<hbm>> -> memref<100xi32, #tpu.memory_space<hbm>>
    tpu.wait_dma2 semaphore(%arg12 : memref<!tpu.dma_semaphore, #tpu.memory_space<semaphore_mem>>) src(%dma_wait3A_43 : memref<100xi32, #tpu.memory_space<hbm>>) dst(%arg7 : memref<100xi32, #tpu.memory_space<vmem>>)
    %dma_start3A_44 = arith.constant 0 : i32
    %dma_start3A_45 = arith.constant 0 : i32
    %dma_start3A_46 = tpu.memref_slice %arg2[%dma_start3A_44, %dma_start3A_45] : memref<10240x128xf32, #tpu.memory_space<hbm>> -> memref<10240x128xf32, #tpu.memory_space<hbm>>
    tpu.enqueue_indirect_dma source(%dma_start3A_46 : memref<10240x128xf32, #tpu.memory_space<hbm>>) target(%arg9 : memref<100x128xf32, #tpu.memory_space<vmem>>) offsets(%arg7 : memref<100xi32, #tpu.memory_space<vmem>>) semaphore(%arg14 : memref<!tpu.dma_semaphore, #tpu.memory_space<semaphore_mem>>)
    %scan3A_47 = arith.constant 0 : i32
    %scan3A_48 = arith.constant 0 : i32
    %scan3A_49 = arith.constant 50 : i32
    %scan3A_50 = arith.addi %scan3A_48, %scan3A_49 : i32
    %scan3A_51 = arith.constant 1 : i32
    scf.for %scan3A_54 = %scan3A_48 to %scan3A_50 step %scan3A_51  : i32 {
      %mul3A_55 = arith.constant 2 : i32
      %mul3A_56 = arith.muli %mul3A_55, %scan3A_54 : i32
      %add3A_57 = arith.constant 1 : i32
      %add3A_58 = arith.addi %mul3A_56, %add3A_57 : i32
      %lt3A = arith.constant 100 : i32
      %lt3A_59 = arith.cmpi slt, %add3A_58, %lt3A : i32
      %convert_element_type3A = arith.extui %lt3A_59 : i1 to i32
      %cond3A = arith.constant 0 : i32
      %cond3A_60 = arith.cmpi ne, %convert_element_type3A, %cond3A : i32
      scf.if %cond3A_60 {
        %add3A_90 = arith.constant 1 : i32
        %add3A_91 = arith.addi %mul3A_56, %add3A_90 : i32
        %dma_wait3A_92 = arith.constant 0 : i32
        %dma_wait3A_93 = tpu.memref_slice %arg3[%add3A, %add3A_91, %dma_wait3A_92] : memref<32x100x100xi32, #tpu.memory_space<hbm>> -> memref<1x1x100xi32, #tpu.memory_space<hbm>>
        %dma_wait3A_94 = tpu.memref_squeeze %dma_wait3A_93 : memref<1x1x100xi32, #tpu.memory_space<hbm>> -> memref<100xi32, #tpu.memory_space<hbm>>
        %dma_wait3A_95 = arith.constant 0 : i32
        %dma_wait3A_96 = tpu.memref_slice %arg3[%add3A, %add3A_91, %dma_wait3A_95] : memref<32x100x100xi32, #tpu.memory_space<hbm>> -> memref<1x1x100xi32, #tpu.memory_space<hbm>>
        %dma_wait3A_97 = tpu.memref_squeeze %dma_wait3A_96 : memref<1x1x100xi32, #tpu.memory_space<hbm>> -> memref<100xi32, #tpu.memory_space<hbm>>
        tpu.wait_dma2 semaphore(%arg13 : memref<!tpu.dma_semaphore, #tpu.memory_space<semaphore_mem>>) src(%dma_wait3A_97 : memref<100xi32, #tpu.memory_space<hbm>>) dst(%arg8 : memref<100xi32, #tpu.memory_space<vmem>>)
        %dma_start3A_98 = arith.constant 0 : i32
        %dma_start3A_99 = arith.constant 0 : i32
        %dma_start3A_100 = tpu.memref_slice %arg2[%dma_start3A_98, %dma_start3A_99] : memref<10240x128xf32, #tpu.memory_space<hbm>> -> memref<10240x128xf32, #tpu.memory_space<hbm>>
        tpu.enqueue_indirect_dma source(%dma_start3A_100 : memref<10240x128xf32, #tpu.memory_space<hbm>>) target(%arg10 : memref<100x128xf32, #tpu.memory_space<vmem>>) offsets(%arg8 : memref<100xi32, #tpu.memory_space<vmem>>) semaphore(%arg15 : memref<!tpu.dma_semaphore, #tpu.memory_space<semaphore_mem>>)
      } else {
      }
      %dma_wait3A_61 = arith.constant 0 : i32
      %dma_wait3A_62 = arith.constant 0 : i32
      %dma_wait3A_63 = tpu.memref_slice %arg2[%dma_wait3A_61, %dma_wait3A_62] : memref<10240x128xf32, #tpu.memory_space<hbm>> -> memref<10240x128xf32, #tpu.memory_space<hbm>>
      tpu.wait_indirect_dma semaphore(%arg14 : memref<!tpu.dma_semaphore, #tpu.memory_space<semaphore_mem>>) src(%dma_wait3A_63 : memref<10240x128xf32, #tpu.memory_space<hbm>>) dst(%arg9 : memref<100x128xf32, #tpu.memory_space<vmem>>)
      "tpu.region"() ({
        %run_scoped3A = tpu.sem_alloc : memref<!tpu.dma_semaphore, #tpu.memory_space<semaphore_mem>>
        %dma_start3A_90 = arith.constant 0 : i32
        %dma_start3A_91 = tpu.memref_slice %arg6[%mul3A_56, %dma_start3A_90] : memref<100x100xi32, #tpu.memory_space<vmem>> -> memref<1x100xi32, #tpu.memory_space<vmem>>
        %dma_start3A_92 = tpu.memref_squeeze %dma_start3A_91 : memref<1x100xi32, #tpu.memory_space<vmem>> -> memref<100xi32, #tpu.memory_space<vmem>>
        %dma_start3A_93 = arith.constant 0 : i32
        %dma_start3A_94 = arith.constant 0 : i32
        %dma_start3A_95 = tpu.memref_slice %arg11[%dma_start3A_93, %dma_start3A_94] : memref<10240x128xf32, #tpu.memory_space<vmem_shared>> -> memref<10240x128xf32, #tpu.memory_space<vmem_shared>>
        tpu.enqueue_indirect_dma source(%arg9 : memref<100x128xf32, #tpu.memory_space<vmem>>) target(%dma_start3A_95 : memref<10240x128xf32, #tpu.memory_space<vmem_shared>>) offsets(%dma_start3A_92 : memref<100xi32, #tpu.memory_space<vmem>>) semaphore(%run_scoped3A : memref<!tpu.dma_semaphore, #tpu.memory_space<semaphore_mem>>) {add = true}
        %dma_wait3A_96 = arith.constant 0 : i32
        %dma_wait3A_97 = tpu.memref_slice %arg6[%mul3A_56, %dma_wait3A_96] : memref<100x100xi32, #tpu.memory_space<vmem>> -> memref<1x100xi32, #tpu.memory_space<vmem>>
        %dma_wait3A_98 = tpu.memref_squeeze %dma_wait3A_97 : memref<1x100xi32, #tpu.memory_space<vmem>> -> memref<100xi32, #tpu.memory_space<vmem>>
        %dma_wait3A_99 = arith.constant 0 : i32
        %dma_wait3A_100 = arith.constant 0 : i32
        %dma_wait3A_101 = tpu.memref_slice %arg11[%dma_wait3A_99, %dma_wait3A_100] : memref<10240x128xf32, #tpu.memory_space<vmem_shared>> -> memref<10240x128xf32, #tpu.memory_space<vmem_shared>>
        tpu.wait_indirect_dma semaphore(%run_scoped3A : memref<!tpu.dma_semaphore, #tpu.memory_space<semaphore_mem>>) src(%arg9 : memref<100x128xf32, #tpu.memory_space<vmem>>) dst(%dma_wait3A_101 : memref<10240x128xf32, #tpu.memory_space<vmem_shared>>)
        tpu.yield
      }) : () -> ()
      %add3A_64 = arith.constant 2 : i32
      %add3A_65 = arith.addi %mul3A_56, %add3A_64 : i32
      %lt3A_66 = arith.constant 100 : i32
      %lt3A_67 = arith.cmpi slt, %add3A_65, %lt3A_66 : i32
      %convert_element_type3A_68 = arith.extui %lt3A_67 : i1 to i32
      %cond3A_69 = arith.constant 0 : i32
      %cond3A_70 = arith.cmpi ne, %convert_element_type3A_68, %cond3A_69 : i32
      scf.if %cond3A_70 {
        %add3A_90 = arith.constant 2 : i32
        %add3A_91 = arith.addi %mul3A_56, %add3A_90 : i32
        %dma_start3A_92 = arith.constant 0 : i32
        %dma_start3A_93 = tpu.memref_slice %arg3[%add3A, %add3A_91, %dma_start3A_92] : memref<32x100x100xi32, #tpu.memory_space<hbm>> -> memref<1x1x100xi32, #tpu.memory_space<hbm>>
        %dma_start3A_94 = tpu.memref_squeeze %dma_start3A_93 : memref<1x1x100xi32, #tpu.memory_space<hbm>> -> memref<100xi32, #tpu.memory_space<hbm>>
        %dma_start3A_95 = arith.constant 0 : i32
        %dma_start3A_96 = tpu.memref_slice %arg3[%add3A, %add3A_91, %dma_start3A_95] : memref<32x100x100xi32, #tpu.memory_space<hbm>> -> memref<1x1x100xi32, #tpu.memory_space<hbm>>
        %dma_start3A_97 = tpu.memref_squeeze %dma_start3A_96 : memref<1x1x100xi32, #tpu.memory_space<hbm>> -> memref<100xi32, #tpu.memory_space<hbm>>
        tpu.enqueue_dma source(%dma_start3A_97 : memref<100xi32, #tpu.memory_space<hbm>>) target(%arg7 : memref<100xi32, #tpu.memory_space<vmem>>) target_semaphore(%arg12 : memref<!tpu.dma_semaphore, #tpu.memory_space<semaphore_mem>>)
      } else {
      }
      %add3A_71 = arith.constant 1 : i32
      %add3A_72 = arith.addi %mul3A_56, %add3A_71 : i32
      %add3A_73 = arith.constant 1 : i32
      %add3A_74 = arith.addi %add3A_72, %add3A_73 : i32
      %lt3A_75 = arith.constant 100 : i32
      %lt3A_76 = arith.cmpi slt, %add3A_74, %lt3A_75 : i32
      %convert_element_type3A_77 = arith.extui %lt3A_76 : i1 to i32
      %cond3A_78 = arith.constant 0 : i32
      %cond3A_79 = arith.cmpi ne, %convert_element_type3A_77, %cond3A_78 : i32
      scf.if %cond3A_79 {
        %add3A_90 = arith.constant 1 : i32
        %add3A_91 = arith.addi %add3A_72, %add3A_90 : i32
        %dma_wait3A_92 = arith.constant 0 : i32
        %dma_wait3A_93 = tpu.memref_slice %arg3[%add3A, %add3A_91, %dma_wait3A_92] : memref<32x100x100xi32, #tpu.memory_space<hbm>> -> memref<1x1x100xi32, #tpu.memory_space<hbm>>
        %dma_wait3A_94 = tpu.memref_squeeze %dma_wait3A_93 : memref<1x1x100xi32, #tpu.memory_space<hbm>> -> memref<100xi32, #tpu.memory_space<hbm>>
        %dma_wait3A_95 = arith.constant 0 : i32
        %dma_wait3A_96 = tpu.memref_slice %arg3[%add3A, %add3A_91, %dma_wait3A_95] : memref<32x100x100xi32, #tpu.memory_space<hbm>> -> memref<1x1x100xi32, #tpu.memory_space<hbm>>
        %dma_wait3A_97 = tpu.memref_squeeze %dma_wait3A_96 : memref<1x1x100xi32, #tpu.memory_space<hbm>> -> memref<100xi32, #tpu.memory_space<hbm>>
        tpu.wait_dma2 semaphore(%arg12 : memref<!tpu.dma_semaphore, #tpu.memory_space<semaphore_mem>>) src(%dma_wait3A_97 : memref<100xi32, #tpu.memory_space<hbm>>) dst(%arg7 : memref<100xi32, #tpu.memory_space<vmem>>)
        %dma_start3A_98 = arith.constant 0 : i32
        %dma_start3A_99 = arith.constant 0 : i32
        %dma_start3A_100 = tpu.memref_slice %arg2[%dma_start3A_98, %dma_start3A_99] : memref<10240x128xf32, #tpu.memory_space<hbm>> -> memref<10240x128xf32, #tpu.memory_space<hbm>>
        tpu.enqueue_indirect_dma source(%dma_start3A_100 : memref<10240x128xf32, #tpu.memory_space<hbm>>) target(%arg9 : memref<100x128xf32, #tpu.memory_space<vmem>>) offsets(%arg7 : memref<100xi32, #tpu.memory_space<vmem>>) semaphore(%arg14 : memref<!tpu.dma_semaphore, #tpu.memory_space<semaphore_mem>>)
      } else {
      }
      %dma_wait3A_80 = arith.constant 0 : i32
      %dma_wait3A_81 = arith.constant 0 : i32
      %dma_wait3A_82 = tpu.memref_slice %arg2[%dma_wait3A_80, %dma_wait3A_81] : memref<10240x128xf32, #tpu.memory_space<hbm>> -> memref<10240x128xf32, #tpu.memory_space<hbm>>
      tpu.wait_indirect_dma semaphore(%arg15 : memref<!tpu.dma_semaphore, #tpu.memory_space<semaphore_mem>>) src(%dma_wait3A_82 : memref<10240x128xf32, #tpu.memory_space<hbm>>) dst(%arg10 : memref<100x128xf32, #tpu.memory_space<vmem>>)
      "tpu.region"() ({
        %run_scoped3A = tpu.sem_alloc : memref<!tpu.dma_semaphore, #tpu.memory_space<semaphore_mem>>
        %dma_start3A_90 = arith.constant 0 : i32
        %dma_start3A_91 = tpu.memref_slice %arg6[%add3A_72, %dma_start3A_90] : memref<100x100xi32, #tpu.memory_space<vmem>> -> memref<1x100xi32, #tpu.memory_space<vmem>>
        %dma_start3A_92 = tpu.memref_squeeze %dma_start3A_91 : memref<1x100xi32, #tpu.memory_space<vmem>> -> memref<100xi32, #tpu.memory_space<vmem>>
        %dma_start3A_93 = arith.constant 0 : i32
        %dma_start3A_94 = arith.constant 0 : i32
        %dma_start3A_95 = tpu.memref_slice %arg11[%dma_start3A_93, %dma_start3A_94] : memref<10240x128xf32, #tpu.memory_space<vmem_shared>> -> memref<10240x128xf32, #tpu.memory_space<vmem_shared>>
        tpu.enqueue_indirect_dma source(%arg10 : memref<100x128xf32, #tpu.memory_space<vmem>>) target(%dma_start3A_95 : memref<10240x128xf32, #tpu.memory_space<vmem_shared>>) offsets(%dma_start3A_92 : memref<100xi32, #tpu.memory_space<vmem>>) semaphore(%run_scoped3A : memref<!tpu.dma_semaphore, #tpu.memory_space<semaphore_mem>>) {add = true}
        %dma_wait3A_96 = arith.constant 0 : i32
        %dma_wait3A_97 = tpu.memref_slice %arg6[%add3A_72, %dma_wait3A_96] : memref<100x100xi32, #tpu.memory_space<vmem>> -> memref<1x100xi32, #tpu.memory_space<vmem>>
        %dma_wait3A_98 = tpu.memref_squeeze %dma_wait3A_97 : memref<1x100xi32, #tpu.memory_space<vmem>> -> memref<100xi32, #tpu.memory_space<vmem>>
        %dma_wait3A_99 = arith.constant 0 : i32
        %dma_wait3A_100 = arith.constant 0 : i32
        %dma_wait3A_101 = tpu.memref_slice %arg11[%dma_wait3A_99, %dma_wait3A_100] : memref<10240x128xf32, #tpu.memory_space<vmem_shared>> -> memref<10240x128xf32, #tpu.memory_space<vmem_shared>>
        tpu.wait_indirect_dma semaphore(%run_scoped3A : memref<!tpu.dma_semaphore, #tpu.memory_space<semaphore_mem>>) src(%arg10 : memref<100x128xf32, #tpu.memory_space<vmem>>) dst(%dma_wait3A_101 : memref<10240x128xf32, #tpu.memory_space<vmem_shared>>)
        tpu.yield
      }) : () -> ()
      %add3A_83 = arith.constant 2 : i32
      %add3A_84 = arith.addi %add3A_72, %add3A_83 : i32
      %lt3A_85 = arith.constant 100 : i32
      %lt3A_86 = arith.cmpi slt, %add3A_84, %lt3A_85 : i32
      %convert_element_type3A_87 = arith.extui %lt3A_86 : i1 to i32
      %cond3A_88 = arith.constant 0 : i32
      %cond3A_89 = arith.cmpi ne, %convert_element_type3A_87, %cond3A_88 : i32
      scf.if %cond3A_89 {
        %add3A_90 = arith.constant 2 : i32
        %add3A_91 = arith.addi %add3A_72, %add3A_90 : i32
        %dma_start3A_92 = arith.constant 0 : i32
        %dma_start3A_93 = tpu.memref_slice %arg3[%add3A, %add3A_91, %dma_start3A_92] : memref<32x100x100xi32, #tpu.memory_space<hbm>> -> memref<1x1x100xi32, #tpu.memory_space<hbm>>
        %dma_start3A_94 = tpu.memref_squeeze %dma_start3A_93 : memref<1x1x100xi32, #tpu.memory_space<hbm>> -> memref<100xi32, #tpu.memory_space<hbm>>
        %dma_start3A_95 = arith.constant 0 : i32
        %dma_start3A_96 = tpu.memref_slice %arg3[%add3A, %add3A_91, %dma_start3A_95] : memref<32x100x100xi32, #tpu.memory_space<hbm>> -> memref<1x1x100xi32, #tpu.memory_space<hbm>>
        %dma_start3A_97 = tpu.memref_squeeze %dma_start3A_96 : memref<1x1x100xi32, #tpu.memory_space<hbm>> -> memref<100xi32, #tpu.memory_space<hbm>>
        tpu.enqueue_dma source(%dma_start3A_97 : memref<100xi32, #tpu.memory_space<hbm>>) target(%arg8 : memref<100xi32, #tpu.memory_space<vmem>>) target_semaphore(%arg13 : memref<!tpu.dma_semaphore, #tpu.memory_space<semaphore_mem>>)
      } else {
      }
    }
    %scan3A_52 = arith.constant 50 : i32
    %barrier3A_53 = arith.constant 0 : index
    tpu.barrier barrier_id(%barrier3A_53)
    "tpu.region"() ({
      %run_scoped3A = tpu.sem_alloc : memref<!tpu.dma_semaphore, #tpu.memory_space<semaphore_mem>>
      %dma_start3A_54 = arith.constant 0 : i32
      %dma_start3A_55 = tpu.memref_slice %arg5[%arg0, %mul3A_8, %dma_start3A_54] : memref<2x10240x128xf32, #tpu.memory_space<hbm>> -> memref<1x640x128xf32, #tpu.memory_space<hbm>>
      %dma_start3A_56 = tpu.memref_squeeze %dma_start3A_55 : memref<1x640x128xf32, #tpu.memory_space<hbm>> -> memref<640x128xf32, #tpu.memory_space<hbm>>
      %dma_start3A_57 = arith.constant 0 : i32
      %dma_start3A_58 = tpu.memref_slice %arg11[%mul3A_8, %dma_start3A_57] : memref<10240x128xf32, #tpu.memory_space<vmem_shared>> -> memref<640x128xf32, #tpu.memory_space<vmem_shared>>
      tpu.enqueue_dma source(%dma_start3A_58 : memref<640x128xf32, #tpu.memory_space<vmem_shared>>) target(%dma_start3A_56 : memref<640x128xf32, #tpu.memory_space<hbm>>) target_semaphore(%run_scoped3A : memref<!tpu.dma_semaphore, #tpu.memory_space<semaphore_mem>>)
      %dma_wait3A_59 = arith.constant 0 : i32
      %dma_wait3A_60 = tpu.memref_slice %arg5[%arg0, %mul3A_8, %dma_wait3A_59] : memref<2x10240x128xf32, #tpu.memory_space<hbm>> -> memref<1x640x128xf32, #tpu.memory_space<hbm>>
      %dma_wait3A_61 = tpu.memref_squeeze %dma_wait3A_60 : memref<1x640x128xf32, #tpu.memory_space<hbm>> -> memref<640x128xf32, #tpu.memory_space<hbm>>
      %dma_wait3A_62 = arith.constant 0 : i32
      %dma_wait3A_63 = tpu.memref_slice %arg11[%mul3A_8, %dma_wait3A_62] : memref<10240x128xf32, #tpu.memory_space<vmem_shared>> -> memref<640x128xf32, #tpu.memory_space<vmem_shared>>
      tpu.wait_dma2 semaphore(%run_scoped3A : memref<!tpu.dma_semaphore, #tpu.memory_space<semaphore_mem>>) src(%dma_wait3A_63 : memref<640x128xf32, #tpu.memory_space<vmem_shared>>) dst(%dma_wait3A_61 : memref<640x128xf32, #tpu.memory_space<hbm>>)
      tpu.yield
    }) : () -> ()
    return
  }
}

#map = affine_map<(d0, d1) -> (0, 0)>
#map1 = affine_map<(d0, d1) -> (0, 0, 0)>
module attributes {stable_mosaic.version = 14 : i64} {
  func.func @body(%arg0: i32, %arg1: i32, %arg2: memref<10240x128xf32, #tpu.memory_space<hbm>>, %arg3: memref<32x100x100xi32, #tpu.memory_space<hbm>>, %arg4: memref<32x100x100xi32, #tpu.memory_space<hbm>>, %arg5: memref<2x10240x128xf32, #tpu.memory_space<hbm>>, %arg6: memref<2x10240xf32, #tpu.memory_space<hbm>>, %arg7: memref<100x100xi32, #tpu.memory_space<vmem>>, %arg8: memref<100xi32, #tpu.memory_space<vmem>>, %arg9: memref<100xi32, #tpu.memory_space<vmem>>, %arg10: memref<100x128xf32, #tpu.memory_space<vmem>>, %arg11: memref<100x128xf32, #tpu.memory_space<vmem>>, %arg12: memref<10240x128xf32, #tpu.memory_space<vmem_shared>>, %arg13: memref<!tpu.dma_semaphore, #tpu.memory_space<semaphore_mem>>, %arg14: memref<!tpu.dma_semaphore, #tpu.memory_space<semaphore_mem>>, %arg15: memref<!tpu.dma_semaphore, #tpu.memory_space<semaphore_mem>>, %arg16: memref<!tpu.dma_semaphore, #tpu.memory_space<semaphore_mem>>, %arg17: memref<128xf32, #tpu.memory_space<vmem>>, %arg18: memref<128xf32, #tpu.memory_space<vmem>>, %arg19: memref<10240xf32, #tpu.memory_space<vmem_shared>>) attributes {dimension_semantics = [#tpu.dimension_semantics<core_parallel>, #tpu.dimension_semantics<subcore_parallel>], iteration_bounds = array<i64: 2, 16>, scalar_prefetch = 0 : i64, scratch_operands = 13 : i64, tpu.core_type = #tpu.core_type<sc_vector_subcore>, window_params = [{transform_indices = #map}, {transform_indices = #map1}, {transform_indices = #map1}, {transform_indices = #map1}, {transform_indices = #map}]} {
    %mul3A = arith.constant 16 : i32
    %mul3A_0 = arith.muli %arg0, %mul3A : i32
    %add3A = arith.addi %mul3A_0, %arg1 : i32
    "tpu.region"() ({
      %run_scoped3A = tpu.sem_alloc : memref<!tpu.dma_semaphore, #tpu.memory_space<semaphore_mem>>
      %dma_start3A_149 = arith.constant 0 : i32
      %dma_start3A_150 = arith.constant 0 : i32
      %dma_start3A_151 = tpu.memref_slice %arg4[%add3A, %dma_start3A_149, %dma_start3A_150] : memref<32x100x100xi32, #tpu.memory_space<hbm>> -> memref<1x100x100xi32, #tpu.memory_space<hbm>>
      %dma_start3A_152 = tpu.memref_squeeze %dma_start3A_151 : memref<1x100x100xi32, #tpu.memory_space<hbm>> -> memref<100x100xi32, #tpu.memory_space<hbm>>
      %dma_start3A_153 = arith.constant 0 : i32
      %dma_start3A_154 = arith.constant 0 : i32
      %dma_start3A_155 = tpu.memref_slice %arg4[%add3A, %dma_start3A_153, %dma_start3A_154] : memref<32x100x100xi32, #tpu.memory_space<hbm>> -> memref<1x100x100xi32, #tpu.memory_space<hbm>>
      %dma_start3A_156 = tpu.memref_squeeze %dma_start3A_155 : memref<1x100x100xi32, #tpu.memory_space<hbm>> -> memref<100x100xi32, #tpu.memory_space<hbm>>
      tpu.enqueue_dma source(%dma_start3A_156 : memref<100x100xi32, #tpu.memory_space<hbm>>) target(%arg7 : memref<100x100xi32, #tpu.memory_space<vmem>>) target_semaphore(%run_scoped3A : memref<!tpu.dma_semaphore, #tpu.memory_space<semaphore_mem>>)
      %dma_wait3A_157 = arith.constant 0 : i32
      %dma_wait3A_158 = arith.constant 0 : i32
      %dma_wait3A_159 = tpu.memref_slice %arg4[%add3A, %dma_wait3A_157, %dma_wait3A_158] : memref<32x100x100xi32, #tpu.memory_space<hbm>> -> memref<1x100x100xi32, #tpu.memory_space<hbm>>
      %dma_wait3A_160 = tpu.memref_squeeze %dma_wait3A_159 : memref<1x100x100xi32, #tpu.memory_space<hbm>> -> memref<100x100xi32, #tpu.memory_space<hbm>>
      %dma_wait3A_161 = arith.constant 0 : i32
      %dma_wait3A_162 = arith.constant 0 : i32
      %dma_wait3A_163 = tpu.memref_slice %arg4[%add3A, %dma_wait3A_161, %dma_wait3A_162] : memref<32x100x100xi32, #tpu.memory_space<hbm>> -> memref<1x100x100xi32, #tpu.memory_space<hbm>>
      %dma_wait3A_164 = tpu.memref_squeeze %dma_wait3A_163 : memref<1x100x100xi32, #tpu.memory_space<hbm>> -> memref<100x100xi32, #tpu.memory_space<hbm>>
      tpu.wait_dma2 semaphore(%run_scoped3A : memref<!tpu.dma_semaphore, #tpu.memory_space<semaphore_mem>>) src(%dma_wait3A_164 : memref<100x100xi32, #tpu.memory_space<hbm>>) dst(%arg7 : memref<100x100xi32, #tpu.memory_space<vmem>>)
      tpu.yield
    }) : () -> ()
    %broadcast_in_dim3A = arith.constant 0.000000e+00 : f32
    %broadcast_in_dim3A_1 = vector.broadcast %broadcast_in_dim3A : f32 to vector<16xf32>
    %scan3A = arith.constant 0 : i32
    %scan3A_2 = arith.constant 0 : i32
    %scan3A_3 = arith.constant 80 : i32
    %scan3A_4 = arith.addi %scan3A_2, %scan3A_3 : i32
    %scan3A_5 = arith.constant 1 : i32
    scf.for %scan3A_149 = %scan3A_2 to %scan3A_4 step %scan3A_5  : i32 {
      %swap3A_150 = arith.index_cast %scan3A_149 : i32 to index
      %swap3A_151 = arith.constant 0 : index
      %swap3A_152 = tpu.vector_load %arg10[%swap3A_150, %swap3A_151] {strides = array<i32>} : memref<100x128xf32, #tpu.memory_space<vmem>>, vector<1x16xf32>,
      %swap3A_153 = vector.shape_cast %swap3A_152 : vector<1x16xf32> to vector<16xf32>
      %swap3A_154 = vector.shape_cast %broadcast_in_dim3A_1 : vector<16xf32> to vector<1x16xf32>
      tpu.vector_store %arg10[%swap3A_150, %swap3A_151], %swap3A_154 {strides = array<i32>} : memref<100x128xf32, #tpu.memory_space<vmem>>, vector<1x16xf32>,
      %swap3A_155 = arith.index_cast %scan3A_149 : i32 to index
      %swap3A_156 = arith.constant 16 : index
      %swap3A_157 = tpu.vector_load %arg10[%swap3A_155, %swap3A_156] {strides = array<i32>} : memref<100x128xf32, #tpu.memory_space<vmem>>, vector<1x16xf32>,
      %swap3A_158 = vector.shape_cast %swap3A_157 : vector<1x16xf32> to vector<16xf32>
      %swap3A_159 = vector.shape_cast %broadcast_in_dim3A_1 : vector<16xf32> to vector<1x16xf32>
      tpu.vector_store %arg10[%swap3A_155, %swap3A_156], %swap3A_159 {strides = array<i32>} : memref<100x128xf32, #tpu.memory_space<vmem>>, vector<1x16xf32>,
      %swap3A_160 = arith.index_cast %scan3A_149 : i32 to index
      %swap3A_161 = arith.constant 32 : index
      %swap3A_162 = tpu.vector_load %arg10[%swap3A_160, %swap3A_161] {strides = array<i32>} : memref<100x128xf32, #tpu.memory_space<vmem>>, vector<1x16xf32>,
      %swap3A_163 = vector.shape_cast %swap3A_162 : vector<1x16xf32> to vector<16xf32>
      %swap3A_164 = vector.shape_cast %broadcast_in_dim3A_1 : vector<16xf32> to vector<1x16xf32>
      tpu.vector_store %arg10[%swap3A_160, %swap3A_161], %swap3A_164 {strides = array<i32>} : memref<100x128xf32, #tpu.memory_space<vmem>>, vector<1x16xf32>,
      %swap3A_165 = arith.index_cast %scan3A_149 : i32 to index
      %swap3A_166 = arith.constant 48 : index
      %swap3A_167 = tpu.vector_load %arg10[%swap3A_165, %swap3A_166] {strides = array<i32>} : memref<100x128xf32, #tpu.memory_space<vmem>>, vector<1x16xf32>,
      %swap3A_168 = vector.shape_cast %swap3A_167 : vector<1x16xf32> to vector<16xf32>
      %swap3A_169 = vector.shape_cast %broadcast_in_dim3A_1 : vector<16xf32> to vector<1x16xf32>
      tpu.vector_store %arg10[%swap3A_165, %swap3A_166], %swap3A_169 {strides = array<i32>} : memref<100x128xf32, #tpu.memory_space<vmem>>, vector<1x16xf32>,
      %swap3A_170 = arith.index_cast %scan3A_149 : i32 to index
      %swap3A_171 = arith.constant 64 : index
      %swap3A_172 = tpu.vector_load %arg10[%swap3A_170, %swap3A_171] {strides = array<i32>} : memref<100x128xf32, #tpu.memory_space<vmem>>, vector<1x16xf32>,
      %swap3A_173 = vector.shape_cast %swap3A_172 : vector<1x16xf32> to vector<16xf32>
      %swap3A_174 = vector.shape_cast %broadcast_in_dim3A_1 : vector<16xf32> to vector<1x16xf32>
      tpu.vector_store %arg10[%swap3A_170, %swap3A_171], %swap3A_174 {strides = array<i32>} : memref<100x128xf32, #tpu.memory_space<vmem>>, vector<1x16xf32>,
      %swap3A_175 = arith.index_cast %scan3A_149 : i32 to index
      %swap3A_176 = arith.constant 80 : index
      %swap3A_177 = tpu.vector_load %arg10[%swap3A_175, %swap3A_176] {strides = array<i32>} : memref<100x128xf32, #tpu.memory_space<vmem>>, vector<1x16xf32>,
      %swap3A_178 = vector.shape_cast %swap3A_177 : vector<1x16xf32> to vector<16xf32>
      %swap3A_179 = vector.shape_cast %broadcast_in_dim3A_1 : vector<16xf32> to vector<1x16xf32>
      tpu.vector_store %arg10[%swap3A_175, %swap3A_176], %swap3A_179 {strides = array<i32>} : memref<100x128xf32, #tpu.memory_space<vmem>>, vector<1x16xf32>,
      %swap3A_180 = arith.index_cast %scan3A_149 : i32 to index
      %swap3A_181 = arith.constant 96 : index
      %swap3A_182 = tpu.vector_load %arg10[%swap3A_180, %swap3A_181] {strides = array<i32>} : memref<100x128xf32, #tpu.memory_space<vmem>>, vector<1x16xf32>,
      %swap3A_183 = vector.shape_cast %swap3A_182 : vector<1x16xf32> to vector<16xf32>
      %swap3A_184 = vector.shape_cast %broadcast_in_dim3A_1 : vector<16xf32> to vector<1x16xf32>
      tpu.vector_store %arg10[%swap3A_180, %swap3A_181], %swap3A_184 {strides = array<i32>} : memref<100x128xf32, #tpu.memory_space<vmem>>, vector<1x16xf32>,
      %swap3A_185 = arith.index_cast %scan3A_149 : i32 to index
      %swap3A_186 = arith.constant 112 : index
      %swap3A_187 = tpu.vector_load %arg10[%swap3A_185, %swap3A_186] {strides = array<i32>} : memref<100x128xf32, #tpu.memory_space<vmem>>, vector<1x16xf32>,
      %swap3A_188 = vector.shape_cast %swap3A_187 : vector<1x16xf32> to vector<16xf32>
      %swap3A_189 = vector.shape_cast %broadcast_in_dim3A_1 : vector<16xf32> to vector<1x16xf32>
      tpu.vector_store %arg10[%swap3A_185, %swap3A_186], %swap3A_189 {strides = array<i32>} : memref<100x128xf32, #tpu.memory_space<vmem>>, vector<1x16xf32>,
    }
    %scan3A_6 = arith.constant 80 : i32
    %mul3A_7 = arith.constant 640 : i32
    %mul3A_8 = arith.muli %arg1, %mul3A_7 : i32
    %add3A_9 = arith.constant 0 : i32
    %add3A_10 = arith.addi %mul3A_8, %add3A_9 : i32
    "tpu.region"() ({
      %run_scoped3A = tpu.sem_alloc : memref<!tpu.dma_semaphore, #tpu.memory_space<semaphore_mem>>
      %dma_start3A_149 = arith.constant 0 : i32
      %dma_start3A_150 = arith.constant 0 : i32
      %dma_start3A_151 = tpu.memref_slice %arg10[%dma_start3A_149, %dma_start3A_150] : memref<100x128xf32, #tpu.memory_space<vmem>> -> memref<80x128xf32, #tpu.memory_space<vmem>>
      %dma_start3A_152 = arith.constant 0 : i32
      %dma_start3A_153 = tpu.memref_slice %arg12[%add3A_10, %dma_start3A_152] : memref<10240x128xf32, #tpu.memory_space<vmem_shared>> -> memref<80x128xf32, #tpu.memory_space<vmem_shared>>
      %dma_start3A_154 = arith.constant 0 : i32
      %dma_start3A_155 = tpu.memref_slice %arg12[%add3A_10, %dma_start3A_154] : memref<10240x128xf32, #tpu.memory_space<vmem_shared>> -> memref<80x128xf32, #tpu.memory_space<vmem_shared>>
      %dma_start3A_156 = arith.constant 0 : i32
      %dma_start3A_157 = arith.constant 0 : i32
      %dma_start3A_158 = tpu.memref_slice %arg10[%dma_start3A_156, %dma_start3A_157] : memref<100x128xf32, #tpu.memory_space<vmem>> -> memref<80x128xf32, #tpu.memory_space<vmem>>
      tpu.enqueue_dma source(%dma_start3A_158 : memref<80x128xf32, #tpu.memory_space<vmem>>) target(%dma_start3A_155 : memref<80x128xf32, #tpu.memory_space<vmem_shared>>) target_semaphore(%run_scoped3A : memref<!tpu.dma_semaphore, #tpu.memory_space<semaphore_mem>>)
      %dma_wait3A_159 = arith.constant 0 : i32
      %dma_wait3A_160 = arith.constant 0 : i32
      %dma_wait3A_161 = tpu.memref_slice %arg10[%dma_wait3A_159, %dma_wait3A_160] : memref<100x128xf32, #tpu.memory_space<vmem>> -> memref<80x128xf32, #tpu.memory_space<vmem>>
      %dma_wait3A_162 = arith.constant 0 : i32
      %dma_wait3A_163 = tpu.memref_slice %arg12[%add3A_10, %dma_wait3A_162] : memref<10240x128xf32, #tpu.memory_space<vmem_shared>> -> memref<80x128xf32, #tpu.memory_space<vmem_shared>>
      %dma_wait3A_164 = arith.constant 0 : i32
      %dma_wait3A_165 = tpu.memref_slice %arg12[%add3A_10, %dma_wait3A_164] : memref<10240x128xf32, #tpu.memory_space<vmem_shared>> -> memref<80x128xf32, #tpu.memory_space<vmem_shared>>
      %dma_wait3A_166 = arith.constant 0 : i32
      %dma_wait3A_167 = arith.constant 0 : i32
      %dma_wait3A_168 = tpu.memref_slice %arg10[%dma_wait3A_166, %dma_wait3A_167] : memref<100x128xf32, #tpu.memory_space<vmem>> -> memref<80x128xf32, #tpu.memory_space<vmem>>
      tpu.wait_dma2 semaphore(%run_scoped3A : memref<!tpu.dma_semaphore, #tpu.memory_space<semaphore_mem>>) src(%dma_wait3A_168 : memref<80x128xf32, #tpu.memory_space<vmem>>) dst(%dma_wait3A_165 : memref<80x128xf32, #tpu.memory_space<vmem_shared>>)
      tpu.yield
    }) : () -> ()
    %add3A_11 = arith.constant 80 : i32
    %add3A_12 = arith.addi %mul3A_8, %add3A_11 : i32
    "tpu.region"() ({
      %run_scoped3A = tpu.sem_alloc : memref<!tpu.dma_semaphore, #tpu.memory_space<semaphore_mem>>
      %dma_start3A_149 = arith.constant 0 : i32
      %dma_start3A_150 = arith.constant 0 : i32
      %dma_start3A_151 = tpu.memref_slice %arg10[%dma_start3A_149, %dma_start3A_150] : memref<100x128xf32, #tpu.memory_space<vmem>> -> memref<80x128xf32, #tpu.memory_space<vmem>>
      %dma_start3A_152 = arith.constant 0 : i32
      %dma_start3A_153 = tpu.memref_slice %arg12[%add3A_12, %dma_start3A_152] : memref<10240x128xf32, #tpu.memory_space<vmem_shared>> -> memref<80x128xf32, #tpu.memory_space<vmem_shared>>
      %dma_start3A_154 = arith.constant 0 : i32
      %dma_start3A_155 = tpu.memref_slice %arg12[%add3A_12, %dma_start3A_154] : memref<10240x128xf32, #tpu.memory_space<vmem_shared>> -> memref<80x128xf32, #tpu.memory_space<vmem_shared>>
      %dma_start3A_156 = arith.constant 0 : i32
      %dma_start3A_157 = arith.constant 0 : i32
      %dma_start3A_158 = tpu.memref_slice %arg10[%dma_start3A_156, %dma_start3A_157] : memref<100x128xf32, #tpu.memory_space<vmem>> -> memref<80x128xf32, #tpu.memory_space<vmem>>
      tpu.enqueue_dma source(%dma_start3A_158 : memref<80x128xf32, #tpu.memory_space<vmem>>) target(%dma_start3A_155 : memref<80x128xf32, #tpu.memory_space<vmem_shared>>) target_semaphore(%run_scoped3A : memref<!tpu.dma_semaphore, #tpu.memory_space<semaphore_mem>>)
      %dma_wait3A_159 = arith.constant 0 : i32
      %dma_wait3A_160 = arith.constant 0 : i32
      %dma_wait3A_161 = tpu.memref_slice %arg10[%dma_wait3A_159, %dma_wait3A_160] : memref<100x128xf32, #tpu.memory_space<vmem>> -> memref<80x128xf32, #tpu.memory_space<vmem>>
      %dma_wait3A_162 = arith.constant 0 : i32
      %dma_wait3A_163 = tpu.memref_slice %arg12[%add3A_12, %dma_wait3A_162] : memref<10240x128xf32, #tpu.memory_space<vmem_shared>> -> memref<80x128xf32, #tpu.memory_space<vmem_shared>>
      %dma_wait3A_164 = arith.constant 0 : i32
      %dma_wait3A_165 = tpu.memref_slice %arg12[%add3A_12, %dma_wait3A_164] : memref<10240x128xf32, #tpu.memory_space<vmem_shared>> -> memref<80x128xf32, #tpu.memory_space<vmem_shared>>
      %dma_wait3A_166 = arith.constant 0 : i32
      %dma_wait3A_167 = arith.constant 0 : i32
      %dma_wait3A_168 = tpu.memref_slice %arg10[%dma_wait3A_166, %dma_wait3A_167] : memref<100x128xf32, #tpu.memory_space<vmem>> -> memref<80x128xf32, #tpu.memory_space<vmem>>
      tpu.wait_dma2 semaphore(%run_scoped3A : memref<!tpu.dma_semaphore, #tpu.memory_space<semaphore_mem>>) src(%dma_wait3A_168 : memref<80x128xf32, #tpu.memory_space<vmem>>) dst(%dma_wait3A_165 : memref<80x128xf32, #tpu.memory_space<vmem_shared>>)
      tpu.yield
    }) : () -> ()
    %add3A_13 = arith.constant 160 : i32
    %add3A_14 = arith.addi %mul3A_8, %add3A_13 : i32
    "tpu.region"() ({
      %run_scoped3A = tpu.sem_alloc : memref<!tpu.dma_semaphore, #tpu.memory_space<semaphore_mem>>
      %dma_start3A_149 = arith.constant 0 : i32
      %dma_start3A_150 = arith.constant 0 : i32
      %dma_start3A_151 = tpu.memref_slice %arg10[%dma_start3A_149, %dma_start3A_150] : memref<100x128xf32, #tpu.memory_space<vmem>> -> memref<80x128xf32, #tpu.memory_space<vmem>>
      %dma_start3A_152 = arith.constant 0 : i32
      %dma_start3A_153 = tpu.memref_slice %arg12[%add3A_14, %dma_start3A_152] : memref<10240x128xf32, #tpu.memory_space<vmem_shared>> -> memref<80x128xf32, #tpu.memory_space<vmem_shared>>
      %dma_start3A_154 = arith.constant 0 : i32
      %dma_start3A_155 = tpu.memref_slice %arg12[%add3A_14, %dma_start3A_154] : memref<10240x128xf32, #tpu.memory_space<vmem_shared>> -> memref<80x128xf32, #tpu.memory_space<vmem_shared>>
      %dma_start3A_156 = arith.constant 0 : i32
      %dma_start3A_157 = arith.constant 0 : i32
      %dma_start3A_158 = tpu.memref_slice %arg10[%dma_start3A_156, %dma_start3A_157] : memref<100x128xf32, #tpu.memory_space<vmem>> -> memref<80x128xf32, #tpu.memory_space<vmem>>
      tpu.enqueue_dma source(%dma_start3A_158 : memref<80x128xf32, #tpu.memory_space<vmem>>) target(%dma_start3A_155 : memref<80x128xf32, #tpu.memory_space<vmem_shared>>) target_semaphore(%run_scoped3A : memref<!tpu.dma_semaphore, #tpu.memory_space<semaphore_mem>>)
      %dma_wait3A_159 = arith.constant 0 : i32
      %dma_wait3A_160 = arith.constant 0 : i32
      %dma_wait3A_161 = tpu.memref_slice %arg10[%dma_wait3A_159, %dma_wait3A_160] : memref<100x128xf32, #tpu.memory_space<vmem>> -> memref<80x128xf32, #tpu.memory_space<vmem>>
      %dma_wait3A_162 = arith.constant 0 : i32
      %dma_wait3A_163 = tpu.memref_slice %arg12[%add3A_14, %dma_wait3A_162] : memref<10240x128xf32, #tpu.memory_space<vmem_shared>> -> memref<80x128xf32, #tpu.memory_space<vmem_shared>>
      %dma_wait3A_164 = arith.constant 0 : i32
      %dma_wait3A_165 = tpu.memref_slice %arg12[%add3A_14, %dma_wait3A_164] : memref<10240x128xf32, #tpu.memory_space<vmem_shared>> -> memref<80x128xf32, #tpu.memory_space<vmem_shared>>
      %dma_wait3A_166 = arith.constant 0 : i32
      %dma_wait3A_167 = arith.constant 0 : i32
      %dma_wait3A_168 = tpu.memref_slice %arg10[%dma_wait3A_166, %dma_wait3A_167] : memref<100x128xf32, #tpu.memory_space<vmem>> -> memref<80x128xf32, #tpu.memory_space<vmem>>
      tpu.wait_dma2 semaphore(%run_scoped3A : memref<!tpu.dma_semaphore, #tpu.memory_space<semaphore_mem>>) src(%dma_wait3A_168 : memref<80x128xf32, #tpu.memory_space<vmem>>) dst(%dma_wait3A_165 : memref<80x128xf32, #tpu.memory_space<vmem_shared>>)
      tpu.yield
    }) : () -> ()
    %add3A_15 = arith.constant 240 : i32
    %add3A_16 = arith.addi %mul3A_8, %add3A_15 : i32
    "tpu.region"() ({
      %run_scoped3A = tpu.sem_alloc : memref<!tpu.dma_semaphore, #tpu.memory_space<semaphore_mem>>
      %dma_start3A_149 = arith.constant 0 : i32
      %dma_start3A_150 = arith.constant 0 : i32
      %dma_start3A_151 = tpu.memref_slice %arg10[%dma_start3A_149, %dma_start3A_150] : memref<100x128xf32, #tpu.memory_space<vmem>> -> memref<80x128xf32, #tpu.memory_space<vmem>>
      %dma_start3A_152 = arith.constant 0 : i32
      %dma_start3A_153 = tpu.memref_slice %arg12[%add3A_16, %dma_start3A_152] : memref<10240x128xf32, #tpu.memory_space<vmem_shared>> -> memref<80x128xf32, #tpu.memory_space<vmem_shared>>
      %dma_start3A_154 = arith.constant 0 : i32
      %dma_start3A_155 = tpu.memref_slice %arg12[%add3A_16, %dma_start3A_154] : memref<10240x128xf32, #tpu.memory_space<vmem_shared>> -> memref<80x128xf32, #tpu.memory_space<vmem_shared>>
      %dma_start3A_156 = arith.constant 0 : i32
      %dma_start3A_157 = arith.constant 0 : i32
      %dma_start3A_158 = tpu.memref_slice %arg10[%dma_start3A_156, %dma_start3A_157] : memref<100x128xf32, #tpu.memory_space<vmem>> -> memref<80x128xf32, #tpu.memory_space<vmem>>
      tpu.enqueue_dma source(%dma_start3A_158 : memref<80x128xf32, #tpu.memory_space<vmem>>) target(%dma_start3A_155 : memref<80x128xf32, #tpu.memory_space<vmem_shared>>) target_semaphore(%run_scoped3A : memref<!tpu.dma_semaphore, #tpu.memory_space<semaphore_mem>>)
      %dma_wait3A_159 = arith.constant 0 : i32
      %dma_wait3A_160 = arith.constant 0 : i32
      %dma_wait3A_161 = tpu.memref_slice %arg10[%dma_wait3A_159, %dma_wait3A_160] : memref<100x128xf32, #tpu.memory_space<vmem>> -> memref<80x128xf32, #tpu.memory_space<vmem>>
      %dma_wait3A_162 = arith.constant 0 : i32
      %dma_wait3A_163 = tpu.memref_slice %arg12[%add3A_16, %dma_wait3A_162] : memref<10240x128xf32, #tpu.memory_space<vmem_shared>> -> memref<80x128xf32, #tpu.memory_space<vmem_shared>>
      %dma_wait3A_164 = arith.constant 0 : i32
      %dma_wait3A_165 = tpu.memref_slice %arg12[%add3A_16, %dma_wait3A_164] : memref<10240x128xf32, #tpu.memory_space<vmem_shared>> -> memref<80x128xf32, #tpu.memory_space<vmem_shared>>
      %dma_wait3A_166 = arith.constant 0 : i32
      %dma_wait3A_167 = arith.constant 0 : i32
      %dma_wait3A_168 = tpu.memref_slice %arg10[%dma_wait3A_166, %dma_wait3A_167] : memref<100x128xf32, #tpu.memory_space<vmem>> -> memref<80x128xf32, #tpu.memory_space<vmem>>
      tpu.wait_dma2 semaphore(%run_scoped3A : memref<!tpu.dma_semaphore, #tpu.memory_space<semaphore_mem>>) src(%dma_wait3A_168 : memref<80x128xf32, #tpu.memory_space<vmem>>) dst(%dma_wait3A_165 : memref<80x128xf32, #tpu.memory_space<vmem_shared>>)
      tpu.yield
    }) : () -> ()
    %add3A_17 = arith.constant 320 : i32
    %add3A_18 = arith.addi %mul3A_8, %add3A_17 : i32
    "tpu.region"() ({
      %run_scoped3A = tpu.sem_alloc : memref<!tpu.dma_semaphore, #tpu.memory_space<semaphore_mem>>
      %dma_start3A_149 = arith.constant 0 : i32
      %dma_start3A_150 = arith.constant 0 : i32
      %dma_start3A_151 = tpu.memref_slice %arg10[%dma_start3A_149, %dma_start3A_150] : memref<100x128xf32, #tpu.memory_space<vmem>> -> memref<80x128xf32, #tpu.memory_space<vmem>>
      %dma_start3A_152 = arith.constant 0 : i32
      %dma_start3A_153 = tpu.memref_slice %arg12[%add3A_18, %dma_start3A_152] : memref<10240x128xf32, #tpu.memory_space<vmem_shared>> -> memref<80x128xf32, #tpu.memory_space<vmem_shared>>
      %dma_start3A_154 = arith.constant 0 : i32
      %dma_start3A_155 = tpu.memref_slice %arg12[%add3A_18, %dma_start3A_154] : memref<10240x128xf32, #tpu.memory_space<vmem_shared>> -> memref<80x128xf32, #tpu.memory_space<vmem_shared>>
      %dma_start3A_156 = arith.constant 0 : i32
      %dma_start3A_157 = arith.constant 0 : i32
      %dma_start3A_158 = tpu.memref_slice %arg10[%dma_start3A_156, %dma_start3A_157] : memref<100x128xf32, #tpu.memory_space<vmem>> -> memref<80x128xf32, #tpu.memory_space<vmem>>
      tpu.enqueue_dma source(%dma_start3A_158 : memref<80x128xf32, #tpu.memory_space<vmem>>) target(%dma_start3A_155 : memref<80x128xf32, #tpu.memory_space<vmem_shared>>) target_semaphore(%run_scoped3A : memref<!tpu.dma_semaphore, #tpu.memory_space<semaphore_mem>>)
      %dma_wait3A_159 = arith.constant 0 : i32
      %dma_wait3A_160 = arith.constant 0 : i32
      %dma_wait3A_161 = tpu.memref_slice %arg10[%dma_wait3A_159, %dma_wait3A_160] : memref<100x128xf32, #tpu.memory_space<vmem>> -> memref<80x128xf32, #tpu.memory_space<vmem>>
      %dma_wait3A_162 = arith.constant 0 : i32
      %dma_wait3A_163 = tpu.memref_slice %arg12[%add3A_18, %dma_wait3A_162] : memref<10240x128xf32, #tpu.memory_space<vmem_shared>> -> memref<80x128xf32, #tpu.memory_space<vmem_shared>>
      %dma_wait3A_164 = arith.constant 0 : i32
      %dma_wait3A_165 = tpu.memref_slice %arg12[%add3A_18, %dma_wait3A_164] : memref<10240x128xf32, #tpu.memory_space<vmem_shared>> -> memref<80x128xf32, #tpu.memory_space<vmem_shared>>
      %dma_wait3A_166 = arith.constant 0 : i32
      %dma_wait3A_167 = arith.constant 0 : i32
      %dma_wait3A_168 = tpu.memref_slice %arg10[%dma_wait3A_166, %dma_wait3A_167] : memref<100x128xf32, #tpu.memory_space<vmem>> -> memref<80x128xf32, #tpu.memory_space<vmem>>
      tpu.wait_dma2 semaphore(%run_scoped3A : memref<!tpu.dma_semaphore, #tpu.memory_space<semaphore_mem>>) src(%dma_wait3A_168 : memref<80x128xf32, #tpu.memory_space<vmem>>) dst(%dma_wait3A_165 : memref<80x128xf32, #tpu.memory_space<vmem_shared>>)
      tpu.yield
    }) : () -> ()
    %add3A_19 = arith.constant 400 : i32
    %add3A_20 = arith.addi %mul3A_8, %add3A_19 : i32
    "tpu.region"() ({
      %run_scoped3A = tpu.sem_alloc : memref<!tpu.dma_semaphore, #tpu.memory_space<semaphore_mem>>
      %dma_start3A_149 = arith.constant 0 : i32
      %dma_start3A_150 = arith.constant 0 : i32
      %dma_start3A_151 = tpu.memref_slice %arg10[%dma_start3A_149, %dma_start3A_150] : memref<100x128xf32, #tpu.memory_space<vmem>> -> memref<80x128xf32, #tpu.memory_space<vmem>>
      %dma_start3A_152 = arith.constant 0 : i32
      %dma_start3A_153 = tpu.memref_slice %arg12[%add3A_20, %dma_start3A_152] : memref<10240x128xf32, #tpu.memory_space<vmem_shared>> -> memref<80x128xf32, #tpu.memory_space<vmem_shared>>
      %dma_start3A_154 = arith.constant 0 : i32
      %dma_start3A_155 = tpu.memref_slice %arg12[%add3A_20, %dma_start3A_154] : memref<10240x128xf32, #tpu.memory_space<vmem_shared>> -> memref<80x128xf32, #tpu.memory_space<vmem_shared>>
      %dma_start3A_156 = arith.constant 0 : i32
      %dma_start3A_157 = arith.constant 0 : i32
      %dma_start3A_158 = tpu.memref_slice %arg10[%dma_start3A_156, %dma_start3A_157] : memref<100x128xf32, #tpu.memory_space<vmem>> -> memref<80x128xf32, #tpu.memory_space<vmem>>
      tpu.enqueue_dma source(%dma_start3A_158 : memref<80x128xf32, #tpu.memory_space<vmem>>) target(%dma_start3A_155 : memref<80x128xf32, #tpu.memory_space<vmem_shared>>) target_semaphore(%run_scoped3A : memref<!tpu.dma_semaphore, #tpu.memory_space<semaphore_mem>>)
      %dma_wait3A_159 = arith.constant 0 : i32
      %dma_wait3A_160 = arith.constant 0 : i32
      %dma_wait3A_161 = tpu.memref_slice %arg10[%dma_wait3A_159, %dma_wait3A_160] : memref<100x128xf32, #tpu.memory_space<vmem>> -> memref<80x128xf32, #tpu.memory_space<vmem>>
      %dma_wait3A_162 = arith.constant 0 : i32
      %dma_wait3A_163 = tpu.memref_slice %arg12[%add3A_20, %dma_wait3A_162] : memref<10240x128xf32, #tpu.memory_space<vmem_shared>> -> memref<80x128xf32, #tpu.memory_space<vmem_shared>>
      %dma_wait3A_164 = arith.constant 0 : i32
      %dma_wait3A_165 = tpu.memref_slice %arg12[%add3A_20, %dma_wait3A_164] : memref<10240x128xf32, #tpu.memory_space<vmem_shared>> -> memref<80x128xf32, #tpu.memory_space<vmem_shared>>
      %dma_wait3A_166 = arith.constant 0 : i32
      %dma_wait3A_167 = arith.constant 0 : i32
      %dma_wait3A_168 = tpu.memref_slice %arg10[%dma_wait3A_166, %dma_wait3A_167] : memref<100x128xf32, #tpu.memory_space<vmem>> -> memref<80x128xf32, #tpu.memory_space<vmem>>
      tpu.wait_dma2 semaphore(%run_scoped3A : memref<!tpu.dma_semaphore, #tpu.memory_space<semaphore_mem>>) src(%dma_wait3A_168 : memref<80x128xf32, #tpu.memory_space<vmem>>) dst(%dma_wait3A_165 : memref<80x128xf32, #tpu.memory_space<vmem_shared>>)
      tpu.yield
    }) : () -> ()
    %add3A_21 = arith.constant 480 : i32
    %add3A_22 = arith.addi %mul3A_8, %add3A_21 : i32
    "tpu.region"() ({
      %run_scoped3A = tpu.sem_alloc : memref<!tpu.dma_semaphore, #tpu.memory_space<semaphore_mem>>
      %dma_start3A_149 = arith.constant 0 : i32
      %dma_start3A_150 = arith.constant 0 : i32
      %dma_start3A_151 = tpu.memref_slice %arg10[%dma_start3A_149, %dma_start3A_150] : memref<100x128xf32, #tpu.memory_space<vmem>> -> memref<80x128xf32, #tpu.memory_space<vmem>>
      %dma_start3A_152 = arith.constant 0 : i32
      %dma_start3A_153 = tpu.memref_slice %arg12[%add3A_22, %dma_start3A_152] : memref<10240x128xf32, #tpu.memory_space<vmem_shared>> -> memref<80x128xf32, #tpu.memory_space<vmem_shared>>
      %dma_start3A_154 = arith.constant 0 : i32
      %dma_start3A_155 = tpu.memref_slice %arg12[%add3A_22, %dma_start3A_154] : memref<10240x128xf32, #tpu.memory_space<vmem_shared>> -> memref<80x128xf32, #tpu.memory_space<vmem_shared>>
      %dma_start3A_156 = arith.constant 0 : i32
      %dma_start3A_157 = arith.constant 0 : i32
      %dma_start3A_158 = tpu.memref_slice %arg10[%dma_start3A_156, %dma_start3A_157] : memref<100x128xf32, #tpu.memory_space<vmem>> -> memref<80x128xf32, #tpu.memory_space<vmem>>
      tpu.enqueue_dma source(%dma_start3A_158 : memref<80x128xf32, #tpu.memory_space<vmem>>) target(%dma_start3A_155 : memref<80x128xf32, #tpu.memory_space<vmem_shared>>) target_semaphore(%run_scoped3A : memref<!tpu.dma_semaphore, #tpu.memory_space<semaphore_mem>>)
      %dma_wait3A_159 = arith.constant 0 : i32
      %dma_wait3A_160 = arith.constant 0 : i32
      %dma_wait3A_161 = tpu.memref_slice %arg10[%dma_wait3A_159, %dma_wait3A_160] : memref<100x128xf32, #tpu.memory_space<vmem>> -> memref<80x128xf32, #tpu.memory_space<vmem>>
      %dma_wait3A_162 = arith.constant 0 : i32
      %dma_wait3A_163 = tpu.memref_slice %arg12[%add3A_22, %dma_wait3A_162] : memref<10240x128xf32, #tpu.memory_space<vmem_shared>> -> memref<80x128xf32, #tpu.memory_space<vmem_shared>>
      %dma_wait3A_164 = arith.constant 0 : i32
      %dma_wait3A_165 = tpu.memref_slice %arg12[%add3A_22, %dma_wait3A_164] : memref<10240x128xf32, #tpu.memory_space<vmem_shared>> -> memref<80x128xf32, #tpu.memory_space<vmem_shared>>
      %dma_wait3A_166 = arith.constant 0 : i32
      %dma_wait3A_167 = arith.constant 0 : i32
      %dma_wait3A_168 = tpu.memref_slice %arg10[%dma_wait3A_166, %dma_wait3A_167] : memref<100x128xf32, #tpu.memory_space<vmem>> -> memref<80x128xf32, #tpu.memory_space<vmem>>
      tpu.wait_dma2 semaphore(%run_scoped3A : memref<!tpu.dma_semaphore, #tpu.memory_space<semaphore_mem>>) src(%dma_wait3A_168 : memref<80x128xf32, #tpu.memory_space<vmem>>) dst(%dma_wait3A_165 : memref<80x128xf32, #tpu.memory_space<vmem_shared>>)
      tpu.yield
    }) : () -> ()
    %add3A_23 = arith.constant 560 : i32
    %add3A_24 = arith.addi %mul3A_8, %add3A_23 : i32
    "tpu.region"() ({
      %run_scoped3A = tpu.sem_alloc : memref<!tpu.dma_semaphore, #tpu.memory_space<semaphore_mem>>
      %dma_start3A_149 = arith.constant 0 : i32
      %dma_start3A_150 = arith.constant 0 : i32
      %dma_start3A_151 = tpu.memref_slice %arg10[%dma_start3A_149, %dma_start3A_150] : memref<100x128xf32, #tpu.memory_space<vmem>> -> memref<80x128xf32, #tpu.memory_space<vmem>>
      %dma_start3A_152 = arith.constant 0 : i32
      %dma_start3A_153 = tpu.memref_slice %arg12[%add3A_24, %dma_start3A_152] : memref<10240x128xf32, #tpu.memory_space<vmem_shared>> -> memref<80x128xf32, #tpu.memory_space<vmem_shared>>
      %dma_start3A_154 = arith.constant 0 : i32
      %dma_start3A_155 = tpu.memref_slice %arg12[%add3A_24, %dma_start3A_154] : memref<10240x128xf32, #tpu.memory_space<vmem_shared>> -> memref<80x128xf32, #tpu.memory_space<vmem_shared>>
      %dma_start3A_156 = arith.constant 0 : i32
      %dma_start3A_157 = arith.constant 0 : i32
      %dma_start3A_158 = tpu.memref_slice %arg10[%dma_start3A_156, %dma_start3A_157] : memref<100x128xf32, #tpu.memory_space<vmem>> -> memref<80x128xf32, #tpu.memory_space<vmem>>
      tpu.enqueue_dma source(%dma_start3A_158 : memref<80x128xf32, #tpu.memory_space<vmem>>) target(%dma_start3A_155 : memref<80x128xf32, #tpu.memory_space<vmem_shared>>) target_semaphore(%run_scoped3A : memref<!tpu.dma_semaphore, #tpu.memory_space<semaphore_mem>>)
      %dma_wait3A_159 = arith.constant 0 : i32
      %dma_wait3A_160 = arith.constant 0 : i32
      %dma_wait3A_161 = tpu.memref_slice %arg10[%dma_wait3A_159, %dma_wait3A_160] : memref<100x128xf32, #tpu.memory_space<vmem>> -> memref<80x128xf32, #tpu.memory_space<vmem>>
      %dma_wait3A_162 = arith.constant 0 : i32
      %dma_wait3A_163 = tpu.memref_slice %arg12[%add3A_24, %dma_wait3A_162] : memref<10240x128xf32, #tpu.memory_space<vmem_shared>> -> memref<80x128xf32, #tpu.memory_space<vmem_shared>>
      %dma_wait3A_164 = arith.constant 0 : i32
      %dma_wait3A_165 = tpu.memref_slice %arg12[%add3A_24, %dma_wait3A_164] : memref<10240x128xf32, #tpu.memory_space<vmem_shared>> -> memref<80x128xf32, #tpu.memory_space<vmem_shared>>
      %dma_wait3A_166 = arith.constant 0 : i32
      %dma_wait3A_167 = arith.constant 0 : i32
      %dma_wait3A_168 = tpu.memref_slice %arg10[%dma_wait3A_166, %dma_wait3A_167] : memref<100x128xf32, #tpu.memory_space<vmem>> -> memref<80x128xf32, #tpu.memory_space<vmem>>
      tpu.wait_dma2 semaphore(%run_scoped3A : memref<!tpu.dma_semaphore, #tpu.memory_space<semaphore_mem>>) src(%dma_wait3A_168 : memref<80x128xf32, #tpu.memory_space<vmem>>) dst(%dma_wait3A_165 : memref<80x128xf32, #tpu.memory_space<vmem_shared>>)
      tpu.yield
    }) : () -> ()
    %broadcast_in_dim3A_25 = arith.constant 1.000000e+00 : f32
    %broadcast_in_dim3A_26 = vector.broadcast %broadcast_in_dim3A_25 : f32 to vector<16xf32>
    %swap3A = arith.constant 0 : index
    %swap3A_27 = tpu.vector_load %arg17[%swap3A] {strides = array<i32>} : memref<128xf32, #tpu.memory_space<vmem>>, vector<16xf32>,
    %swap3A_28 = vector.shape_cast %swap3A_27 : vector<16xf32> to vector<16xf32>
    %swap3A_29 = vector.shape_cast %broadcast_in_dim3A_26 : vector<16xf32> to vector<16xf32>
    tpu.vector_store %arg17[%swap3A], %swap3A_29 {strides = array<i32>} : memref<128xf32, #tpu.memory_space<vmem>>, vector<16xf32>,
    %swap3A_30 = arith.constant 0 : index
    %swap3A_31 = tpu.vector_load %arg18[%swap3A_30] {strides = array<i32>} : memref<128xf32, #tpu.memory_space<vmem>>, vector<16xf32>,
    %swap3A_32 = vector.shape_cast %swap3A_31 : vector<16xf32> to vector<16xf32>
    %swap3A_33 = vector.shape_cast %broadcast_in_dim3A_1 : vector<16xf32> to vector<16xf32>
    tpu.vector_store %arg18[%swap3A_30], %swap3A_33 {strides = array<i32>} : memref<128xf32, #tpu.memory_space<vmem>>, vector<16xf32>,
    %broadcast_in_dim3A_34 = arith.constant 1.000000e+00 : f32
    %broadcast_in_dim3A_35 = vector.broadcast %broadcast_in_dim3A_34 : f32 to vector<16xf32>
    %swap3A_36 = arith.constant 16 : index
    %swap3A_37 = tpu.vector_load %arg17[%swap3A_36] {strides = array<i32>} : memref<128xf32, #tpu.memory_space<vmem>>, vector<16xf32>,
    %swap3A_38 = vector.shape_cast %swap3A_37 : vector<16xf32> to vector<16xf32>
    %swap3A_39 = vector.shape_cast %broadcast_in_dim3A_35 : vector<16xf32> to vector<16xf32>
    tpu.vector_store %arg17[%swap3A_36], %swap3A_39 {strides = array<i32>} : memref<128xf32, #tpu.memory_space<vmem>>, vector<16xf32>,
    %swap3A_40 = arith.constant 16 : index
    %swap3A_41 = tpu.vector_load %arg18[%swap3A_40] {strides = array<i32>} : memref<128xf32, #tpu.memory_space<vmem>>, vector<16xf32>,
    %swap3A_42 = vector.shape_cast %swap3A_41 : vector<16xf32> to vector<16xf32>
    %swap3A_43 = vector.shape_cast %broadcast_in_dim3A_1 : vector<16xf32> to vector<16xf32>
    tpu.vector_store %arg18[%swap3A_40], %swap3A_43 {strides = array<i32>} : memref<128xf32, #tpu.memory_space<vmem>>, vector<16xf32>,
    %broadcast_in_dim3A_44 = arith.constant 1.000000e+00 : f32
    %broadcast_in_dim3A_45 = vector.broadcast %broadcast_in_dim3A_44 : f32 to vector<16xf32>
    %swap3A_46 = arith.constant 32 : index
    %swap3A_47 = tpu.vector_load %arg17[%swap3A_46] {strides = array<i32>} : memref<128xf32, #tpu.memory_space<vmem>>, vector<16xf32>,
    %swap3A_48 = vector.shape_cast %swap3A_47 : vector<16xf32> to vector<16xf32>
    %swap3A_49 = vector.shape_cast %broadcast_in_dim3A_45 : vector<16xf32> to vector<16xf32>
    tpu.vector_store %arg17[%swap3A_46], %swap3A_49 {strides = array<i32>} : memref<128xf32, #tpu.memory_space<vmem>>, vector<16xf32>,
    %swap3A_50 = arith.constant 32 : index
    %swap3A_51 = tpu.vector_load %arg18[%swap3A_50] {strides = array<i32>} : memref<128xf32, #tpu.memory_space<vmem>>, vector<16xf32>,
    %swap3A_52 = vector.shape_cast %swap3A_51 : vector<16xf32> to vector<16xf32>
    %swap3A_53 = vector.shape_cast %broadcast_in_dim3A_1 : vector<16xf32> to vector<16xf32>
    tpu.vector_store %arg18[%swap3A_50], %swap3A_53 {strides = array<i32>} : memref<128xf32, #tpu.memory_space<vmem>>, vector<16xf32>,
    %broadcast_in_dim3A_54 = arith.constant 1.000000e+00 : f32
    %broadcast_in_dim3A_55 = vector.broadcast %broadcast_in_dim3A_54 : f32 to vector<16xf32>
    %swap3A_56 = arith.constant 48 : index
    %swap3A_57 = tpu.vector_load %arg17[%swap3A_56] {strides = array<i32>} : memref<128xf32, #tpu.memory_space<vmem>>, vector<16xf32>,
    %swap3A_58 = vector.shape_cast %swap3A_57 : vector<16xf32> to vector<16xf32>
    %swap3A_59 = vector.shape_cast %broadcast_in_dim3A_55 : vector<16xf32> to vector<16xf32>
    tpu.vector_store %arg17[%swap3A_56], %swap3A_59 {strides = array<i32>} : memref<128xf32, #tpu.memory_space<vmem>>, vector<16xf32>,
    %swap3A_60 = arith.constant 48 : index
    %swap3A_61 = tpu.vector_load %arg18[%swap3A_60] {strides = array<i32>} : memref<128xf32, #tpu.memory_space<vmem>>, vector<16xf32>,
    %swap3A_62 = vector.shape_cast %swap3A_61 : vector<16xf32> to vector<16xf32>
    %swap3A_63 = vector.shape_cast %broadcast_in_dim3A_1 : vector<16xf32> to vector<16xf32>
    tpu.vector_store %arg18[%swap3A_60], %swap3A_63 {strides = array<i32>} : memref<128xf32, #tpu.memory_space<vmem>>, vector<16xf32>,
    %broadcast_in_dim3A_64 = arith.constant 1.000000e+00 : f32
    %broadcast_in_dim3A_65 = vector.broadcast %broadcast_in_dim3A_64 : f32 to vector<16xf32>
    %swap3A_66 = arith.constant 64 : index
    %swap3A_67 = tpu.vector_load %arg17[%swap3A_66] {strides = array<i32>} : memref<128xf32, #tpu.memory_space<vmem>>, vector<16xf32>,
    %swap3A_68 = vector.shape_cast %swap3A_67 : vector<16xf32> to vector<16xf32>
    %swap3A_69 = vector.shape_cast %broadcast_in_dim3A_65 : vector<16xf32> to vector<16xf32>
    tpu.vector_store %arg17[%swap3A_66], %swap3A_69 {strides = array<i32>} : memref<128xf32, #tpu.memory_space<vmem>>, vector<16xf32>,
    %swap3A_70 = arith.constant 64 : index
    %swap3A_71 = tpu.vector_load %arg18[%swap3A_70] {strides = array<i32>} : memref<128xf32, #tpu.memory_space<vmem>>, vector<16xf32>,
    %swap3A_72 = vector.shape_cast %swap3A_71 : vector<16xf32> to vector<16xf32>
    %swap3A_73 = vector.shape_cast %broadcast_in_dim3A_1 : vector<16xf32> to vector<16xf32>
    tpu.vector_store %arg18[%swap3A_70], %swap3A_73 {strides = array<i32>} : memref<128xf32, #tpu.memory_space<vmem>>, vector<16xf32>,
    %broadcast_in_dim3A_74 = arith.constant 1.000000e+00 : f32
    %broadcast_in_dim3A_75 = vector.broadcast %broadcast_in_dim3A_74 : f32 to vector<16xf32>
    %swap3A_76 = arith.constant 80 : index
    %swap3A_77 = tpu.vector_load %arg17[%swap3A_76] {strides = array<i32>} : memref<128xf32, #tpu.memory_space<vmem>>, vector<16xf32>,
    %swap3A_78 = vector.shape_cast %swap3A_77 : vector<16xf32> to vector<16xf32>
    %swap3A_79 = vector.shape_cast %broadcast_in_dim3A_75 : vector<16xf32> to vector<16xf32>
    tpu.vector_store %arg17[%swap3A_76], %swap3A_79 {strides = array<i32>} : memref<128xf32, #tpu.memory_space<vmem>>, vector<16xf32>,
    %swap3A_80 = arith.constant 80 : index
    %swap3A_81 = tpu.vector_load %arg18[%swap3A_80] {strides = array<i32>} : memref<128xf32, #tpu.memory_space<vmem>>, vector<16xf32>,
    %swap3A_82 = vector.shape_cast %swap3A_81 : vector<16xf32> to vector<16xf32>
    %swap3A_83 = vector.shape_cast %broadcast_in_dim3A_1 : vector<16xf32> to vector<16xf32>
    tpu.vector_store %arg18[%swap3A_80], %swap3A_83 {strides = array<i32>} : memref<128xf32, #tpu.memory_space<vmem>>, vector<16xf32>,
    %broadcast_in_dim3A_84 = arith.constant 1.000000e+00 : f32
    %broadcast_in_dim3A_85 = vector.broadcast %broadcast_in_dim3A_84 : f32 to vector<16xf32>
    %swap3A_86 = arith.constant 96 : index
    %swap3A_87 = tpu.vector_load %arg17[%swap3A_86] {strides = array<i32>} : memref<128xf32, #tpu.memory_space<vmem>>, vector<16xf32>,
    %swap3A_88 = vector.shape_cast %swap3A_87 : vector<16xf32> to vector<16xf32>
    %swap3A_89 = vector.shape_cast %broadcast_in_dim3A_85 : vector<16xf32> to vector<16xf32>
    tpu.vector_store %arg17[%swap3A_86], %swap3A_89 {strides = array<i32>} : memref<128xf32, #tpu.memory_space<vmem>>, vector<16xf32>,
    %swap3A_90 = arith.constant 96 : index
    %swap3A_91 = tpu.vector_load %arg18[%swap3A_90] {strides = array<i32>} : memref<128xf32, #tpu.memory_space<vmem>>, vector<16xf32>,
    %swap3A_92 = vector.shape_cast %swap3A_91 : vector<16xf32> to vector<16xf32>
    %swap3A_93 = vector.shape_cast %broadcast_in_dim3A_1 : vector<16xf32> to vector<16xf32>
    tpu.vector_store %arg18[%swap3A_90], %swap3A_93 {strides = array<i32>} : memref<128xf32, #tpu.memory_space<vmem>>, vector<16xf32>,
    %broadcast_in_dim3A_94 = arith.constant 1.000000e+00 : f32
    %broadcast_in_dim3A_95 = vector.broadcast %broadcast_in_dim3A_94 : f32 to vector<16xf32>
    %swap3A_96 = arith.constant 112 : index
    %swap3A_97 = tpu.vector_load %arg17[%swap3A_96] {strides = array<i32>} : memref<128xf32, #tpu.memory_space<vmem>>, vector<16xf32>,
    %swap3A_98 = vector.shape_cast %swap3A_97 : vector<16xf32> to vector<16xf32>
    %swap3A_99 = vector.shape_cast %broadcast_in_dim3A_95 : vector<16xf32> to vector<16xf32>
    tpu.vector_store %arg17[%swap3A_96], %swap3A_99 {strides = array<i32>} : memref<128xf32, #tpu.memory_space<vmem>>, vector<16xf32>,
    %swap3A_100 = arith.constant 112 : index
    %swap3A_101 = tpu.vector_load %arg18[%swap3A_100] {strides = array<i32>} : memref<128xf32, #tpu.memory_space<vmem>>, vector<16xf32>,
    %swap3A_102 = vector.shape_cast %swap3A_101 : vector<16xf32> to vector<16xf32>
    %swap3A_103 = vector.shape_cast %broadcast_in_dim3A_1 : vector<16xf32> to vector<16xf32>
    tpu.vector_store %arg18[%swap3A_100], %swap3A_103 {strides = array<i32>} : memref<128xf32, #tpu.memory_space<vmem>>, vector<16xf32>,
    %add3A_104 = arith.constant 0 : i32
    %add3A_105 = arith.addi %mul3A_8, %add3A_104 : i32
    "tpu.region"() ({
      %run_scoped3A = tpu.sem_alloc : memref<!tpu.dma_semaphore, #tpu.memory_space<semaphore_mem>>
      %dma_start3A_149 = arith.constant 0 : i32
      %dma_start3A_150 = tpu.memref_slice %arg18[%dma_start3A_149] : memref<128xf32, #tpu.memory_space<vmem>> -> memref<80xf32, #tpu.memory_space<vmem>>
      %dma_start3A_151 = tpu.memref_slice %arg19[%add3A_105] : memref<10240xf32, #tpu.memory_space<vmem_shared>> -> memref<80xf32, #tpu.memory_space<vmem_shared>>
      %dma_start3A_152 = tpu.memref_slice %arg19[%add3A_105] : memref<10240xf32, #tpu.memory_space<vmem_shared>> -> memref<80xf32, #tpu.memory_space<vmem_shared>>
      %dma_start3A_153 = arith.constant 0 : i32
      %dma_start3A_154 = tpu.memref_slice %arg18[%dma_start3A_153] : memref<128xf32, #tpu.memory_space<vmem>> -> memref<80xf32, #tpu.memory_space<vmem>>
      tpu.enqueue_dma source(%dma_start3A_154 : memref<80xf32, #tpu.memory_space<vmem>>) target(%dma_start3A_152 : memref<80xf32, #tpu.memory_space<vmem_shared>>) target_semaphore(%run_scoped3A : memref<!tpu.dma_semaphore, #tpu.memory_space<semaphore_mem>>)
      %dma_wait3A_155 = arith.constant 0 : i32
      %dma_wait3A_156 = tpu.memref_slice %arg18[%dma_wait3A_155] : memref<128xf32, #tpu.memory_space<vmem>> -> memref<80xf32, #tpu.memory_space<vmem>>
      %dma_wait3A_157 = tpu.memref_slice %arg19[%add3A_105] : memref<10240xf32, #tpu.memory_space<vmem_shared>> -> memref<80xf32, #tpu.memory_space<vmem_shared>>
      %dma_wait3A_158 = tpu.memref_slice %arg19[%add3A_105] : memref<10240xf32, #tpu.memory_space<vmem_shared>> -> memref<80xf32, #tpu.memory_space<vmem_shared>>
      %dma_wait3A_159 = arith.constant 0 : i32
      %dma_wait3A_160 = tpu.memref_slice %arg18[%dma_wait3A_159] : memref<128xf32, #tpu.memory_space<vmem>> -> memref<80xf32, #tpu.memory_space<vmem>>
      tpu.wait_dma2 semaphore(%run_scoped3A : memref<!tpu.dma_semaphore, #tpu.memory_space<semaphore_mem>>) src(%dma_wait3A_160 : memref<80xf32, #tpu.memory_space<vmem>>) dst(%dma_wait3A_158 : memref<80xf32, #tpu.memory_space<vmem_shared>>)
      tpu.yield
    }) : () -> ()
    %add3A_106 = arith.constant 80 : i32
    %add3A_107 = arith.addi %mul3A_8, %add3A_106 : i32
    "tpu.region"() ({
      %run_scoped3A = tpu.sem_alloc : memref<!tpu.dma_semaphore, #tpu.memory_space<semaphore_mem>>
      %dma_start3A_149 = arith.constant 0 : i32
      %dma_start3A_150 = tpu.memref_slice %arg18[%dma_start3A_149] : memref<128xf32, #tpu.memory_space<vmem>> -> memref<80xf32, #tpu.memory_space<vmem>>
      %dma_start3A_151 = tpu.memref_slice %arg19[%add3A_107] : memref<10240xf32, #tpu.memory_space<vmem_shared>> -> memref<80xf32, #tpu.memory_space<vmem_shared>>
      %dma_start3A_152 = tpu.memref_slice %arg19[%add3A_107] : memref<10240xf32, #tpu.memory_space<vmem_shared>> -> memref<80xf32, #tpu.memory_space<vmem_shared>>
      %dma_start3A_153 = arith.constant 0 : i32
      %dma_start3A_154 = tpu.memref_slice %arg18[%dma_start3A_153] : memref<128xf32, #tpu.memory_space<vmem>> -> memref<80xf32, #tpu.memory_space<vmem>>
      tpu.enqueue_dma source(%dma_start3A_154 : memref<80xf32, #tpu.memory_space<vmem>>) target(%dma_start3A_152 : memref<80xf32, #tpu.memory_space<vmem_shared>>) target_semaphore(%run_scoped3A : memref<!tpu.dma_semaphore, #tpu.memory_space<semaphore_mem>>)
      %dma_wait3A_155 = arith.constant 0 : i32
      %dma_wait3A_156 = tpu.memref_slice %arg18[%dma_wait3A_155] : memref<128xf32, #tpu.memory_space<vmem>> -> memref<80xf32, #tpu.memory_space<vmem>>
      %dma_wait3A_157 = tpu.memref_slice %arg19[%add3A_107] : memref<10240xf32, #tpu.memory_space<vmem_shared>> -> memref<80xf32, #tpu.memory_space<vmem_shared>>
      %dma_wait3A_158 = tpu.memref_slice %arg19[%add3A_107] : memref<10240xf32, #tpu.memory_space<vmem_shared>> -> memref<80xf32, #tpu.memory_space<vmem_shared>>
      %dma_wait3A_159 = arith.constant 0 : i32
      %dma_wait3A_160 = tpu.memref_slice %arg18[%dma_wait3A_159] : memref<128xf32, #tpu.memory_space<vmem>> -> memref<80xf32, #tpu.memory_space<vmem>>
      tpu.wait_dma2 semaphore(%run_scoped3A : memref<!tpu.dma_semaphore, #tpu.memory_space<semaphore_mem>>) src(%dma_wait3A_160 : memref<80xf32, #tpu.memory_space<vmem>>) dst(%dma_wait3A_158 : memref<80xf32, #tpu.memory_space<vmem_shared>>)
      tpu.yield
    }) : () -> ()
    %add3A_108 = arith.constant 160 : i32
    %add3A_109 = arith.addi %mul3A_8, %add3A_108 : i32
    "tpu.region"() ({
      %run_scoped3A = tpu.sem_alloc : memref<!tpu.dma_semaphore, #tpu.memory_space<semaphore_mem>>
      %dma_start3A_149 = arith.constant 0 : i32
      %dma_start3A_150 = tpu.memref_slice %arg18[%dma_start3A_149] : memref<128xf32, #tpu.memory_space<vmem>> -> memref<80xf32, #tpu.memory_space<vmem>>
      %dma_start3A_151 = tpu.memref_slice %arg19[%add3A_109] : memref<10240xf32, #tpu.memory_space<vmem_shared>> -> memref<80xf32, #tpu.memory_space<vmem_shared>>
      %dma_start3A_152 = tpu.memref_slice %arg19[%add3A_109] : memref<10240xf32, #tpu.memory_space<vmem_shared>> -> memref<80xf32, #tpu.memory_space<vmem_shared>>
      %dma_start3A_153 = arith.constant 0 : i32
      %dma_start3A_154 = tpu.memref_slice %arg18[%dma_start3A_153] : memref<128xf32, #tpu.memory_space<vmem>> -> memref<80xf32, #tpu.memory_space<vmem>>
      tpu.enqueue_dma source(%dma_start3A_154 : memref<80xf32, #tpu.memory_space<vmem>>) target(%dma_start3A_152 : memref<80xf32, #tpu.memory_space<vmem_shared>>) target_semaphore(%run_scoped3A : memref<!tpu.dma_semaphore, #tpu.memory_space<semaphore_mem>>)
      %dma_wait3A_155 = arith.constant 0 : i32
      %dma_wait3A_156 = tpu.memref_slice %arg18[%dma_wait3A_155] : memref<128xf32, #tpu.memory_space<vmem>> -> memref<80xf32, #tpu.memory_space<vmem>>
      %dma_wait3A_157 = tpu.memref_slice %arg19[%add3A_109] : memref<10240xf32, #tpu.memory_space<vmem_shared>> -> memref<80xf32, #tpu.memory_space<vmem_shared>>
      %dma_wait3A_158 = tpu.memref_slice %arg19[%add3A_109] : memref<10240xf32, #tpu.memory_space<vmem_shared>> -> memref<80xf32, #tpu.memory_space<vmem_shared>>
      %dma_wait3A_159 = arith.constant 0 : i32
      %dma_wait3A_160 = tpu.memref_slice %arg18[%dma_wait3A_159] : memref<128xf32, #tpu.memory_space<vmem>> -> memref<80xf32, #tpu.memory_space<vmem>>
      tpu.wait_dma2 semaphore(%run_scoped3A : memref<!tpu.dma_semaphore, #tpu.memory_space<semaphore_mem>>) src(%dma_wait3A_160 : memref<80xf32, #tpu.memory_space<vmem>>) dst(%dma_wait3A_158 : memref<80xf32, #tpu.memory_space<vmem_shared>>)
      tpu.yield
    }) : () -> ()
    %add3A_110 = arith.constant 240 : i32
    %add3A_111 = arith.addi %mul3A_8, %add3A_110 : i32
    "tpu.region"() ({
      %run_scoped3A = tpu.sem_alloc : memref<!tpu.dma_semaphore, #tpu.memory_space<semaphore_mem>>
      %dma_start3A_149 = arith.constant 0 : i32
      %dma_start3A_150 = tpu.memref_slice %arg18[%dma_start3A_149] : memref<128xf32, #tpu.memory_space<vmem>> -> memref<80xf32, #tpu.memory_space<vmem>>
      %dma_start3A_151 = tpu.memref_slice %arg19[%add3A_111] : memref<10240xf32, #tpu.memory_space<vmem_shared>> -> memref<80xf32, #tpu.memory_space<vmem_shared>>
      %dma_start3A_152 = tpu.memref_slice %arg19[%add3A_111] : memref<10240xf32, #tpu.memory_space<vmem_shared>> -> memref<80xf32, #tpu.memory_space<vmem_shared>>
      %dma_start3A_153 = arith.constant 0 : i32
      %dma_start3A_154 = tpu.memref_slice %arg18[%dma_start3A_153] : memref<128xf32, #tpu.memory_space<vmem>> -> memref<80xf32, #tpu.memory_space<vmem>>
      tpu.enqueue_dma source(%dma_start3A_154 : memref<80xf32, #tpu.memory_space<vmem>>) target(%dma_start3A_152 : memref<80xf32, #tpu.memory_space<vmem_shared>>) target_semaphore(%run_scoped3A : memref<!tpu.dma_semaphore, #tpu.memory_space<semaphore_mem>>)
      %dma_wait3A_155 = arith.constant 0 : i32
      %dma_wait3A_156 = tpu.memref_slice %arg18[%dma_wait3A_155] : memref<128xf32, #tpu.memory_space<vmem>> -> memref<80xf32, #tpu.memory_space<vmem>>
      %dma_wait3A_157 = tpu.memref_slice %arg19[%add3A_111] : memref<10240xf32, #tpu.memory_space<vmem_shared>> -> memref<80xf32, #tpu.memory_space<vmem_shared>>
      %dma_wait3A_158 = tpu.memref_slice %arg19[%add3A_111] : memref<10240xf32, #tpu.memory_space<vmem_shared>> -> memref<80xf32, #tpu.memory_space<vmem_shared>>
      %dma_wait3A_159 = arith.constant 0 : i32
      %dma_wait3A_160 = tpu.memref_slice %arg18[%dma_wait3A_159] : memref<128xf32, #tpu.memory_space<vmem>> -> memref<80xf32, #tpu.memory_space<vmem>>
      tpu.wait_dma2 semaphore(%run_scoped3A : memref<!tpu.dma_semaphore, #tpu.memory_space<semaphore_mem>>) src(%dma_wait3A_160 : memref<80xf32, #tpu.memory_space<vmem>>) dst(%dma_wait3A_158 : memref<80xf32, #tpu.memory_space<vmem_shared>>)
      tpu.yield
    }) : () -> ()
    %add3A_112 = arith.constant 320 : i32
    %add3A_113 = arith.addi %mul3A_8, %add3A_112 : i32
    "tpu.region"() ({
      %run_scoped3A = tpu.sem_alloc : memref<!tpu.dma_semaphore, #tpu.memory_space<semaphore_mem>>
      %dma_start3A_149 = arith.constant 0 : i32
      %dma_start3A_150 = tpu.memref_slice %arg18[%dma_start3A_149] : memref<128xf32, #tpu.memory_space<vmem>> -> memref<80xf32, #tpu.memory_space<vmem>>
      %dma_start3A_151 = tpu.memref_slice %arg19[%add3A_113] : memref<10240xf32, #tpu.memory_space<vmem_shared>> -> memref<80xf32, #tpu.memory_space<vmem_shared>>
      %dma_start3A_152 = tpu.memref_slice %arg19[%add3A_113] : memref<10240xf32, #tpu.memory_space<vmem_shared>> -> memref<80xf32, #tpu.memory_space<vmem_shared>>
      %dma_start3A_153 = arith.constant 0 : i32
      %dma_start3A_154 = tpu.memref_slice %arg18[%dma_start3A_153] : memref<128xf32, #tpu.memory_space<vmem>> -> memref<80xf32, #tpu.memory_space<vmem>>
      tpu.enqueue_dma source(%dma_start3A_154 : memref<80xf32, #tpu.memory_space<vmem>>) target(%dma_start3A_152 : memref<80xf32, #tpu.memory_space<vmem_shared>>) target_semaphore(%run_scoped3A : memref<!tpu.dma_semaphore, #tpu.memory_space<semaphore_mem>>)
      %dma_wait3A_155 = arith.constant 0 : i32
      %dma_wait3A_156 = tpu.memref_slice %arg18[%dma_wait3A_155] : memref<128xf32, #tpu.memory_space<vmem>> -> memref<80xf32, #tpu.memory_space<vmem>>
      %dma_wait3A_157 = tpu.memref_slice %arg19[%add3A_113] : memref<10240xf32, #tpu.memory_space<vmem_shared>> -> memref<80xf32, #tpu.memory_space<vmem_shared>>
      %dma_wait3A_158 = tpu.memref_slice %arg19[%add3A_113] : memref<10240xf32, #tpu.memory_space<vmem_shared>> -> memref<80xf32, #tpu.memory_space<vmem_shared>>
      %dma_wait3A_159 = arith.constant 0 : i32
      %dma_wait3A_160 = tpu.memref_slice %arg18[%dma_wait3A_159] : memref<128xf32, #tpu.memory_space<vmem>> -> memref<80xf32, #tpu.memory_space<vmem>>
      tpu.wait_dma2 semaphore(%run_scoped3A : memref<!tpu.dma_semaphore, #tpu.memory_space<semaphore_mem>>) src(%dma_wait3A_160 : memref<80xf32, #tpu.memory_space<vmem>>) dst(%dma_wait3A_158 : memref<80xf32, #tpu.memory_space<vmem_shared>>)
      tpu.yield
    }) : () -> ()
    %add3A_114 = arith.constant 400 : i32
    %add3A_115 = arith.addi %mul3A_8, %add3A_114 : i32
    "tpu.region"() ({
      %run_scoped3A = tpu.sem_alloc : memref<!tpu.dma_semaphore, #tpu.memory_space<semaphore_mem>>
      %dma_start3A_149 = arith.constant 0 : i32
      %dma_start3A_150 = tpu.memref_slice %arg18[%dma_start3A_149] : memref<128xf32, #tpu.memory_space<vmem>> -> memref<80xf32, #tpu.memory_space<vmem>>
      %dma_start3A_151 = tpu.memref_slice %arg19[%add3A_115] : memref<10240xf32, #tpu.memory_space<vmem_shared>> -> memref<80xf32, #tpu.memory_space<vmem_shared>>
      %dma_start3A_152 = tpu.memref_slice %arg19[%add3A_115] : memref<10240xf32, #tpu.memory_space<vmem_shared>> -> memref<80xf32, #tpu.memory_space<vmem_shared>>
      %dma_start3A_153 = arith.constant 0 : i32
      %dma_start3A_154 = tpu.memref_slice %arg18[%dma_start3A_153] : memref<128xf32, #tpu.memory_space<vmem>> -> memref<80xf32, #tpu.memory_space<vmem>>
      tpu.enqueue_dma source(%dma_start3A_154 : memref<80xf32, #tpu.memory_space<vmem>>) target(%dma_start3A_152 : memref<80xf32, #tpu.memory_space<vmem_shared>>) target_semaphore(%run_scoped3A : memref<!tpu.dma_semaphore, #tpu.memory_space<semaphore_mem>>)
      %dma_wait3A_155 = arith.constant 0 : i32
      %dma_wait3A_156 = tpu.memref_slice %arg18[%dma_wait3A_155] : memref<128xf32, #tpu.memory_space<vmem>> -> memref<80xf32, #tpu.memory_space<vmem>>
      %dma_wait3A_157 = tpu.memref_slice %arg19[%add3A_115] : memref<10240xf32, #tpu.memory_space<vmem_shared>> -> memref<80xf32, #tpu.memory_space<vmem_shared>>
      %dma_wait3A_158 = tpu.memref_slice %arg19[%add3A_115] : memref<10240xf32, #tpu.memory_space<vmem_shared>> -> memref<80xf32, #tpu.memory_space<vmem_shared>>
      %dma_wait3A_159 = arith.constant 0 : i32
      %dma_wait3A_160 = tpu.memref_slice %arg18[%dma_wait3A_159] : memref<128xf32, #tpu.memory_space<vmem>> -> memref<80xf32, #tpu.memory_space<vmem>>
      tpu.wait_dma2 semaphore(%run_scoped3A : memref<!tpu.dma_semaphore, #tpu.memory_space<semaphore_mem>>) src(%dma_wait3A_160 : memref<80xf32, #tpu.memory_space<vmem>>) dst(%dma_wait3A_158 : memref<80xf32, #tpu.memory_space<vmem_shared>>)
      tpu.yield
    }) : () -> ()
    %add3A_116 = arith.constant 480 : i32
    %add3A_117 = arith.addi %mul3A_8, %add3A_116 : i32
    "tpu.region"() ({
      %run_scoped3A = tpu.sem_alloc : memref<!tpu.dma_semaphore, #tpu.memory_space<semaphore_mem>>
      %dma_start3A_149 = arith.constant 0 : i32
      %dma_start3A_150 = tpu.memref_slice %arg18[%dma_start3A_149] : memref<128xf32, #tpu.memory_space<vmem>> -> memref<80xf32, #tpu.memory_space<vmem>>
      %dma_start3A_151 = tpu.memref_slice %arg19[%add3A_117] : memref<10240xf32, #tpu.memory_space<vmem_shared>> -> memref<80xf32, #tpu.memory_space<vmem_shared>>
      %dma_start3A_152 = tpu.memref_slice %arg19[%add3A_117] : memref<10240xf32, #tpu.memory_space<vmem_shared>> -> memref<80xf32, #tpu.memory_space<vmem_shared>>
      %dma_start3A_153 = arith.constant 0 : i32
      %dma_start3A_154 = tpu.memref_slice %arg18[%dma_start3A_153] : memref<128xf32, #tpu.memory_space<vmem>> -> memref<80xf32, #tpu.memory_space<vmem>>
      tpu.enqueue_dma source(%dma_start3A_154 : memref<80xf32, #tpu.memory_space<vmem>>) target(%dma_start3A_152 : memref<80xf32, #tpu.memory_space<vmem_shared>>) target_semaphore(%run_scoped3A : memref<!tpu.dma_semaphore, #tpu.memory_space<semaphore_mem>>)
      %dma_wait3A_155 = arith.constant 0 : i32
      %dma_wait3A_156 = tpu.memref_slice %arg18[%dma_wait3A_155] : memref<128xf32, #tpu.memory_space<vmem>> -> memref<80xf32, #tpu.memory_space<vmem>>
      %dma_wait3A_157 = tpu.memref_slice %arg19[%add3A_117] : memref<10240xf32, #tpu.memory_space<vmem_shared>> -> memref<80xf32, #tpu.memory_space<vmem_shared>>
      %dma_wait3A_158 = tpu.memref_slice %arg19[%add3A_117] : memref<10240xf32, #tpu.memory_space<vmem_shared>> -> memref<80xf32, #tpu.memory_space<vmem_shared>>
      %dma_wait3A_159 = arith.constant 0 : i32
      %dma_wait3A_160 = tpu.memref_slice %arg18[%dma_wait3A_159] : memref<128xf32, #tpu.memory_space<vmem>> -> memref<80xf32, #tpu.memory_space<vmem>>
      tpu.wait_dma2 semaphore(%run_scoped3A : memref<!tpu.dma_semaphore, #tpu.memory_space<semaphore_mem>>) src(%dma_wait3A_160 : memref<80xf32, #tpu.memory_space<vmem>>) dst(%dma_wait3A_158 : memref<80xf32, #tpu.memory_space<vmem_shared>>)
      tpu.yield
    }) : () -> ()
    %add3A_118 = arith.constant 560 : i32
    %add3A_119 = arith.addi %mul3A_8, %add3A_118 : i32
    "tpu.region"() ({
      %run_scoped3A = tpu.sem_alloc : memref<!tpu.dma_semaphore, #tpu.memory_space<semaphore_mem>>
      %dma_start3A_149 = arith.constant 0 : i32
      %dma_start3A_150 = tpu.memref_slice %arg18[%dma_start3A_149] : memref<128xf32, #tpu.memory_space<vmem>> -> memref<80xf32, #tpu.memory_space<vmem>>
      %dma_start3A_151 = tpu.memref_slice %arg19[%add3A_119] : memref<10240xf32, #tpu.memory_space<vmem_shared>> -> memref<80xf32, #tpu.memory_space<vmem_shared>>
      %dma_start3A_152 = tpu.memref_slice %arg19[%add3A_119] : memref<10240xf32, #tpu.memory_space<vmem_shared>> -> memref<80xf32, #tpu.memory_space<vmem_shared>>
      %dma_start3A_153 = arith.constant 0 : i32
      %dma_start3A_154 = tpu.memref_slice %arg18[%dma_start3A_153] : memref<128xf32, #tpu.memory_space<vmem>> -> memref<80xf32, #tpu.memory_space<vmem>>
      tpu.enqueue_dma source(%dma_start3A_154 : memref<80xf32, #tpu.memory_space<vmem>>) target(%dma_start3A_152 : memref<80xf32, #tpu.memory_space<vmem_shared>>) target_semaphore(%run_scoped3A : memref<!tpu.dma_semaphore, #tpu.memory_space<semaphore_mem>>)
      %dma_wait3A_155 = arith.constant 0 : i32
      %dma_wait3A_156 = tpu.memref_slice %arg18[%dma_wait3A_155] : memref<128xf32, #tpu.memory_space<vmem>> -> memref<80xf32, #tpu.memory_space<vmem>>
      %dma_wait3A_157 = tpu.memref_slice %arg19[%add3A_119] : memref<10240xf32, #tpu.memory_space<vmem_shared>> -> memref<80xf32, #tpu.memory_space<vmem_shared>>
      %dma_wait3A_158 = tpu.memref_slice %arg19[%add3A_119] : memref<10240xf32, #tpu.memory_space<vmem_shared>> -> memref<80xf32, #tpu.memory_space<vmem_shared>>
      %dma_wait3A_159 = arith.constant 0 : i32
      %dma_wait3A_160 = tpu.memref_slice %arg18[%dma_wait3A_159] : memref<128xf32, #tpu.memory_space<vmem>> -> memref<80xf32, #tpu.memory_space<vmem>>
      tpu.wait_dma2 semaphore(%run_scoped3A : memref<!tpu.dma_semaphore, #tpu.memory_space<semaphore_mem>>) src(%dma_wait3A_160 : memref<80xf32, #tpu.memory_space<vmem>>) dst(%dma_wait3A_158 : memref<80xf32, #tpu.memory_space<vmem_shared>>)
      tpu.yield
    }) : () -> ()
    %barrier3A = arith.constant 0 : index
    tpu.barrier barrier_id(%barrier3A)
    %dma_start3A = arith.constant 0 : i32
    %dma_start3A_120 = arith.constant 0 : i32
    %dma_start3A_121 = tpu.memref_slice %arg3[%add3A, %dma_start3A, %dma_start3A_120] : memref<32x100x100xi32, #tpu.memory_space<hbm>> -> memref<1x1x100xi32, #tpu.memory_space<hbm>>
    %dma_start3A_122 = tpu.memref_squeeze %dma_start3A_121 : memref<1x1x100xi32, #tpu.memory_space<hbm>> -> memref<100xi32, #tpu.memory_space<hbm>>
    %dma_start3A_123 = arith.constant 0 : i32
    %dma_start3A_124 = tpu.memref_slice %arg3[%add3A, %dma_start3A, %dma_start3A_123] : memref<32x100x100xi32, #tpu.memory_space<hbm>> -> memref<1x1x100xi32, #tpu.memory_space<hbm>>
    %dma_start3A_125 = tpu.memref_squeeze %dma_start3A_124 : memref<1x1x100xi32, #tpu.memory_space<hbm>> -> memref<100xi32, #tpu.memory_space<hbm>>
    tpu.enqueue_dma source(%dma_start3A_125 : memref<100xi32, #tpu.memory_space<hbm>>) target(%arg8 : memref<100xi32, #tpu.memory_space<vmem>>) target_semaphore(%arg13 : memref<!tpu.dma_semaphore, #tpu.memory_space<semaphore_mem>>)
    %dma_start3A_126 = arith.constant 1 : i32
    %dma_start3A_127 = arith.constant 0 : i32
    %dma_start3A_128 = tpu.memref_slice %arg3[%add3A, %dma_start3A_126, %dma_start3A_127] : memref<32x100x100xi32, #tpu.memory_space<hbm>> -> memref<1x1x100xi32, #tpu.memory_space<hbm>>
    %dma_start3A_129 = tpu.memref_squeeze %dma_start3A_128 : memref<1x1x100xi32, #tpu.memory_space<hbm>> -> memref<100xi32, #tpu.memory_space<hbm>>
    %dma_start3A_130 = arith.constant 0 : i32
    %dma_start3A_131 = tpu.memref_slice %arg3[%add3A, %dma_start3A_126, %dma_start3A_130] : memref<32x100x100xi32, #tpu.memory_space<hbm>> -> memref<1x1x100xi32, #tpu.memory_space<hbm>>
    %dma_start3A_132 = tpu.memref_squeeze %dma_start3A_131 : memref<1x1x100xi32, #tpu.memory_space<hbm>> -> memref<100xi32, #tpu.memory_space<hbm>>
    tpu.enqueue_dma source(%dma_start3A_132 : memref<100xi32, #tpu.memory_space<hbm>>) target(%arg9 : memref<100xi32, #tpu.memory_space<vmem>>) target_semaphore(%arg14 : memref<!tpu.dma_semaphore, #tpu.memory_space<semaphore_mem>>)
    %dma_wait3A = arith.constant 0 : i32
    %dma_wait3A_133 = arith.constant 0 : i32
    %dma_wait3A_134 = tpu.memref_slice %arg3[%add3A, %dma_wait3A, %dma_wait3A_133] : memref<32x100x100xi32, #tpu.memory_space<hbm>> -> memref<1x1x100xi32, #tpu.memory_space<hbm>>
    %dma_wait3A_135 = tpu.memref_squeeze %dma_wait3A_134 : memref<1x1x100xi32, #tpu.memory_space<hbm>> -> memref<100xi32, #tpu.memory_space<hbm>>
    %dma_wait3A_136 = arith.constant 0 : i32
    %dma_wait3A_137 = tpu.memref_slice %arg3[%add3A, %dma_wait3A, %dma_wait3A_136] : memref<32x100x100xi32, #tpu.memory_space<hbm>> -> memref<1x1x100xi32, #tpu.memory_space<hbm>>
    %dma_wait3A_138 = tpu.memref_squeeze %dma_wait3A_137 : memref<1x1x100xi32, #tpu.memory_space<hbm>> -> memref<100xi32, #tpu.memory_space<hbm>>
    tpu.wait_dma2 semaphore(%arg13 : memref<!tpu.dma_semaphore, #tpu.memory_space<semaphore_mem>>) src(%dma_wait3A_138 : memref<100xi32, #tpu.memory_space<hbm>>) dst(%arg8 : memref<100xi32, #tpu.memory_space<vmem>>)
    %dma_start3A_139 = arith.constant 0 : i32
    %dma_start3A_140 = arith.constant 0 : i32
    %dma_start3A_141 = tpu.memref_slice %arg2[%dma_start3A_139, %dma_start3A_140] : memref<10240x128xf32, #tpu.memory_space<hbm>> -> memref<10240x128xf32, #tpu.memory_space<hbm>>
    tpu.enqueue_indirect_dma source(%dma_start3A_141 : memref<10240x128xf32, #tpu.memory_space<hbm>>) target(%arg10 : memref<100x128xf32, #tpu.memory_space<vmem>>) offsets(%arg8 : memref<100xi32, #tpu.memory_space<vmem>>) semaphore(%arg15 : memref<!tpu.dma_semaphore, #tpu.memory_space<semaphore_mem>>)
    %scan3A_142 = arith.constant 0 : i32
    %scan3A_143 = arith.constant 0 : i32
    %scan3A_144 = arith.constant 50 : i32
    %scan3A_145 = arith.addi %scan3A_143, %scan3A_144 : i32
    %scan3A_146 = arith.constant 1 : i32
    scf.for %scan3A_149 = %scan3A_143 to %scan3A_145 step %scan3A_146  : i32 {
      %mul3A_150 = arith.constant 2 : i32
      %mul3A_151 = arith.muli %mul3A_150, %scan3A_149 : i32
      %add3A_152 = arith.constant 1 : i32
      %add3A_153 = arith.addi %mul3A_151, %add3A_152 : i32
      %lt3A = arith.constant 100 : i32
      %lt3A_154 = arith.cmpi slt, %add3A_153, %lt3A : i32
      %convert_element_type3A = arith.extui %lt3A_154 : i1 to i32
      %cond3A = arith.constant 0 : i32
      %cond3A_155 = arith.cmpi ne, %convert_element_type3A, %cond3A : i32
      scf.if %cond3A_155 {
        %add3A_185 = arith.constant 1 : i32
        %add3A_186 = arith.addi %mul3A_151, %add3A_185 : i32
        %dma_wait3A_187 = arith.constant 0 : i32
        %dma_wait3A_188 = tpu.memref_slice %arg3[%add3A, %add3A_186, %dma_wait3A_187] : memref<32x100x100xi32, #tpu.memory_space<hbm>> -> memref<1x1x100xi32, #tpu.memory_space<hbm>>
        %dma_wait3A_189 = tpu.memref_squeeze %dma_wait3A_188 : memref<1x1x100xi32, #tpu.memory_space<hbm>> -> memref<100xi32, #tpu.memory_space<hbm>>
        %dma_wait3A_190 = arith.constant 0 : i32
        %dma_wait3A_191 = tpu.memref_slice %arg3[%add3A, %add3A_186, %dma_wait3A_190] : memref<32x100x100xi32, #tpu.memory_space<hbm>> -> memref<1x1x100xi32, #tpu.memory_space<hbm>>
        %dma_wait3A_192 = tpu.memref_squeeze %dma_wait3A_191 : memref<1x1x100xi32, #tpu.memory_space<hbm>> -> memref<100xi32, #tpu.memory_space<hbm>>
        tpu.wait_dma2 semaphore(%arg14 : memref<!tpu.dma_semaphore, #tpu.memory_space<semaphore_mem>>) src(%dma_wait3A_192 : memref<100xi32, #tpu.memory_space<hbm>>) dst(%arg9 : memref<100xi32, #tpu.memory_space<vmem>>)
        %dma_start3A_193 = arith.constant 0 : i32
        %dma_start3A_194 = arith.constant 0 : i32
        %dma_start3A_195 = tpu.memref_slice %arg2[%dma_start3A_193, %dma_start3A_194] : memref<10240x128xf32, #tpu.memory_space<hbm>> -> memref<10240x128xf32, #tpu.memory_space<hbm>>
        tpu.enqueue_indirect_dma source(%dma_start3A_195 : memref<10240x128xf32, #tpu.memory_space<hbm>>) target(%arg11 : memref<100x128xf32, #tpu.memory_space<vmem>>) offsets(%arg9 : memref<100xi32, #tpu.memory_space<vmem>>) semaphore(%arg16 : memref<!tpu.dma_semaphore, #tpu.memory_space<semaphore_mem>>)
      } else {
      }
      %dma_wait3A_156 = arith.constant 0 : i32
      %dma_wait3A_157 = arith.constant 0 : i32
      %dma_wait3A_158 = tpu.memref_slice %arg2[%dma_wait3A_156, %dma_wait3A_157] : memref<10240x128xf32, #tpu.memory_space<hbm>> -> memref<10240x128xf32, #tpu.memory_space<hbm>>
      tpu.wait_indirect_dma semaphore(%arg15 : memref<!tpu.dma_semaphore, #tpu.memory_space<semaphore_mem>>) src(%dma_wait3A_158 : memref<10240x128xf32, #tpu.memory_space<hbm>>) dst(%arg10 : memref<100x128xf32, #tpu.memory_space<vmem>>)
      "tpu.region"() ({
        %run_scoped3A = tpu.sem_alloc : memref<!tpu.dma_semaphore, #tpu.memory_space<semaphore_mem>>
        %dma_start3A_185 = arith.constant 0 : i32
        %dma_start3A_186 = tpu.memref_slice %arg7[%mul3A_151, %dma_start3A_185] : memref<100x100xi32, #tpu.memory_space<vmem>> -> memref<1x100xi32, #tpu.memory_space<vmem>>
        %dma_start3A_187 = tpu.memref_squeeze %dma_start3A_186 : memref<1x100xi32, #tpu.memory_space<vmem>> -> memref<100xi32, #tpu.memory_space<vmem>>
        %dma_start3A_188 = arith.constant 0 : i32
        %dma_start3A_189 = arith.constant 0 : i32
        %dma_start3A_190 = tpu.memref_slice %arg12[%dma_start3A_188, %dma_start3A_189] : memref<10240x128xf32, #tpu.memory_space<vmem_shared>> -> memref<10240x128xf32, #tpu.memory_space<vmem_shared>>
        tpu.enqueue_indirect_dma source(%arg10 : memref<100x128xf32, #tpu.memory_space<vmem>>) target(%dma_start3A_190 : memref<10240x128xf32, #tpu.memory_space<vmem_shared>>) offsets(%dma_start3A_187 : memref<100xi32, #tpu.memory_space<vmem>>) semaphore(%run_scoped3A : memref<!tpu.dma_semaphore, #tpu.memory_space<semaphore_mem>>) {add = true}
        %dma_wait3A_191 = arith.constant 0 : i32
        %dma_wait3A_192 = tpu.memref_slice %arg7[%mul3A_151, %dma_wait3A_191] : memref<100x100xi32, #tpu.memory_space<vmem>> -> memref<1x100xi32, #tpu.memory_space<vmem>>
        %dma_wait3A_193 = tpu.memref_squeeze %dma_wait3A_192 : memref<1x100xi32, #tpu.memory_space<vmem>> -> memref<100xi32, #tpu.memory_space<vmem>>
        %dma_wait3A_194 = arith.constant 0 : i32
        %dma_wait3A_195 = arith.constant 0 : i32
        %dma_wait3A_196 = tpu.memref_slice %arg12[%dma_wait3A_194, %dma_wait3A_195] : memref<10240x128xf32, #tpu.memory_space<vmem_shared>> -> memref<10240x128xf32, #tpu.memory_space<vmem_shared>>
        tpu.wait_indirect_dma semaphore(%run_scoped3A : memref<!tpu.dma_semaphore, #tpu.memory_space<semaphore_mem>>) src(%arg10 : memref<100x128xf32, #tpu.memory_space<vmem>>) dst(%dma_wait3A_196 : memref<10240x128xf32, #tpu.memory_space<vmem_shared>>)
        tpu.yield
      }) : () -> ()
      "tpu.region"() ({
        %run_scoped3A = tpu.sem_alloc : memref<!tpu.dma_semaphore, #tpu.memory_space<semaphore_mem>>
        %dma_start3A_185 = arith.constant 0 : i32
        %dma_start3A_186 = tpu.memref_slice %arg17[%dma_start3A_185] : memref<128xf32, #tpu.memory_space<vmem>> -> memref<100xf32, #tpu.memory_space<vmem>>
        %dma_start3A_187 = arith.constant 0 : i32
        %dma_start3A_188 = tpu.memref_slice %arg7[%mul3A_151, %dma_start3A_187] : memref<100x100xi32, #tpu.memory_space<vmem>> -> memref<1x100xi32, #tpu.memory_space<vmem>>
        %dma_start3A_189 = tpu.memref_squeeze %dma_start3A_188 : memref<1x100xi32, #tpu.memory_space<vmem>> -> memref<100xi32, #tpu.memory_space<vmem>>
        %dma_start3A_190 = arith.constant 0 : i32
        %dma_start3A_191 = tpu.memref_slice %arg19[%dma_start3A_190] : memref<10240xf32, #tpu.memory_space<vmem_shared>> -> memref<10240xf32, #tpu.memory_space<vmem_shared>>
        tpu.enqueue_indirect_dma source(%dma_start3A_186 : memref<100xf32, #tpu.memory_space<vmem>>) target(%dma_start3A_191 : memref<10240xf32, #tpu.memory_space<vmem_shared>>) offsets(%dma_start3A_189 : memref<100xi32, #tpu.memory_space<vmem>>) semaphore(%run_scoped3A : memref<!tpu.dma_semaphore, #tpu.memory_space<semaphore_mem>>) {add = true}
        %dma_wait3A_192 = arith.constant 0 : i32
        %dma_wait3A_193 = tpu.memref_slice %arg17[%dma_wait3A_192] : memref<128xf32, #tpu.memory_space<vmem>> -> memref<100xf32, #tpu.memory_space<vmem>>
        %dma_wait3A_194 = arith.constant 0 : i32
        %dma_wait3A_195 = tpu.memref_slice %arg7[%mul3A_151, %dma_wait3A_194] : memref<100x100xi32, #tpu.memory_space<vmem>> -> memref<1x100xi32, #tpu.memory_space<vmem>>
        %dma_wait3A_196 = tpu.memref_squeeze %dma_wait3A_195 : memref<1x100xi32, #tpu.memory_space<vmem>> -> memref<100xi32, #tpu.memory_space<vmem>>
        %dma_wait3A_197 = arith.constant 0 : i32
        %dma_wait3A_198 = tpu.memref_slice %arg19[%dma_wait3A_197] : memref<10240xf32, #tpu.memory_space<vmem_shared>> -> memref<10240xf32, #tpu.memory_space<vmem_shared>>
        tpu.wait_indirect_dma semaphore(%run_scoped3A : memref<!tpu.dma_semaphore, #tpu.memory_space<semaphore_mem>>) src(%dma_wait3A_193 : memref<100xf32, #tpu.memory_space<vmem>>) dst(%dma_wait3A_198 : memref<10240xf32, #tpu.memory_space<vmem_shared>>)
        tpu.yield
      }) : () -> ()
      %add3A_159 = arith.constant 2 : i32
      %add3A_160 = arith.addi %mul3A_151, %add3A_159 : i32
      %lt3A_161 = arith.constant 100 : i32
      %lt3A_162 = arith.cmpi slt, %add3A_160, %lt3A_161 : i32
      %convert_element_type3A_163 = arith.extui %lt3A_162 : i1 to i32
      %cond3A_164 = arith.constant 0 : i32
      %cond3A_165 = arith.cmpi ne, %convert_element_type3A_163, %cond3A_164 : i32
      scf.if %cond3A_165 {
        %add3A_185 = arith.constant 2 : i32
        %add3A_186 = arith.addi %mul3A_151, %add3A_185 : i32
        %dma_start3A_187 = arith.constant 0 : i32
        %dma_start3A_188 = tpu.memref_slice %arg3[%add3A, %add3A_186, %dma_start3A_187] : memref<32x100x100xi32, #tpu.memory_space<hbm>> -> memref<1x1x100xi32, #tpu.memory_space<hbm>>
        %dma_start3A_189 = tpu.memref_squeeze %dma_start3A_188 : memref<1x1x100xi32, #tpu.memory_space<hbm>> -> memref<100xi32, #tpu.memory_space<hbm>>
        %dma_start3A_190 = arith.constant 0 : i32
        %dma_start3A_191 = tpu.memref_slice %arg3[%add3A, %add3A_186, %dma_start3A_190] : memref<32x100x100xi32, #tpu.memory_space<hbm>> -> memref<1x1x100xi32, #tpu.memory_space<hbm>>
        %dma_start3A_192 = tpu.memref_squeeze %dma_start3A_191 : memref<1x1x100xi32, #tpu.memory_space<hbm>> -> memref<100xi32, #tpu.memory_space<hbm>>
        tpu.enqueue_dma source(%dma_start3A_192 : memref<100xi32, #tpu.memory_space<hbm>>) target(%arg8 : memref<100xi32, #tpu.memory_space<vmem>>) target_semaphore(%arg13 : memref<!tpu.dma_semaphore, #tpu.memory_space<semaphore_mem>>)
      } else {
      }
      %add3A_166 = arith.constant 1 : i32
      %add3A_167 = arith.addi %mul3A_151, %add3A_166 : i32
      %add3A_168 = arith.constant 1 : i32
      %add3A_169 = arith.addi %add3A_167, %add3A_168 : i32
      %lt3A_170 = arith.constant 100 : i32
      %lt3A_171 = arith.cmpi slt, %add3A_169, %lt3A_170 : i32
      %convert_element_type3A_172 = arith.extui %lt3A_171 : i1 to i32
      %cond3A_173 = arith.constant 0 : i32
      %cond3A_174 = arith.cmpi ne, %convert_element_type3A_172, %cond3A_173 : i32
      scf.if %cond3A_174 {
        %add3A_185 = arith.constant 1 : i32
        %add3A_186 = arith.addi %add3A_167, %add3A_185 : i32
        %dma_wait3A_187 = arith.constant 0 : i32
        %dma_wait3A_188 = tpu.memref_slice %arg3[%add3A, %add3A_186, %dma_wait3A_187] : memref<32x100x100xi32, #tpu.memory_space<hbm>> -> memref<1x1x100xi32, #tpu.memory_space<hbm>>
        %dma_wait3A_189 = tpu.memref_squeeze %dma_wait3A_188 : memref<1x1x100xi32, #tpu.memory_space<hbm>> -> memref<100xi32, #tpu.memory_space<hbm>>
        %dma_wait3A_190 = arith.constant 0 : i32
        %dma_wait3A_191 = tpu.memref_slice %arg3[%add3A, %add3A_186, %dma_wait3A_190] : memref<32x100x100xi32, #tpu.memory_space<hbm>> -> memref<1x1x100xi32, #tpu.memory_space<hbm>>
        %dma_wait3A_192 = tpu.memref_squeeze %dma_wait3A_191 : memref<1x1x100xi32, #tpu.memory_space<hbm>> -> memref<100xi32, #tpu.memory_space<hbm>>
        tpu.wait_dma2 semaphore(%arg13 : memref<!tpu.dma_semaphore, #tpu.memory_space<semaphore_mem>>) src(%dma_wait3A_192 : memref<100xi32, #tpu.memory_space<hbm>>) dst(%arg8 : memref<100xi32, #tpu.memory_space<vmem>>)
        %dma_start3A_193 = arith.constant 0 : i32
        %dma_start3A_194 = arith.constant 0 : i32
        %dma_start3A_195 = tpu.memref_slice %arg2[%dma_start3A_193, %dma_start3A_194] : memref<10240x128xf32, #tpu.memory_space<hbm>> -> memref<10240x128xf32, #tpu.memory_space<hbm>>
        tpu.enqueue_indirect_dma source(%dma_start3A_195 : memref<10240x128xf32, #tpu.memory_space<hbm>>) target(%arg10 : memref<100x128xf32, #tpu.memory_space<vmem>>) offsets(%arg8 : memref<100xi32, #tpu.memory_space<vmem>>) semaphore(%arg15 : memref<!tpu.dma_semaphore, #tpu.memory_space<semaphore_mem>>)
      } else {
      }
      %dma_wait3A_175 = arith.constant 0 : i32
      %dma_wait3A_176 = arith.constant 0 : i32
      %dma_wait3A_177 = tpu.memref_slice %arg2[%dma_wait3A_175, %dma_wait3A_176] : memref<10240x128xf32, #tpu.memory_space<hbm>> -> memref<10240x128xf32, #tpu.memory_space<hbm>>
      tpu.wait_indirect_dma semaphore(%arg16 : memref<!tpu.dma_semaphore, #tpu.memory_space<semaphore_mem>>) src(%dma_wait3A_177 : memref<10240x128xf32, #tpu.memory_space<hbm>>) dst(%arg11 : memref<100x128xf32, #tpu.memory_space<vmem>>)
      "tpu.region"() ({
        %run_scoped3A = tpu.sem_alloc : memref<!tpu.dma_semaphore, #tpu.memory_space<semaphore_mem>>
        %dma_start3A_185 = arith.constant 0 : i32
        %dma_start3A_186 = tpu.memref_slice %arg7[%add3A_167, %dma_start3A_185] : memref<100x100xi32, #tpu.memory_space<vmem>> -> memref<1x100xi32, #tpu.memory_space<vmem>>
        %dma_start3A_187 = tpu.memref_squeeze %dma_start3A_186 : memref<1x100xi32, #tpu.memory_space<vmem>> -> memref<100xi32, #tpu.memory_space<vmem>>
        %dma_start3A_188 = arith.constant 0 : i32
        %dma_start3A_189 = arith.constant 0 : i32
        %dma_start3A_190 = tpu.memref_slice %arg12[%dma_start3A_188, %dma_start3A_189] : memref<10240x128xf32, #tpu.memory_space<vmem_shared>> -> memref<10240x128xf32, #tpu.memory_space<vmem_shared>>
        tpu.enqueue_indirect_dma source(%arg11 : memref<100x128xf32, #tpu.memory_space<vmem>>) target(%dma_start3A_190 : memref<10240x128xf32, #tpu.memory_space<vmem_shared>>) offsets(%dma_start3A_187 : memref<100xi32, #tpu.memory_space<vmem>>) semaphore(%run_scoped3A : memref<!tpu.dma_semaphore, #tpu.memory_space<semaphore_mem>>) {add = true}
        %dma_wait3A_191 = arith.constant 0 : i32
        %dma_wait3A_192 = tpu.memref_slice %arg7[%add3A_167, %dma_wait3A_191] : memref<100x100xi32, #tpu.memory_space<vmem>> -> memref<1x100xi32, #tpu.memory_space<vmem>>
        %dma_wait3A_193 = tpu.memref_squeeze %dma_wait3A_192 : memref<1x100xi32, #tpu.memory_space<vmem>> -> memref<100xi32, #tpu.memory_space<vmem>>
        %dma_wait3A_194 = arith.constant 0 : i32
        %dma_wait3A_195 = arith.constant 0 : i32
        %dma_wait3A_196 = tpu.memref_slice %arg12[%dma_wait3A_194, %dma_wait3A_195] : memref<10240x128xf32, #tpu.memory_space<vmem_shared>> -> memref<10240x128xf32, #tpu.memory_space<vmem_shared>>
        tpu.wait_indirect_dma semaphore(%run_scoped3A : memref<!tpu.dma_semaphore, #tpu.memory_space<semaphore_mem>>) src(%arg11 : memref<100x128xf32, #tpu.memory_space<vmem>>) dst(%dma_wait3A_196 : memref<10240x128xf32, #tpu.memory_space<vmem_shared>>)
        tpu.yield
      }) : () -> ()
      "tpu.region"() ({
        %run_scoped3A = tpu.sem_alloc : memref<!tpu.dma_semaphore, #tpu.memory_space<semaphore_mem>>
        %dma_start3A_185 = arith.constant 0 : i32
        %dma_start3A_186 = tpu.memref_slice %arg17[%dma_start3A_185] : memref<128xf32, #tpu.memory_space<vmem>> -> memref<100xf32, #tpu.memory_space<vmem>>
        %dma_start3A_187 = arith.constant 0 : i32
        %dma_start3A_188 = tpu.memref_slice %arg7[%add3A_167, %dma_start3A_187] : memref<100x100xi32, #tpu.memory_space<vmem>> -> memref<1x100xi32, #tpu.memory_space<vmem>>
        %dma_start3A_189 = tpu.memref_squeeze %dma_start3A_188 : memref<1x100xi32, #tpu.memory_space<vmem>> -> memref<100xi32, #tpu.memory_space<vmem>>
        %dma_start3A_190 = arith.constant 0 : i32
        %dma_start3A_191 = tpu.memref_slice %arg19[%dma_start3A_190] : memref<10240xf32, #tpu.memory_space<vmem_shared>> -> memref<10240xf32, #tpu.memory_space<vmem_shared>>
        tpu.enqueue_indirect_dma source(%dma_start3A_186 : memref<100xf32, #tpu.memory_space<vmem>>) target(%dma_start3A_191 : memref<10240xf32, #tpu.memory_space<vmem_shared>>) offsets(%dma_start3A_189 : memref<100xi32, #tpu.memory_space<vmem>>) semaphore(%run_scoped3A : memref<!tpu.dma_semaphore, #tpu.memory_space<semaphore_mem>>) {add = true}
        %dma_wait3A_192 = arith.constant 0 : i32
        %dma_wait3A_193 = tpu.memref_slice %arg17[%dma_wait3A_192] : memref<128xf32, #tpu.memory_space<vmem>> -> memref<100xf32, #tpu.memory_space<vmem>>
        %dma_wait3A_194 = arith.constant 0 : i32
        %dma_wait3A_195 = tpu.memref_slice %arg7[%add3A_167, %dma_wait3A_194] : memref<100x100xi32, #tpu.memory_space<vmem>> -> memref<1x100xi32, #tpu.memory_space<vmem>>
        %dma_wait3A_196 = tpu.memref_squeeze %dma_wait3A_195 : memref<1x100xi32, #tpu.memory_space<vmem>> -> memref<100xi32, #tpu.memory_space<vmem>>
        %dma_wait3A_197 = arith.constant 0 : i32
        %dma_wait3A_198 = tpu.memref_slice %arg19[%dma_wait3A_197] : memref<10240xf32, #tpu.memory_space<vmem_shared>> -> memref<10240xf32, #tpu.memory_space<vmem_shared>>
        tpu.wait_indirect_dma semaphore(%run_scoped3A : memref<!tpu.dma_semaphore, #tpu.memory_space<semaphore_mem>>) src(%dma_wait3A_193 : memref<100xf32, #tpu.memory_space<vmem>>) dst(%dma_wait3A_198 : memref<10240xf32, #tpu.memory_space<vmem_shared>>)
        tpu.yield
      }) : () -> ()
      %add3A_178 = arith.constant 2 : i32
      %add3A_179 = arith.addi %add3A_167, %add3A_178 : i32
      %lt3A_180 = arith.constant 100 : i32
      %lt3A_181 = arith.cmpi slt, %add3A_179, %lt3A_180 : i32
      %convert_element_type3A_182 = arith.extui %lt3A_181 : i1 to i32
      %cond3A_183 = arith.constant 0 : i32
      %cond3A_184 = arith.cmpi ne, %convert_element_type3A_182, %cond3A_183 : i32
      scf.if %cond3A_184 {
        %add3A_185 = arith.constant 2 : i32
        %add3A_186 = arith.addi %add3A_167, %add3A_185 : i32
        %dma_start3A_187 = arith.constant 0 : i32
        %dma_start3A_188 = tpu.memref_slice %arg3[%add3A, %add3A_186, %dma_start3A_187] : memref<32x100x100xi32, #tpu.memory_space<hbm>> -> memref<1x1x100xi32, #tpu.memory_space<hbm>>
        %dma_start3A_189 = tpu.memref_squeeze %dma_start3A_188 : memref<1x1x100xi32, #tpu.memory_space<hbm>> -> memref<100xi32, #tpu.memory_space<hbm>>
        %dma_start3A_190 = arith.constant 0 : i32
        %dma_start3A_191 = tpu.memref_slice %arg3[%add3A, %add3A_186, %dma_start3A_190] : memref<32x100x100xi32, #tpu.memory_space<hbm>> -> memref<1x1x100xi32, #tpu.memory_space<hbm>>
        %dma_start3A_192 = tpu.memref_squeeze %dma_start3A_191 : memref<1x1x100xi32, #tpu.memory_space<hbm>> -> memref<100xi32, #tpu.memory_space<hbm>>
        tpu.enqueue_dma source(%dma_start3A_192 : memref<100xi32, #tpu.memory_space<hbm>>) target(%arg9 : memref<100xi32, #tpu.memory_space<vmem>>) target_semaphore(%arg14 : memref<!tpu.dma_semaphore, #tpu.memory_space<semaphore_mem>>)
      } else {
      }
    }
    %scan3A_147 = arith.constant 50 : i32
    %barrier3A_148 = arith.constant 0 : index
    tpu.barrier barrier_id(%barrier3A_148)
    "tpu.region"() ({
      %run_scoped3A = tpu.sem_alloc : memref<!tpu.dma_semaphore, #tpu.memory_space<semaphore_mem>>
      %dma_start3A_149 = arith.constant 0 : i32
      %dma_start3A_150 = tpu.memref_slice %arg5[%arg0, %mul3A_8, %dma_start3A_149] : memref<2x10240x128xf32, #tpu.memory_space<hbm>> -> memref<1x640x128xf32, #tpu.memory_space<hbm>>
      %dma_start3A_151 = tpu.memref_squeeze %dma_start3A_150 : memref<1x640x128xf32, #tpu.memory_space<hbm>> -> memref<640x128xf32, #tpu.memory_space<hbm>>
      %dma_start3A_152 = arith.constant 0 : i32
      %dma_start3A_153 = tpu.memref_slice %arg12[%mul3A_8, %dma_start3A_152] : memref<10240x128xf32, #tpu.memory_space<vmem_shared>> -> memref<640x128xf32, #tpu.memory_space<vmem_shared>>
      tpu.enqueue_dma source(%dma_start3A_153 : memref<640x128xf32, #tpu.memory_space<vmem_shared>>) target(%dma_start3A_151 : memref<640x128xf32, #tpu.memory_space<hbm>>) target_semaphore(%run_scoped3A : memref<!tpu.dma_semaphore, #tpu.memory_space<semaphore_mem>>)
      %dma_wait3A_154 = arith.constant 0 : i32
      %dma_wait3A_155 = tpu.memref_slice %arg5[%arg0, %mul3A_8, %dma_wait3A_154] : memref<2x10240x128xf32, #tpu.memory_space<hbm>> -> memref<1x640x128xf32, #tpu.memory_space<hbm>>
      %dma_wait3A_156 = tpu.memref_squeeze %dma_wait3A_155 : memref<1x640x128xf32, #tpu.memory_space<hbm>> -> memref<640x128xf32, #tpu.memory_space<hbm>>
      %dma_wait3A_157 = arith.constant 0 : i32
      %dma_wait3A_158 = tpu.memref_slice %arg12[%mul3A_8, %dma_wait3A_157] : memref<10240x128xf32, #tpu.memory_space<vmem_shared>> -> memref<640x128xf32, #tpu.memory_space<vmem_shared>>
      tpu.wait_dma2 semaphore(%run_scoped3A : memref<!tpu.dma_semaphore, #tpu.memory_space<semaphore_mem>>) src(%dma_wait3A_158 : memref<640x128xf32, #tpu.memory_space<vmem_shared>>) dst(%dma_wait3A_156 : memref<640x128xf32, #tpu.memory_space<hbm>>)
      tpu.yield
    }) : () -> ()
    "tpu.region"() ({
      %run_scoped3A = tpu.sem_alloc : memref<!tpu.dma_semaphore, #tpu.memory_space<semaphore_mem>>
      %dma_start3A_149 = tpu.memref_slice %arg6[%arg0, %mul3A_8] : memref<2x10240xf32, #tpu.memory_space<hbm>> -> memref<1x640xf32, #tpu.memory_space<hbm>>
      %dma_start3A_150 = tpu.memref_squeeze %dma_start3A_149 : memref<1x640xf32, #tpu.memory_space<hbm>> -> memref<640xf32, #tpu.memory_space<hbm>>
      %dma_start3A_151 = tpu.memref_slice %arg19[%mul3A_8] : memref<10240xf32, #tpu.memory_space<vmem_shared>> -> memref<640xf32, #tpu.memory_space<vmem_shared>>
      tpu.enqueue_dma source(%dma_start3A_151 : memref<640xf32, #tpu.memory_space<vmem_shared>>) target(%dma_start3A_150 : memref<640xf32, #tpu.memory_space<hbm>>) target_semaphore(%run_scoped3A : memref<!tpu.dma_semaphore, #tpu.memory_space<semaphore_mem>>)
      %dma_wait3A_152 = tpu.memref_slice %arg6[%arg0, %mul3A_8] : memref<2x10240xf32, #tpu.memory_space<hbm>> -> memref<1x640xf32, #tpu.memory_space<hbm>>
      %dma_wait3A_153 = tpu.memref_squeeze %dma_wait3A_152 : memref<1x640xf32, #tpu.memory_space<hbm>> -> memref<640xf32, #tpu.memory_space<hbm>>
      %dma_wait3A_154 = tpu.memref_slice %arg19[%mul3A_8] : memref<10240xf32, #tpu.memory_space<vmem_shared>> -> memref<640xf32, #tpu.memory_space<vmem_shared>>
      tpu.wait_dma2 semaphore(%run_scoped3A : memref<!tpu.dma_semaphore, #tpu.memory_space<semaphore_mem>>) src(%dma_wait3A_154 : memref<640xf32, #tpu.memory_space<vmem_shared>>) dst(%dma_wait3A_153 : memref<640xf32, #tpu.memory_space<hbm>>)
      tpu.yield
    }) : () -> ()
    return
  }
}

module attributes {stable_mosaic.version = 14 : i64} {
  func.func @_tc1_body(%arg0: i32, %arg1: memref<2x1280x128xf32, #tpu.memory_space<vmem>>, %arg2: memref<2x1280xf32, #tpu.memory_space<vmem>>, %arg3: memref<1280x128xf32, #tpu.memory_space<vmem>>, %arg4: memref<256x128xf32, #tpu.memory_space<vmem>>, %arg5: memref<256x128xf32, #tpu.memory_space<vmem>>, %arg6: memref<256xf32, #tpu.memory_space<vmem>>, %arg7: memref<128x256xf32, #tpu.memory_space<vmem>>, %arg8: memref<128x256xf32, #tpu.memory_space<vmem>>, %arg9: memref<128xf32, #tpu.memory_space<vmem>>, %arg10: memref<1280x128xf32, #tpu.memory_space<vmem>>, %arg11: memref<1280x128xf32, #tpu.memory_space<vmem>>) attributes {dimension_semantics = [#tpu.dimension_semantics<arbitrary>], iteration_bounds = array<i64: 8>, scalar_prefetch = 0 : i64, scratch_operands = 0 : i64, tpu.core_type = #tpu.core_type<tc>, window_params = [{transform_indices = @transform_0, window_bounds = array<i64: 2, 1280, 128>}, {transform_indices = @transform_1, window_bounds = array<i64: 2, 1280>}, {transform_indices = @transform_2, window_bounds = array<i64: 1280, 128>}, {pipeline_mode = #tpu.pipeline_mode<synchronous>, transform_indices = @transform_3, window_bounds = array<i64: 256, 128>}, {pipeline_mode = #tpu.pipeline_mode<synchronous>, transform_indices = @transform_4, window_bounds = array<i64: 256, 128>}, {pipeline_mode = #tpu.pipeline_mode<synchronous>, transform_indices = @transform_5, window_bounds = array<i64: 256>}, {pipeline_mode = #tpu.pipeline_mode<synchronous>, transform_indices = @transform_6, window_bounds = array<i64: 128, 256>}, {pipeline_mode = #tpu.pipeline_mode<synchronous>, transform_indices = @transform_7, window_bounds = array<i64: 128, 256>}, {pipeline_mode = #tpu.pipeline_mode<synchronous>, transform_indices = @transform_8, window_bounds = array<i64: 128>}, {transform_indices = @transform_9, window_bounds = array<i64: 1280, 128>}, {transform_indices = @transform_10, window_bounds = array<i64: 1280, 128>}]} {
    %get3A = arith.constant 0 : index
    %get3A_0 = arith.constant 0 : index
    %get3A_1 = arith.constant 0 : index
    %get3A_2 = vector.load %arg1[%get3A, %get3A_0, %get3A_1] : memref<2x1280x128xf32, #tpu.memory_space<vmem>>, vector<1x1280x128xf32>
    %get3A_3 = vector.shape_cast %get3A_2 : vector<1x1280x128xf32> to vector<1280x128xf32>
    %get3A_4 = arith.constant 1 : index
    %get3A_5 = arith.constant 0 : index
    %get3A_6 = arith.constant 0 : index
    %get3A_7 = vector.load %arg1[%get3A_4, %get3A_5, %get3A_6] : memref<2x1280x128xf32, #tpu.memory_space<vmem>>, vector<1x1280x128xf32>
    %get3A_8 = vector.shape_cast %get3A_7 : vector<1x1280x128xf32> to vector<1280x128xf32>
    %add3A = arith.addf %get3A_3, %get3A_8 : vector<1280x128xf32>
    %get3A_9 = arith.constant 0 : index
    %get3A_10 = arith.constant 0 : index
    %get3A_11 = vector.load %arg2[%get3A_9, %get3A_10] : memref<2x1280xf32, #tpu.memory_space<vmem>>, vector<1x1280xf32>
    %get3A_12 = vector.shape_cast %get3A_11 : vector<1x1280xf32> to vector<1280xf32>
    %get3A_13 = arith.constant 1 : index
    %get3A_14 = arith.constant 0 : index
    %get3A_15 = vector.load %arg2[%get3A_13, %get3A_14] : memref<2x1280xf32, #tpu.memory_space<vmem>>, vector<1x1280xf32>
    %get3A_16 = vector.shape_cast %get3A_15 : vector<1x1280xf32> to vector<1280xf32>
    %add3A_17 = arith.addf %get3A_12, %get3A_16 : vector<1280xf32>
    %max3A = arith.constant 1.000000e+00 : f32
    %max3A_18 = vector.broadcast %max3A : f32 to vector<1280xf32>
    %max3A_19 = arith.maximumf %add3A_17, %max3A_18 : vector<1280xf32>
    %div3A = arith.constant 1.000000e+00 : f32
    %div3A_20 = vector.broadcast %div3A : f32 to vector<1280xf32>
    %div3A_21 = arith.divf %div3A_20, %max3A_19 : vector<1280xf32>
    %broadcast_in_dim3A = vector.shape_cast %div3A_21 : vector<1280xf32> to vector<1280x1xf32>
    %mul3A = vector.broadcast %broadcast_in_dim3A : vector<1280x1xf32> to vector<1280x128xf32>
    %mul3A_22 = arith.mulf %add3A, %mul3A : vector<1280x128xf32>
    %get3A_23 = arith.constant 0 : index
    %get3A_24 = arith.constant 0 : index
    %get3A_25 = vector.load %arg4[%get3A_23, %get3A_24] : memref<256x128xf32, #tpu.memory_space<vmem>>, vector<256x128xf32>
    %dot_general3A = arith.constant dense<0.000000e+00> : vector<1280x256xf32>
    %dot_general3A_26 = tpu.matmul %mul3A_22, %get3A_25, %dot_general3A {dimension_numbers = #tpu.dot_dimension_numbers<[1], [1], [0], [0], [0, 0, 1, 0], [], []>, transpose_lhs_hint = false} : vector<1280x128xf32>, vector<256x128xf32>, vector<1280x256xf32> -> vector<1280x256xf32>
    %get3A_27 = arith.constant 0 : index
    %get3A_28 = arith.constant 0 : index
    %get3A_29 = vector.load %arg3[%get3A_27, %get3A_28] : memref<1280x128xf32, #tpu.memory_space<vmem>>, vector<1280x128xf32>
    %get3A_30 = arith.constant 0 : index
    %get3A_31 = arith.constant 0 : index
    %get3A_32 = vector.load %arg5[%get3A_30, %get3A_31] : memref<256x128xf32, #tpu.memory_space<vmem>>, vector<256x128xf32>
    %dot_general3A_33 = arith.constant dense<0.000000e+00> : vector<1280x256xf32>
    %dot_general3A_34 = tpu.matmul %get3A_29, %get3A_32, %dot_general3A_33 {dimension_numbers = #tpu.dot_dimension_numbers<[1], [1], [0], [0], [0, 0, 1, 0], [], []>, transpose_lhs_hint = false} : vector<1280x128xf32>, vector<256x128xf32>, vector<1280x256xf32> -> vector<1280x256xf32>
    %add3A_35 = arith.addf %dot_general3A_26, %dot_general3A_34 : vector<1280x256xf32>
    %get3A_36 = arith.constant 0 : index
    %get3A_37 = vector.load %arg6[%get3A_36] : memref<256xf32, #tpu.memory_space<vmem>>, vector<256xf32>
    %broadcast_in_dim3A_38 = vector.shape_cast %get3A_37 : vector<256xf32> to vector<1x256xf32>
    %add3A_39 = vector.broadcast %broadcast_in_dim3A_38 : vector<1x256xf32> to vector<1280x256xf32>
    %add3A_40 = arith.addf %add3A_35, %add3A_39 : vector<1280x256xf32>
    %max3A_41 = arith.constant 0.000000e+00 : f32
    %max3A_42 = vector.broadcast %max3A_41 : f32 to vector<1280x256xf32>
    %max3A_43 = arith.maximumf %add3A_40, %max3A_42 : vector<1280x256xf32>
    %get3A_44 = arith.constant 0 : index
    %get3A_45 = arith.constant 0 : index
    %get3A_46 = vector.load %arg7[%get3A_44, %get3A_45] : memref<128x256xf32, #tpu.memory_space<vmem>>, vector<128x256xf32>
    %dot_general3A_47 = arith.constant dense<0.000000e+00> : vector<1280x128xf32>
    %dot_general3A_48 = tpu.matmul %max3A_43, %get3A_46, %dot_general3A_47 {dimension_numbers = #tpu.dot_dimension_numbers<[1], [1], [0], [0], [0, 0, 1, 0], [], []>, transpose_lhs_hint = false} : vector<1280x256xf32>, vector<128x256xf32>, vector<1280x128xf32> -> vector<1280x128xf32>
    %swap3A = arith.constant 0 : index
    %swap3A_49 = arith.constant 0 : index
    %swap3A_50 = vector.load %arg10[%swap3A, %swap3A_49] : memref<1280x128xf32, #tpu.memory_space<vmem>>, vector<1280x128xf32>
    tpu.vector_store %arg10[%swap3A, %swap3A_49], %dot_general3A_48 {strides = array<i32>} : memref<1280x128xf32, #tpu.memory_space<vmem>>, vector<1280x128xf32>,
    %get3A_51 = arith.constant 0 : index
    %get3A_52 = arith.constant 0 : index
    %get3A_53 = vector.load %arg8[%get3A_51, %get3A_52] : memref<128x256xf32, #tpu.memory_space<vmem>>, vector<128x256xf32>
    %dot_general3A_54 = arith.constant dense<0.000000e+00> : vector<1280x128xf32>
    %dot_general3A_55 = tpu.matmul %max3A_43, %get3A_53, %dot_general3A_54 {dimension_numbers = #tpu.dot_dimension_numbers<[1], [1], [0], [0], [0, 0, 1, 0], [], []>, transpose_lhs_hint = false} : vector<1280x256xf32>, vector<128x256xf32>, vector<1280x128xf32> -> vector<1280x128xf32>
    %get3A_56 = arith.constant 0 : index
    %get3A_57 = vector.load %arg9[%get3A_56] : memref<128xf32, #tpu.memory_space<vmem>>, vector<128xf32>
    %broadcast_in_dim3A_58 = vector.shape_cast %get3A_57 : vector<128xf32> to vector<1x128xf32>
    %add3A_59 = vector.broadcast %broadcast_in_dim3A_58 : vector<1x128xf32> to vector<1280x128xf32>
    %add3A_60 = arith.addf %dot_general3A_55, %add3A_59 : vector<1280x128xf32>
    %swap3A_61 = arith.constant 0 : index
    %swap3A_62 = arith.constant 0 : index
    %swap3A_63 = vector.load %arg11[%swap3A_61, %swap3A_62] : memref<1280x128xf32, #tpu.memory_space<vmem>>, vector<1280x128xf32>
    tpu.vector_store %arg11[%swap3A_61, %swap3A_62], %add3A_60 {strides = array<i32>} : memref<1280x128xf32, #tpu.memory_space<vmem>>, vector<1280x128xf32>,
    return
  }
  func.func @transform_0(%arg0: i32) -> (i32, i32, i32) {
    %c0_i32 = arith.constant 0 : i32
    %c0_i32_0 = arith.constant 0 : i32
    %c0_i32_1 = arith.constant 0 : i32
    return %c0_i32, %arg0, %c0_i32_0 : i32, i32, i32
  }
  func.func @transform_1(%arg0: i32) -> (i32, i32) {
    %c0_i32 = arith.constant 0 : i32
    %c0_i32_0 = arith.constant 0 : i32
    return %c0_i32, %arg0 : i32, i32
  }
  func.func @transform_2(%arg0: i32) -> (i32, i32) {
    %c0_i32 = arith.constant 0 : i32
    %c0_i32_0 = arith.constant 0 : i32
    return %arg0, %c0_i32 : i32, i32
  }
  func.func @transform_3(%arg0: i32) -> (i32, i32) {
    %c0_i32 = arith.constant 0 : i32
    %c0_i32_0 = arith.constant 0 : i32
    %c0_i32_1 = arith.constant 0 : i32
    return %c0_i32, %c0_i32_0 : i32, i32
  }
  func.func @transform_4(%arg0: i32) -> (i32, i32) {
    %c0_i32 = arith.constant 0 : i32
    %c0_i32_0 = arith.constant 0 : i32
    %c0_i32_1 = arith.constant 0 : i32
    return %c0_i32, %c0_i32_0 : i32, i32
  }
  func.func @transform_5(%arg0: i32) -> i32 {
    %c0_i32 = arith.constant 0 : i32
    %c0_i32_0 = arith.constant 0 : i32
    return %c0_i32 : i32
  }
  func.func @transform_6(%arg0: i32) -> (i32, i32) {
    %c0_i32 = arith.constant 0 : i32
    %c0_i32_0 = arith.constant 0 : i32
    %c0_i32_1 = arith.constant 0 : i32
    return %c0_i32, %c0_i32_0 : i32, i32
  }
  func.func @transform_7(%arg0: i32) -> (i32, i32) {
    %c0_i32 = arith.constant 0 : i32
    %c0_i32_0 = arith.constant 0 : i32
    %c0_i32_1 = arith.constant 0 : i32
    return %c0_i32, %c0_i32_0 : i32, i32
  }
  func.func @transform_8(%arg0: i32) -> i32 {
    %c0_i32 = arith.constant 0 : i32
    %c0_i32_0 = arith.constant 0 : i32
    return %c0_i32 : i32
  }
  func.func @transform_9(%arg0: i32) -> (i32, i32) {
    %c0_i32 = arith.constant 0 : i32
    %c0_i32_0 = arith.constant 0 : i32
    return %arg0, %c0_i32 : i32, i32
  }
  func.func @transform_10(%arg0: i32) -> (i32, i32) {
    %c0_i32 = arith.constant 0 : i32
    %c0_i32_0 = arith.constant 0 : i32
    return %arg0, %c0_i32 : i32, i32
  }
}

module attributes {stable_mosaic.version = 14 : i64} {
  func.func @_tc2_body(%arg0: i32, %arg1: memref<2x1280x128xf32, #tpu.memory_space<vmem>>, %arg2: memref<2x1280xf32, #tpu.memory_space<vmem>>, %arg3: memref<1280x128xf32, #tpu.memory_space<vmem>>, %arg4: memref<1280x128xf32, #tpu.memory_space<vmem>>) attributes {dimension_semantics = [#tpu.dimension_semantics<arbitrary>], iteration_bounds = array<i64: 8>, scalar_prefetch = 0 : i64, scratch_operands = 0 : i64, tpu.core_type = #tpu.core_type<tc>, window_params = [{transform_indices = @transform_0, window_bounds = array<i64: 2, 1280, 128>}, {transform_indices = @transform_1, window_bounds = array<i64: 2, 1280>}, {transform_indices = @transform_2, window_bounds = array<i64: 1280, 128>}, {transform_indices = @transform_3, window_bounds = array<i64: 1280, 128>}]} {
    %get3A = arith.constant 0 : index
    %get3A_0 = arith.constant 0 : index
    %get3A_1 = arith.constant 0 : index
    %get3A_2 = vector.load %arg1[%get3A, %get3A_0, %get3A_1] : memref<2x1280x128xf32, #tpu.memory_space<vmem>>, vector<1x1280x128xf32>
    %get3A_3 = vector.shape_cast %get3A_2 : vector<1x1280x128xf32> to vector<1280x128xf32>
    %get3A_4 = arith.constant 1 : index
    %get3A_5 = arith.constant 0 : index
    %get3A_6 = arith.constant 0 : index
    %get3A_7 = vector.load %arg1[%get3A_4, %get3A_5, %get3A_6] : memref<2x1280x128xf32, #tpu.memory_space<vmem>>, vector<1x1280x128xf32>
    %get3A_8 = vector.shape_cast %get3A_7 : vector<1x1280x128xf32> to vector<1280x128xf32>
    %add3A = arith.addf %get3A_3, %get3A_8 : vector<1280x128xf32>
    %get3A_9 = arith.constant 0 : index
    %get3A_10 = arith.constant 0 : index
    %get3A_11 = vector.load %arg2[%get3A_9, %get3A_10] : memref<2x1280xf32, #tpu.memory_space<vmem>>, vector<1x1280xf32>
    %get3A_12 = vector.shape_cast %get3A_11 : vector<1x1280xf32> to vector<1280xf32>
    %get3A_13 = arith.constant 1 : index
    %get3A_14 = arith.constant 0 : index
    %get3A_15 = vector.load %arg2[%get3A_13, %get3A_14] : memref<2x1280xf32, #tpu.memory_space<vmem>>, vector<1x1280xf32>
    %get3A_16 = vector.shape_cast %get3A_15 : vector<1x1280xf32> to vector<1280xf32>
    %add3A_17 = arith.addf %get3A_12, %get3A_16 : vector<1280xf32>
    %max3A = arith.constant 1.000000e+00 : f32
    %max3A_18 = vector.broadcast %max3A : f32 to vector<1280xf32>
    %max3A_19 = arith.maximumf %add3A_17, %max3A_18 : vector<1280xf32>
    %div3A = arith.constant 1.000000e+00 : f32
    %div3A_20 = vector.broadcast %div3A : f32 to vector<1280xf32>
    %div3A_21 = arith.divf %div3A_20, %max3A_19 : vector<1280xf32>
    %broadcast_in_dim3A = vector.shape_cast %div3A_21 : vector<1280xf32> to vector<1280x1xf32>
    %mul3A = vector.broadcast %broadcast_in_dim3A : vector<1280x1xf32> to vector<1280x128xf32>
    %mul3A_22 = arith.mulf %add3A, %mul3A : vector<1280x128xf32>
    %get3A_23 = arith.constant 0 : index
    %get3A_24 = arith.constant 0 : index
    %get3A_25 = vector.load %arg3[%get3A_23, %get3A_24] : memref<1280x128xf32, #tpu.memory_space<vmem>>, vector<1280x128xf32>
    %add3A_26 = arith.addf %mul3A_22, %get3A_25 : vector<1280x128xf32>
    %swap3A = arith.constant 0 : index
    %swap3A_27 = arith.constant 0 : index
    %swap3A_28 = vector.load %arg4[%swap3A, %swap3A_27] : memref<1280x128xf32, #tpu.memory_space<vmem>>, vector<1280x128xf32>
    tpu.vector_store %arg4[%swap3A, %swap3A_27], %add3A_26 {strides = array<i32>} : memref<1280x128xf32, #tpu.memory_space<vmem>>, vector<1280x128xf32>,
    return
  }
  func.func @transform_0(%arg0: i32) -> (i32, i32, i32) {
    %c0_i32 = arith.constant 0 : i32
    %c0_i32_0 = arith.constant 0 : i32
    %c0_i32_1 = arith.constant 0 : i32
    return %c0_i32, %arg0, %c0_i32_0 : i32, i32, i32
  }
  func.func @transform_1(%arg0: i32) -> (i32, i32) {
    %c0_i32 = arith.constant 0 : i32
    %c0_i32_0 = arith.constant 0 : i32
    return %c0_i32, %arg0 : i32, i32
  }
  func.func @transform_2(%arg0: i32) -> (i32, i32) {
    %c0_i32 = arith.constant 0 : i32
    %c0_i32_0 = arith.constant 0 : i32
    return %arg0, %c0_i32 : i32, i32
  }
  func.func @transform_3(%arg0: i32) -> (i32, i32) {
    %c0_i32 = arith.constant 0 : i32
    %c0_i32_0 = arith.constant 0 : i32
    return %arg0, %c0_i32 : i32, i32
  }
}

</mosaic_0001>

<sc_bundles>
// kernel: kernel.6.cloned.1.call-start
scs
__scs_entry_jumppad:
0x0: {  	(pc) =	sbr.rel $0x88, $3  }
0x1: {  	(tag) =	ssettag $0x0;
	lr =	simm.s32 $0x1  }
0x2: {  	[smem:$0x3F99] =	sst lr;
	_ =	strace $0xD0000000  }
0x3: {  	_ = 	snop  }
0x4: {  	_ = 	snop  }
0x5: {  	_ = 	snop  }
0x6: {  	_ = 	snop  }
0x7: {  	_ = 	snop  }
__scs_overlays_trampoline_lowered:
0x8: {  	[smem:$0x3FA8] =	sst s0  }
0x9: {  	[smem:$0x3FA9] =	sst s1  }
0xa: {  	[smem:$0x3FAA] =	sst s2  }
0xb: {  	[smem:$0x3FAB] =	sst s3  }
0xc: {  	[smem:$0x3FAC] =	sst s4  }
0xd: {  	[smem:$0x3FAD] =	sst s5  }
0xe: {  	[smem:$0x3FAE] =	sst s6  }
0xf: {  	[smem:$0x3FAF] =	sst s7  }
0x10: {  	[smem:$0x3FB0] =	sst s8  }
0x11: {  	[smem:$0x3FB1] =	sst s9;
	s0 =	simm.s32 @!p0 $0x0  }
0x12: {  	s1 =	sld [smem:$0x3F97];
	s0 =	simm.s32 @p0 $0x1  }
0x13: {  	[smem:$0x3FB2] =	sst s0;
	s0 =	simm.s32 @!p1 $0x0  }
0x14: {  	s2 =	sld [smem:$0x3F96];
	s0 =	simm.s32 @p1 $0x1  }
0x15: {  	[smem:$0x3FB3] =	sst s0;
	s0 =	simm.s32 @!p2 $0x0  }
0x16: {  	s3 =	sld [smem:$0x3FDB];
	s0 =	simm.s32 @p2 $0x1  }
0x17: {  	s4 =	simm.s32 $0x1BF5;
	[smem:$0x3FB5] =	sst s0  }
0x18: {  	s0 =	sld [smem:$0x3F98];
	_ =	swait.ge [sflag:s4], $0x0  }
0x19: {  	s7 =	sld [smem:$0x3F99]  }
0x1a: {  	s8 =	sadd.s32 $0xFFFFE003, lr  }
0x1b: {  	s9 =	sadd.s32 $0xFFFFFEF7, lr;
	s5 =	simm.s32 $0xFFFFFFFF;
	p2 =	slt.u32 s8, $0xFFFFF086  }
0x1c: {  	p1 =	slt.u32 s9, $0xF7A;
	s5 =	simm.s32 @!p2 $0x0  }
0x1d: {  	s5 =	simm.s32 @p1 $0x1;
	p0 =	seq.s32 s7, s2  }
0x1e: {  	s7 =	smul.u32 @!p0 $0xF7A, s2;
	p2 =	seq.s32 @!p0 s5, $0x0  }
0x1f: {  	s9 =	smul.u32 $0xF7A, s1;
	s8 =	simm.s32 @!p0 $0x1BF5;
	p2 =	por !p2, p0  }
0x20: {  	[sflag:s8] =	ssyncset.s32 @!p0 $0xFFFFF086;
	s6 =	sadd.s32 @!p0 s3, s7;
	s7 =	simm.s32 @!p0 $0x108  }
0x21: {  	s3 =	sadd.s32 s3, s9;
	s6 =	sadd.s32 @!p0 $0x88, s6;
	s7 =	simm.s32 @p2 $0x1082  }
0x22: {  	[simem:s7], [sflag:s8] =	dma.local @!p0 [hbm:s6], $0xF7A  }
0x23: {  	s9 =	sor.u32 $0xD0000000, s2;
	s6 =	simm.s32 $0x108;
	_ =	swait.ge @!p0 [sflag:s8], $0x0  }
0x24: {  	s3 =	sadd.s32 $0x88, s3;
	s6 =	simm.s32 @!p1 $0x1082;
	[sflag:s4] =	ssyncset.s32 $0xFFFFF086  }
0x25: {  	[simem:s6], [sflag:s4] =	dma.local [hbm:s3], $0xF7A  }
0x26: {  	[smem:$0x3F99] =	sst s1;
	(tag) =	ssettag s2;
	_ =	strace s9  }
0x27: {  	s1 =	sld [smem:$0x3FA9]  }
0x28: {  	s2 =	sld [smem:$0x3FAA]  }
0x29: {  	s4 =	sld [smem:$0x3FAC]  }
0x2a: {  	p0 =	seq.s32 s5, $0x0;
	s5 =	sld [smem:$0x3FAD]  }
0x2b: {  	s6 =	sld [smem:$0x3FAE]  }
0x2c: {  	s7 =	sld [smem:$0x3FAF]  }
0x2d: {  	s3 =	simm.s32 $0x108;
	s8 =	sld [smem:$0x3FB0]  }
0x2e: {  	s3 =	simm.s32 @!p0 $0x1082;
	s9 =	sld [smem:$0x3FB1]  }
0x2f: {  	lr =	sadd.s32 s0, s3;
	s0 =	sld [smem:$0x3FA8]  }
0x30: {  	s3 =	sld [smem:$0x3FAB]  }
0x31: {  	[smem:$0x3FB4] =	sst s10  }
0x32: {  	s10 =	sld [smem:$0x3FB2];
	_ =	sdelay $0x3  }
0x33: {  	p0 =	seq.s32 s10, $0x1;
	s10 =	sld [smem:$0x3FB4];
	_ =	sdelay $0x3  }
0x34: {  	[smem:$0x3FB4] =	sst s10  }
0x35: {  	s10 =	sld [smem:$0x3FB3];
	_ =	sdelay $0x3  }
0x36: {  	p1 =	seq.s32 s10, $0x1;
	s10 =	sld [smem:$0x3FB4];
	_ =	sdelay $0x3  }
0x37: {  	[smem:$0x3FB4] =	sst s10  }
0x38: {  	s10 =	sld [smem:$0x3FB5]  }
0x39: {  	_ = 	snop;
	(pc) =	sbr.ind lr, $3  }
0x3a: {  	_ = 	snop  }
0x3b: {  	_ = 	snop  }
0x3c: {  	p2 =	seq.s32 s10, $0x1;
	s10 =	sld [smem:$0x3FB4]  }
0x3d: {  	_ =	shalt  }
0x3e: {  	_ =	shalt  }
0x3f: {  	_ =	shalt  }
0x40: {  	_ =	shalt  }
0x41: {  	_ =	shalt  }
0x42: {  	_ =	shalt  }
0x43: {  	_ =	shalt  }
0x44: {  	_ =	shalt  }
0x45: {  	_ =	shalt  }
0x46: {  	_ =	shalt  }
0x47: {  	_ =	shalt  }
0x48: {  	_ =	shalt  }
0x49: {  	_ =	shalt  }
0x4a: {  	_ =	shalt  }
0x4b: {  	_ =	shalt  }
0x4c: {  	_ =	shalt  }
0x4d: {  	_ =	shalt  }
0x4e: {  	_ =	shalt  }
0x4f: {  	_ =	shalt  }
0x50: {  	_ =	shalt  }
0x51: {  	_ =	shalt  }
0x52: {  	_ =	shalt  }
0x53: {  	_ =	shalt  }
0x54: {  	_ =	shalt  }
0x55: {  	_ =	shalt  }
0x56: {  	_ =	shalt  }
0x57: {  	_ =	shalt  }
0x58: {  	_ =	shalt  }
0x59: {  	_ =	shalt  }
0x5a: {  	_ =	shalt  }
0x5b: {  	_ =	shalt  }
0x5c: {  	_ =	shalt  }
0x5d: {  	_ =	shalt  }
0x5e: {  	_ =	shalt  }
0x5f: {  	_ =	shalt  }
0x60: {  	_ =	shalt  }
0x61: {  	_ =	shalt  }
0x62: {  	_ =	shalt  }
0x63: {  	_ =	shalt  }
0x64: {  	_ =	shalt  }
0x65: {  	_ =	shalt  }
0x66: {  	_ =	shalt  }
0x67: {  	_ =	shalt  }
0x68: {  	_ =	shalt  }
0x69: {  	_ =	shalt  }
0x6a: {  	_ =	shalt  }
0x6b: {  	_ =	shalt  }
0x6c: {  	_ =	shalt  }
0x6d: {  	_ =	shalt  }
0x6e: {  	_ =	shalt  }
0x6f: {  	_ =	shalt  }
0x70: {  	_ =	shalt  }
0x71: {  	_ =	shalt  }
0x72: {  	_ =	shalt  }
0x73: {  	_ =	shalt  }
0x74: {  	_ =	shalt  }
0x75: {  	_ =	shalt  }
0x76: {  	_ =	shalt  }
0x77: {  	_ =	shalt  }
0x78: {  	_ =	shalt  }
0x79: {  	_ =	shalt  }
0x7a: {  	_ =	shalt  }
0x7b: {  	_ =	shalt  }
0x7c: {  	_ =	shalt  }
0x7d: {  	_ =	shalt  }
0x7e: {  	_ =	shalt  }
0x7f: {  	_ =	shalt  }
0x80: {  	_ =	shalt  }
0x81: {  	_ =	shalt  }
0x82: {  	_ =	shalt  }
0x83: {  	_ =	shalt  }
0x84: {  	_ =	shalt  }
0x85: {  	_ =	shalt  }
0x86: {  	_ =	shalt  }
0x87: {  	_ =	shalt  }
.Lfunc_end0:
.L_simem_size_0:
called_computation_lowered:
.L_overlay_start_0:
0x88: {  	s2 =	sld [smem:$0x3FD9]  }
0x89: {  	s3 =	sld [smem:$0x3FFE];
	_ =	sdelay $0x1  }
0x8a: {  	s1 =	srdreg.scid  }
0x8b: {  	s0 =	sand.u32 $0x1, s1  }
0x8c: {  	s17 =	sshll.u32 s0, $0xA;
	s2 =	sadd.s32 s3, s2  }
0x8d: {  	s2 =	sadd.s32 s2, s17  }
0x8e: {  	[smem:$0x3FC0] =	sst s2  }
0x8f: {  	_ = 	snop  }
0x90: {  	s2 =	sld [smem:$0x3FD0];
	(tm) =	ssettm $0x1  }
0x91: {  	s18 =	sld [smem:$0x3FFB];
	_ =	sdelay $0x3  }
0x92: {  	_ =	strace s18  }
0x93: {  	s3 =	sld [smem:$0x3FFC];
	_ =	sdelay $0x3  }
0x94: {  	_ =	strace s3  }
0x95: {  	s3 =	sld [smem:$0x3FFD];
	_ =	sdelay $0x3  }
0x96: {  	_ =	strace s3  }
0x97: {  	_ =	strace $0x8FFFFFFF  }
0x98: {  	s19 =	sld [smem:$0x3FDB];
	_ =	sdelay $0x1  }
0x99: {  	s4 =	simm.s32 $_scs_section_size  }
0x9a: {  	s5 =	simm.s32 $_size__tile_overlayer_lowered;
	s6 =	simm.s32 $_tile_overlayer_lowered  }
0x9b: {  	s22 =	simm.s32 $0x1BFF;
	s21 =	sshll.u32 s6, $0x1;
	s3 =	sadd.s32 s4, s19  }
0x9c: {  	s7 =	simm.s32 $0x0;
	s20 =	sshll.u32 s5, $0x1;
	s5 =	sadd.s32 s21, s3  }
0x9d: {  	[timem:s7], [sflag:s22] =	dma.local [hbm:s5], s20  }
0x9e: {  	_ =	swait.ge [sflag:s22], s20  }
0x9f: {  	s4 =	ssub.s32 $0x0, s20;
	[sflag:s22] =	ssyncset.done $0x0  }
0xa0: {  	[sflag:s22] =	ssyncadd.s32 s4;
	_ =	sdelay $0x1  }
0xa1: {  	s23 =	simm.s32 $0x1B8B  }
0xa2: {  	_ =	swait.ge [sflag:s23], $0x1  }
0xa3: {  	[sflag:s23] =	ssyncset.done $0x0  }
0xa4: {  	s25 =	simm.s32 $0x1B8E;
	s24 =	sld [smem:$0x3FFE];
	[sflag:s23] =	ssyncadd.s32 $0xFFFFFFFF  }
0xa5: {  	s26 =	simm.s32 $execute0_lowered;
	[smem:$0x3FD2] =	sst s25  }
0xa6: {  	s5 =	sshll.u32 s26, $0x1;
	_ =	strace $0x80000046;
	[dreg:$0x1] =	wrdreg $0xFFFFFFFF  }
0xa7: {  	s28 =	simm.s32 $_size_execute0_lowered;
	s3 =	sadd.s32 s3, s5;
	[dreg:$0x0] =	wrdreg $0x0  }
0xa8: {  	s5 =	sshll.u32 s28, $0x1;
	[dreg:$0x2] =	wrdreg s3  }
0xa9: {  	[dreg:$0x3] =	wrdreg s5  }
0xaa: {  	[dreg:$0x4] =	wrdreg $0xC0  }
0xab: {  	_ =	task [dreg:s7], $0x5FFFF  }
0xac: {  	[dreg:$0x1] =	wrdreg $0xFFFFFFFF  }
0xad: {  	[dreg:$0x0] =	wrdreg $0x60  }
0xae: {  	[dreg:$0x2] =	wrdreg s24  }
0xaf: {  	[dreg:$0x3] =	wrdreg s2  }
0xb0: {  	[dreg:$0x4] =	wrdreg $0x9D000  }
0xb1: {  	[dreg:$0x5] =	wrdreg $0x1DE000  }
0xb2: {  	[dreg:$0x6] =	wrdreg $0x9  }
0xb3: {  	_ =	task.clear_ibuf [dreg:s7], $0x7FFFF;
	_ =	strace $0x90000046  }
0xb4: {  	s29 =	simm.s32 $0x9;
	_ =	strace $0x80000048  }
0xb5: {  	_ =	swait.ge [sflag:s29], $0x1  }
0xb6: {  	[sflag:s29] =	ssyncadd.s32 $0xFFFFFFFF  }
0xb7: {  	_ =	strace $0x90000048  }
0xb8: {  	_ =	sfence  }
0xb9: {  	s30 =	sld [smem:$0x0];
	_ =	sdelay $0x2  }
0xba: {  	s31 =	sshll.u32 s1, $0xD;
	s1 =	sshrl.u32 s1, $0x2  }
0xbb: {  	s3 =	sand.u32 $0x4000, s31;
	s1 =	sadd.s32 s1, s30  }
0xbc: {  	s0 =	sor.u32 s3, s0;
	s1 =	sshll.u32 s1, $0x11  }
0xbd: {  	s0 =	sor.u32 s1, s0  }
0xbe: {  	s0 =	sadd.s32 $0x8F2B, s0  }
0xbf: {  	[sflag:s0] =	ssyncadd.remote.s32 $0x1  }
0xc0: {  	_ =	sfence.sel $0xFFFF  }
0xc1: {  	[dreg:$0x0] =	wrdreg $0xFFFFFFFF;
	(pc) =	sbr.abs _section_cstart, $3  }
0xc2: {  	[dreg:$0x1] =	wrdreg $0xFFFFFFFF  }
0xc3: {  	_ =	task.clear_ibuf [dreg:s7], $0x2FFFF;
	_ =	strace $0x9FFFFFFF  }
0xc4: {  	(tm) =	ssettm $0x7FFFFFFF  }
0xc5: {  	_ =	shalt  }
tec
execute0_lowered:
.L_overlay_start_1:
0x0: {  	(tag) =	ssettag $0x1  }
0x1: {  	s2 =	rddreg [dreg:$0x0]  }
0x2: {  	s0 =	srdreg.scid;
	s1 =	rddreg [dreg:$0x1]  }
0x3: {  	s13 =	stileid.u32;
	s3 =	rddreg [dreg:$0x2]  }
0x4: {  	s6 =	simm.s32 $0x0;
	s31 =	simm.s32 $0x5;
	s9 =	smul.u32 $0x14000, s13  }
0x5: {  	s0 =	sand.u32 $0x1, s0;
	[smem:$0x7FF] =	sst s6;
	s19 =	smul.u32 $0x500, s13  }
0x6: {  	s7 =	sadd.s32 $0xF400, s2;
	s4 =	sshll.u32 s0, $0x4;
	s8 =	smul.u32 $0x140000, s0  }
0x7: {  	s12 =	sshll.u32 s0, $0x7;
	s0 =	ssub.s32 $0x2, s0;
	s5 =	sor.u32 s13, s4  }
0x8: {  	s4 =	rddreg [dreg:$0x3];
	s20 =	sshrl.u32 s0, $0x1;
	s5 =	smul.u32 $0x3400, s5  }
0x9: {  	s8 =	sadd.s32 s9, s8;
	s9 =	sor.u32 s12, s19;
	s12 =	smul.u32 $0x280, s13  }
0xa: {  	_ =	strace $0x80000047;
	s13 =	smul.u32 $0x50000, s13;
	s0 =	ssub.s32 s0, s20  }
0xb: {  	s8 =	sshrl.u32 s8, $0x3;
	s9 =	sshrl.u32 s9, $0x3;
	s0 =	smax.u32 s0, $0x1  }
0xc: {  	s10 =	sshrl.u32 s5, $0x3;
	s8 =	sadd.s32 s8, s2;
	s14 =	sor.u32 $0x50, s12  }
0xd: {  	s21 =	sshrl.u32 s13, $0x2;
	s13 =	sadd.s32 $0xF0, s12;
	s15 =	sadd.s32 $0x140, s12  }
0xe: {  	s26 =	sadd.s32 $0x190, s12;
	s28 =	sadd.s32 $0x1E0, s12;
	s19 =	sadd.s32 $0x230, s12  }
0xf: {  	[dreg:$0x16] =	wrdreg s0;
	s0 =	simm.s32 $0x1DD80;
	s11 =	sadd.s32 s10, s2  }
0x10: {  	s2 =	sadd.s32 s9, s2;
	s22 =	sshll.u32 s14, $0x7;
	s9 =	sadd.s32 s21, s3  }
0x11: {  	s17 =	sshll.u32 s13, $0x7;
	s29 =	sshll.u32 s26, $0x7;
	s26 =	sadd.s32 s26, s4  }
0x12: {  	s20 =	sshll.u32 s28, $0x7;
	s28 =	sadd.s32 s28, s4;
	[dreg:$0x11] =	wrdreg s26  }
0x13: {  	s18 =	sshll.u32 s15, $0x7;
	s8 =	sadd.s32 $0x37400, s8;
	[dreg:$0x12] =	wrdreg s28  }
0x14: {  	s21 =	sshll.u32 s19, $0x7;
	s11 =	sadd.s32 $0x2400, s11;
	[dreg:$0x14] =	wrdreg s8  }
0x15: {  	s23 =	sadd.s32 s22, s3;
	s24 =	sadd.s32 s17, s3;
	[dreg:$0x5] =	wrdreg s11  }
0x16: {  	s25 =	sadd.s32 s18, s3;
	s17 =	sadd.s32 s29, s3;
	[dreg:$0x6] =	wrdreg s23  }
0x17: {  	s20 =	sadd.s32 s20, s3;
	s22 =	sadd.s32 s21, s3;
	[dreg:$0x8] =	wrdreg s24  }
0x18: {  	s29 =	sadd.s32 s19, s4;
	s2 =	sadd.s32 $0x87400, s2;
	[dreg:$0x9] =	wrdreg s25  }
0x19: {  	s8 =	simm.s32 $0x3400;
	s18 =	simm.s32 $0x4;
	[dreg:$0xa] =	wrdreg s17  }
0x1a: {  	s19 =	simm.s32 $0x3100;
	s21 =	simm.s32 $0x0;
	[dreg:$0xb] =	wrdreg s20  }
0x1b: {  	s11 =	sadd.s32 $0xA0, s12;
	[dreg:$0xc] =	wrdreg s22;
	s17 =	sadd.s32 s12, s4  }
0x1c: {  	s23 =	sadd.s32 s14, s4;
	s24 =	sadd.s32 s13, s4;
	[dreg:$0x13] =	wrdreg s29  }
0x1d: {  	s25 =	sadd.s32 s15, s4;
	[dreg:$0x15] =	wrdreg s2;
	s2 =	simm.s32 $0x3500  }
0x1e: {  	s12 =	simm.s32 $0x64;
	s13 =	simm.s32 $0x2;
	s14 =	simm.s32 $0x6900  }
0x1f: {  	s15 =	simm.s32 $0x3;
	s20 =	simm.s32 $0x3180;
	[dreg:$0xd] =	wrdreg s23  }
0x20: {  	s16 =	sshll.u32 s11, $0x7;
	s11 =	sadd.s32 s11, s4;
	[dreg:$0xf] =	wrdreg s24  }
0x21: {  	[dreg:$0x10] =	wrdreg s25;
	s25 =	sadd.s32 s1, s10;
	s10 =	simm.s32 $0x3480  }
0x22: {  	s16 =	sadd.s32 s16, s3;
	[dreg:$0xe] =	wrdreg s11;
	s30 =	sadd.s32 $0x10, s25  }
0x23: {  	v0 =	vimm.f32 $0.0e+00;
	v1 =	vimm.f32 $1.000000000e+00;
	s11 =	simm.s32 $0x1;
	[dreg:$0x7] =	wrdreg s16;
	s16 =	simm.s32 $0x1DD00  }
.LBB2_1:
0x24: {  	s22 =	rddreg [dreg:$0x5]  }
0x25: {  	[tilespmem:s6], [sflag:$0x5] =	stream.linear.gather [hbm4b:s22+s6], $0x3200, $0x38;
	[tilespmem:$0x1E080] =	vst v63  }
0x26: {  	_ =	swait.ge [sflag:s31], $0x3200  }
0x27: {  	[sflag:s31] =	ssyncset.done $0x0  }
0x28: {  	s23 =	simm.s32 $0x200;
	s22 =	simm.s32 $0x0;
	[sflag:s31] =	ssyncadd.s32 $0xFFFFCE00  }
.LBB2_2:
0x29: {  	p0 =	sne.s32 s23, $0x9E00;
	[tilespmem:s22+$0x3570] =	vst v0  }
0x2a: {  	[tilespmem:s22+$0x3500] =	vst v0  }
0x2b: {  	[tilespmem:s22+$0x3510] =	vst v0  }
.Ltmp0:
0x2c: {  	[tilespmem:s22+$0x3520] =	vst v0;
	(pc) =	sbr.rel @p0 .LBB2_2-.Ltmp0, $4  }
0x2d: {  	[tilespmem:s22+$0x3530] =	vst v0  }
0x2e: {  	[tilespmem:s22+$0x3540] =	vst v0  }
0x2f: {  	[tilespmem:s22+$0x3550] =	vst v0  }
0x30: {  	[tilespmem:s22+$0x3560] =	vst v0;
	s22 =	sshra.s32 s23, $0x2;
	s23 =	sadd.s32 $0x200, s23  }
0x31: {  	[tilespmem:s22+$0x3570] =	vst v0  }
0x32: {  	[tilespmem:s22+$0x3500] =	vst v0  }
0x33: {  	[tilespmem:s22+$0x3510] =	vst v0  }
0x34: {  	[tilespmem:s22+$0x3520] =	vst v0  }
0x35: {  	[tilespmem:s22+$0x3530] =	vst v0  }
0x36: {  	[tilespmem:s22+$0x3540] =	vst v0  }
0x37: {  	[tilespmem:s22+$0x3550] =	vst v0  }
0x38: {  	[tilespmem:s22+$0x3560] =	vst v0  }
0x39: {  	[spmem:s9] =	stream.linear.scatter [tilespmem:s2], [sflag:$0x5], $0x2800, $0x38;
	[tilespmem:$0x1E080] =	vst v63  }
0x3a: {  	_ =	swait.ge [sflag:s31], $0x2800  }
0x3b: {  	[sflag:s31] =	ssyncset.done $0x0  }
0x3c: {  	s23 =	rddreg [dreg:$0x6];
	[sflag:s31] =	ssyncadd.s32 $0xFFFFD800  }
0x3d: {  	[spmem:s23] =	stream.linear.scatter [tilespmem:s2], [sflag:$0x5], $0x2800, $0x38;
	[tilespmem:$0x1E080] =	vst v63  }
0x3e: {  	_ =	swait.ge [sflag:s31], $0x2800  }
0x3f: {  	[sflag:s31] =	ssyncset.done $0x0  }
0x40: {  	s24 =	rddreg [dreg:$0x7];
	[sflag:s31] =	ssyncadd.s32 $0xFFFFD800  }
0x41: {  	[spmem:s24] =	stream.linear.scatter [tilespmem:s2], [sflag:$0x5], $0x2800, $0x38;
	[tilespmem:$0x1E080] =	vst v63  }
0x42: {  	_ =	swait.ge [sflag:s31], $0x2800  }
0x43: {  	[sflag:s31] =	ssyncset.done $0x0  }
0x44: {  	s26 =	rddreg [dreg:$0x8];
	[sflag:s31] =	ssyncadd.s32 $0xFFFFD800  }
0x45: {  	[spmem:s26] =	stream.linear.scatter [tilespmem:s2], [sflag:$0x5], $0x2800, $0x38;
	[tilespmem:$0x1E080] =	vst v63  }
0x46: {  	_ =	swait.ge [sflag:s31], $0x2800  }
0x47: {  	[sflag:s31] =	ssyncset.done $0x0  }
0x48: {  	s28 =	rddreg [dreg:$0x9];
	[sflag:s31] =	ssyncadd.s32 $0xFFFFD800  }
0x49: {  	[spmem:s28] =	stream.linear.scatter [tilespmem:s2], [sflag:$0x5], $0x2800, $0x38;
	[tilespmem:$0x1E080] =	vst v63  }
0x4a: {  	_ =	swait.ge [sflag:s31], $0x2800  }
0x4b: {  	[sflag:s31] =	ssyncset.done $0x0  }
0x4c: {  	s29 =	rddreg [dreg:$0xa];
	[sflag:s31] =	ssyncadd.s32 $0xFFFFD800  }
0x4d: {  	[spmem:s29] =	stream.linear.scatter [tilespmem:s2], [sflag:$0x5], $0x2800, $0x38;
	[tilespmem:$0x1E080] =	vst v63  }
0x4e: {  	_ =	swait.ge [sflag:s31], $0x2800  }
0x4f: {  	[sflag:s31] =	ssyncset.done $0x0  }
0x50: {  	s23 =	rddreg [dreg:$0xb];
	[sflag:s31] =	ssyncadd.s32 $0xFFFFD800  }
0x51: {  	[spmem:s23] =	stream.linear.scatter [tilespmem:s2], [sflag:$0x5], $0x2800, $0x38;
	[tilespmem:$0x1E080] =	vst v63  }
0x52: {  	_ =	swait.ge [sflag:s31], $0x2800  }
0x53: {  	[sflag:s31] =	ssyncset.done $0x0  }
0x54: {  	s24 =	rddreg [dreg:$0xc];
	[sflag:s31] =	ssyncadd.s32 $0xFFFFD800  }
0x55: {  	[spmem:s24] =	stream.linear.scatter [tilespmem:s2], [sflag:$0x5], $0x2800, $0x38;
	[tilespmem:$0x1E080] =	vst v63  }
0x56: {  	_ =	swait.ge [sflag:s31], $0x2800  }
0x57: {  	[sflag:s31] =	ssyncset.done $0x0  }
0x58: {  	[sflag:s31] =	ssyncadd.s32 $0xFFFFD800  }
0x59: {  	[tilespmem:$0x1DD00] =	vst v1  }
0x5a: {  	[tilespmem:$0x1DD80] =	vst v0  }
0x5b: {  	[tilespmem:$0x1DD10] =	vst v1  }
0x5c: {  	[tilespmem:$0x1DD90] =	vst v0  }
0x5d: {  	[tilespmem:$0x1DD20] =	vst v1  }
0x5e: {  	[tilespmem:$0x1DDA0] =	vst v0  }
0x5f: {  	[tilespmem:$0x1DD30] =	vst v1  }
0x60: {  	[tilespmem:$0x1DDB0] =	vst v0  }
0x61: {  	[tilespmem:$0x1DD40] =	vst v1  }
0x62: {  	[tilespmem:$0x1DDC0] =	vst v0  }
0x63: {  	[tilespmem:$0x1DD50] =	vst v1  }
0x64: {  	[tilespmem:$0x1DDD0] =	vst v0  }
0x65: {  	[tilespmem:$0x1DD60] =	vst v1  }
0x66: {  	[tilespmem:$0x1DDE0] =	vst v0  }
0x67: {  	[tilespmem:$0x1DD70] =	vst v1  }
0x68: {  	[tilespmem:$0x1DDF0] =	vst v0  }
0x69: {  	[spmem:s17] =	stream.linear.scatter [tilespmem:s0], [sflag:$0x5], $0x50, $0x38;
	[tilespmem:$0x1E080] =	vst v63  }
0x6a: {  	_ =	swait.ge [sflag:s31], $0x50  }
0x6b: {  	[sflag:s31] =	ssyncset.done $0x0  }
0x6c: {  	s26 =	rddreg [dreg:$0xd];
	[sflag:s31] =	ssyncadd.s32 $0xFFFFFFB0  }
0x6d: {  	[spmem:s26] =	stream.linear.scatter [tilespmem:s0], [sflag:$0x5], $0x50, $0x38;
	[tilespmem:$0x1E080] =	vst v63  }
0x6e: {  	_ =	swait.ge [sflag:s31], $0x50  }
0x6f: {  	[sflag:s31] =	ssyncset.done $0x0  }
0x70: {  	s28 =	rddreg [dreg:$0xe];
	[sflag:s31] =	ssyncadd.s32 $0xFFFFFFB0  }
0x71: {  	[spmem:s28] =	stream.linear.scatter [tilespmem:s0], [sflag:$0x5], $0x50, $0x38;
	[tilespmem:$0x1E080] =	vst v63  }
0x72: {  	_ =	swait.ge [sflag:s31], $0x50  }
0x73: {  	[sflag:s31] =	ssyncset.done $0x0  }
0x74: {  	s29 =	rddreg [dreg:$0xf];
	[sflag:s31] =	ssyncadd.s32 $0xFFFFFFB0  }
0x75: {  	[spmem:s29] =	stream.linear.scatter [tilespmem:s0], [sflag:$0x5], $0x50, $0x38;
	[tilespmem:$0x1E080] =	vst v63  }
0x76: {  	_ =	swait.ge [sflag:s31], $0x50  }
0x77: {  	[sflag:s31] =	ssyncset.done $0x0  }
0x78: {  	s23 =	rddreg [dreg:$0x10];
	[sflag:s31] =	ssyncadd.s32 $0xFFFFFFB0  }
0x79: {  	[spmem:s23] =	stream.linear.scatter [tilespmem:s0], [sflag:$0x5], $0x50, $0x38;
	[tilespmem:$0x1E080] =	vst v63  }
0x7a: {  	_ =	swait.ge [sflag:s31], $0x50  }
0x7b: {  	[sflag:s31] =	ssyncset.done $0x0  }
0x7c: {  	s24 =	rddreg [dreg:$0x11];
	[sflag:s31] =	ssyncadd.s32 $0xFFFFFFB0  }
0x7d: {  	[spmem:s24] =	stream.linear.scatter [tilespmem:s0], [sflag:$0x5], $0x50, $0x38;
	[tilespmem:$0x1E080] =	vst v63  }
0x7e: {  	_ =	swait.ge [sflag:s31], $0x50  }
0x7f: {  	[sflag:s31] =	ssyncset.done $0x0  }
0x80: {  	s26 =	rddreg [dreg:$0x12];
	[sflag:s31] =	ssyncadd.s32 $0xFFFFFFB0  }
0x81: {  	[spmem:s26] =	stream.linear.scatter [tilespmem:s0], [sflag:$0x5], $0x50, $0x38;
	[tilespmem:$0x1E080] =	vst v63  }
0x82: {  	_ =	swait.ge [sflag:s31], $0x50  }
0x83: {  	[sflag:s31] =	ssyncset.done $0x0  }
0x84: {  	s28 =	rddreg [dreg:$0x13];
	[sflag:s31] =	ssyncadd.s32 $0xFFFFFFB0  }
0x85: {  	[spmem:s28] =	stream.linear.scatter [tilespmem:s0], [sflag:$0x5], $0x50, $0x38;
	[tilespmem:$0x1E080] =	vst v63  }
0x86: {  	_ =	swait.ge [sflag:s31], $0x50  }
0x87: {  	[sflag:s31] =	ssyncset.done $0x0  }
0x88: {  	[sflag:s31] =	ssyncadd.s32 $0xFFFFFFB0  }
0x89: {  	[bflag:$0x0] =	sbarrier.arrive $0xFFFF  }
0x8a: {  	[tilespmem:s8], [sflag:$0x1] =	stream.linear.gather [hbm4b:s25+s6], $0x80, $0x38;
	[tilespmem:$0x1E080] =	vst v63  }
0x8b: {  	_ = 	snop  }
0x8c: {  	[tilespmem:s10], [sflag:$0x2] =	stream.linear.gather [hbm4b:s30+s6], $0x80, $0x38;
	[tilespmem:$0x1E080] =	vst v63  }
0x8d: {  	_ =	swait.ge [sflag:s11], $0x80  }
0x8e: {  	[sflag:s11] =	ssyncset.done $0x0  }
0x8f: {  	[sflag:s11] =	ssyncadd.s32 $0xFFFFFF80  }
0x90: {  	[tilespmem:s2], [sflag:$0x3] =	stream.indirect.gather [hbm4b:s7+s12], $0x80, s8, s12, $0xb8;
	[tilespmem:$0x1E080] =	vst v63  }
0x91: {  	_ =	swait.ge [sflag:s13], $0x80  }
0x92: {  	[sflag:s13] =	ssyncset.done $0x0  }
0x93: {  	[sflag:s13] =	ssyncadd.s32 $0xFFFFFF80  }
0x94: {  	[tilespmem:s14], [sflag:$0x4] =	stream.indirect.gather [hbm4b:s7+s12], $0x80, s10, s12, $0xb8;
	[tilespmem:$0x1E080] =	vst v63  }
0x95: {  	_ =	swait.ge [sflag:s15], $0x3200  }
0x96: {  	[sflag:s15] =	ssyncset.done $0x0  }
0x97: {  	s29 =	simm.s32 $0x0;
	[sflag:s15] =	ssyncadd.s32 $0xFFFFCE00  }
0x98: {  	[spmem:s3] =	stream.indirect.scatter.add.f32 [tilespmem:s2], [sflag:$0x5], $0x80, s29, s12, $0xb8;
	[tilespmem:$0x1E080] =	vst v63  }
0x99: {  	s23 =	simm.s32 $0x100;
	_ =	swait.ge [sflag:s31], $0x3200  }
0x9a: {  	s24 =	sand.u32 $0x7C00, s23;
	[sflag:s31] =	ssyncset.done $0x0  }
0x9b: {  	s23 =	sand.u32 $0x300, s23;
	s24 =	sadd.s32 s5, s24;
	[sflag:s31] =	ssyncadd.s32 $0xFFFFCE00  }
0x9c: {  	[spmem:s4] =	stream.indirect.scatter.add.f32 [tilespmem:s16], [sflag:$0x5], $0x1, s29, s12, $0xb8;
	[tilespmem:$0x1E080] =	vst v63  }
0x9d: {  	s26 =	sor.u32 s23, s24;
	_ =	swait.ge [sflag:s31], $0x64  }
0x9e: {  	s22 =	sshrl.u32 s26, $0x3;
	[sflag:s31] =	ssyncset.done $0x0  }
0x9f: {  	s22 =	sadd.s32 s1, s22;
	[sflag:s31] =	ssyncadd.s32 $0xFFFFFF9C  }
0xa0: {  	[tilespmem:s8], [sflag:$0x1] =	stream.linear.gather [hbm4b:s22+s6], $0x80, $0x38;
	[tilespmem:$0x1E080] =	vst v63  }
0xa1: {  	_ =	swait.ge [sflag:s11], $0x80  }
0xa2: {  	[sflag:s11] =	ssyncset.done $0x0  }
0xa3: {  	[sflag:s11] =	ssyncadd.s32 $0xFFFFFF80  }
0xa4: {  	[tilespmem:s2], [sflag:$0x3] =	stream.indirect.gather [hbm4b:s7+s12], $0x80, s8, s12, $0xb8;
	[tilespmem:$0x1E080] =	vst v63  }
0xa5: {  	_ =	swait.ge [sflag:s18], $0x3200  }
0xa6: {  	[sflag:s18] =	ssyncset.done $0x0  }
0xa7: {  	s22 =	simm.s32 $0x80;
	[sflag:s18] =	ssyncadd.s32 $0xFFFFCE00  }
0xa8: {  	[spmem:s3] =	stream.indirect.scatter.add.f32 [tilespmem:s14], [sflag:$0x5], $0x80, s22, s12, $0xb8;
	[tilespmem:$0x1E080] =	vst v63  }
0xa9: {  	s28 =	simm.s32 $0x180;
	_ =	swait.ge [sflag:s31], $0x3200  }
0xaa: {  	s29 =	sand.u32 $0x7C00, s28;
	[sflag:s31] =	ssyncset.done $0x0  }
0xab: {  	s23 =	sand.u32 $0x380, s28;
	s24 =	sadd.s32 s5, s29;
	[sflag:s31] =	ssyncadd.s32 $0xFFFFCE00  }
0xac: {  	[spmem:s4] =	stream.indirect.scatter.add.f32 [tilespmem:s16], [sflag:$0x5], $0x1, s22, s12, $0xb8;
	[tilespmem:$0x1E080] =	vst v63  }
0xad: {  	s24 =	sor.u32 s23, s24;
	_ =	swait.ge [sflag:s31], $0x64  }
0xae: {  	s23 =	simm.s32 $0x280;
	s24 =	sshrl.u32 s24, $0x3;
	[sflag:s31] =	ssyncset.done $0x0  }
.LBB2_4:
0xaf: {  	[sflag:s31] =	ssyncadd.s32 $0xFFFFFF9C  }
0xb0: {  	s26 =	sadd.s32 s1, s24;
	s22 =	sadd.s32 $0x100, s22;
	s24 =	smov.u32 s23  }
0xb1: {  	[tilespmem:s10], [sflag:$0x2] =	stream.linear.gather [hbm4b:s26+s6], $0x80, $0x38;
	[tilespmem:$0x1E080] =	vst v63  }
0xb2: {  	p0 =	sne.s32 s23, $0x3180;
	s23 =	sadd.s32 $0x100, s23;
	_ =	swait.ge [sflag:s13], $0x80  }
0xb3: {  	[sflag:s13] =	ssyncset.done $0x0  }
0xb4: {  	[sflag:s13] =	ssyncadd.s32 $0xFFFFFF80  }
0xb5: {  	[tilespmem:s14], [sflag:$0x4] =	stream.indirect.gather [hbm4b:s7+s12], $0x80, s10, s12, $0xb8;
	[tilespmem:$0x1E080] =	vst v63  }
0xb6: {  	_ =	swait.ge [sflag:s15], $0x3200  }
0xb7: {  	s26 =	sadd.s32 $0xFFFFFF80, s22;
	[sflag:s15] =	ssyncset.done $0x0  }
0xb8: {  	[sflag:s15] =	ssyncadd.s32 $0xFFFFCE00  }
0xb9: {  	[spmem:s3] =	stream.indirect.scatter.add.f32 [tilespmem:s2], [sflag:$0x5], $0x80, s26, s12, $0xb8;
	[tilespmem:$0x1E080] =	vst v63  }
0xba: {  	s28 =	sadd.s32 $0xFFFFFF80, s24;
	_ =	swait.ge [sflag:s31], $0x3200  }
0xbb: {  	s29 =	sand.u32 $0x7C00, s28;
	s28 =	sand.u32 $0x300, s28;
	[sflag:s31] =	ssyncset.done $0x0  }
0xbc: {  	s29 =	sadd.s32 s5, s29;
	[sflag:s31] =	ssyncadd.s32 $0xFFFFCE00  }
0xbd: {  	[spmem:s4] =	stream.indirect.scatter.add.f32 [tilespmem:s16], [sflag:$0x5], $0x1, s26, s12, $0xb8;
	[tilespmem:$0x1E080] =	vst v63  }
0xbe: {  	s26 =	sor.u32 s28, s29;
	_ =	swait.ge [sflag:s31], $0x64  }
0xbf: {  	s26 =	sshrl.u32 s26, $0x3;
	[sflag:s31] =	ssyncset.done $0x0  }
0xc0: {  	s26 =	sadd.s32 s1, s26;
	[sflag:s31] =	ssyncadd.s32 $0xFFFFFF9C  }
0xc1: {  	[tilespmem:s8], [sflag:$0x1] =	stream.linear.gather [hbm4b:s26+s6], $0x80, $0x38;
	[tilespmem:$0x1E080] =	vst v63  }
0xc2: {  	_ =	swait.ge [sflag:s11], $0x80  }
0xc3: {  	[sflag:s11] =	ssyncset.done $0x0  }
0xc4: {  	[sflag:s11] =	ssyncadd.s32 $0xFFFFFF80  }
0xc5: {  	[tilespmem:s2], [sflag:$0x3] =	stream.indirect.gather [hbm4b:s7+s12], $0x80, s8, s12, $0xb8;
	[tilespmem:$0x1E080] =	vst v63  }
0xc6: {  	_ =	swait.ge [sflag:s18], $0x3200  }
0xc7: {  	[sflag:s18] =	ssyncset.done $0x0  }
0xc8: {  	[sflag:s18] =	ssyncadd.s32 $0xFFFFCE00  }
0xc9: {  	[spmem:s3] =	stream.indirect.scatter.add.f32 [tilespmem:s14], [sflag:$0x5], $0x80, s22, s12, $0xb8;
	[tilespmem:$0x1E080] =	vst v63  }
0xca: {  	_ =	swait.ge [sflag:s31], $0x3200  }
.Ltmp1:
0xcb: {  	s26 =	sand.u32 $0x7C00, s24;
	[sflag:s31] =	ssyncset.done $0x0;
	(pc) =	sbr.rel @p0 .LBB2_4-.Ltmp1, $4  }
0xcc: {  	s24 =	sand.u32 $0x380, s24;
	s26 =	sadd.s32 s5, s26;
	[sflag:s31] =	ssyncadd.s32 $0xFFFFCE00  }
0xcd: {  	[spmem:s4] =	stream.indirect.scatter.add.f32 [tilespmem:s16], [sflag:$0x5], $0x1, s22, s12, $0xb8;
	[tilespmem:$0x1E080] =	vst v63  }
0xce: {  	s24 =	sor.u32 s24, s26;
	_ =	swait.ge [sflag:s31], $0x64  }
0xcf: {  	s24 =	sshrl.u32 s24, $0x3;
	[sflag:s31] =	ssyncset.done $0x0  }
0xd0: {  	[sflag:s31] =	ssyncadd.s32 $0xFFFFFF9C;
	s22 =	sadd.s32 s1, s24  }
0xd1: {  	[tilespmem:s10], [sflag:$0x2] =	stream.linear.gather [hbm4b:s22+s6], $0x80, $0x38;
	[tilespmem:$0x1E080] =	vst v63  }
0xd2: {  	_ =	swait.ge [sflag:s13], $0x80  }
0xd3: {  	[sflag:s13] =	ssyncset.done $0x0  }
0xd4: {  	[sflag:s13] =	ssyncadd.s32 $0xFFFFFF80  }
0xd5: {  	[tilespmem:s14], [sflag:$0x4] =	stream.indirect.gather [hbm4b:s7+s12], $0x80, s10, s12, $0xb8;
	[tilespmem:$0x1E080] =	vst v63  }
0xd6: {  	_ =	swait.ge [sflag:s15], $0x3200  }
0xd7: {  	[sflag:s15] =	ssyncset.done $0x0  }
0xd8: {  	[sflag:s15] =	ssyncadd.s32 $0xFFFFCE00  }
0xd9: {  	[spmem:s3] =	stream.indirect.scatter.add.f32 [tilespmem:s2], [sflag:$0x5], $0x80, s19, s12, $0xb8;
	[tilespmem:$0x1E080] =	vst v63  }
0xda: {  	_ =	swait.ge [sflag:s31], $0x3200  }
0xdb: {  	[sflag:s31] =	ssyncset.done $0x0  }
0xdc: {  	[sflag:s31] =	ssyncadd.s32 $0xFFFFCE00  }
0xdd: {  	[spmem:s4] =	stream.indirect.scatter.add.f32 [tilespmem:s16], [sflag:$0x5], $0x1, s19, s12, $0xb8;
	[tilespmem:$0x1E080] =	vst v63  }
0xde: {  	_ =	swait.ge [sflag:s31], $0x64  }
0xdf: {  	[sflag:s31] =	ssyncset.done $0x0  }
0xe0: {  	[sflag:s31] =	ssyncadd.s32 $0xFFFFFF9C  }
0xe1: {  	_ =	swait.ge [sflag:s18], $0x3200  }
0xe2: {  	[sflag:s18] =	ssyncset.done $0x0  }
0xe3: {  	[sflag:s18] =	ssyncadd.s32 $0xFFFFCE00  }
0xe4: {  	[spmem:s3] =	stream.indirect.scatter.add.f32 [tilespmem:s14], [sflag:$0x5], $0x80, s20, s12, $0xb8;
	[tilespmem:$0x1E080] =	vst v63  }
0xe5: {  	_ =	swait.ge [sflag:s31], $0x3200  }
0xe6: {  	[sflag:s31] =	ssyncset.done $0x0  }
0xe7: {  	[sflag:s31] =	ssyncadd.s32 $0xFFFFCE00  }
0xe8: {  	[spmem:s4] =	stream.indirect.scatter.add.f32 [tilespmem:s16], [sflag:$0x5], $0x1, s20, s12, $0xb8;
	[tilespmem:$0x1E080] =	vst v63  }
0xe9: {  	_ =	swait.ge [sflag:s31], $0x64  }
0xea: {  	[sflag:s31] =	ssyncset.done $0x0  }
0xeb: {  	s28 =	stileid.u32;
	[sflag:s31] =	ssyncadd.s32 $0xFFFFFF9C  }
0xec: {  	s22 =	sshll.u32 s28, $0x6;
	[bflag:$0x0] =	sbarrier.arrive $0xFFFF  }
0xed: {  	s23 =	sshrl.u32 s9, $0x3;
	s22 =	sor.u32 $0x1C05, s22;
	s29 =	rddreg [dreg:$0x14]  }
0xee: {  	[hbm:s29], [sflag:s22] =	dma.local [spmem:s23], $0x2800  }
0xef: {  	_ =	swait.ge [sflag:s31], $0x2800  }
0xf0: {  	s24 =	sshrl.u32 s17, $0x3;
	s26 =	simm.s32 $0x20;
	[sflag:s31] =	ssyncset.done $0x0  }
0xf1: {  	s28 =	simm.s32 $0x10;
	s29 =	rddreg [dreg:$0x15];
	[sflag:s31] =	ssyncadd.s32 $0xFFFFD800  }
0xf2: {  	[hbm:s29@s26], [sflag:s22] =	dma.strided [spmem:s24@s28], $0x50, s11, $0x10   }
0xf3: {  	_ =	swait.ge [sflag:s31], $0x50  }
0xf4: {  	s21 =	sadd.s32 $0x1, s21;
	s29 =	rddreg [dreg:$0x16]  }
0xf5: {  	p0 =	sne.s32 s21, s29  }
.Ltmp2:
0xf6: {  	_ = 	snop;
	(pc) =	sbr.rel @p0 .LBB2_1-.Ltmp2, $3  }
0xf7: {  	_ =	sdelay $0x1  }
0xf8: {  	[sflag:s31] =	ssyncset.done $0x0  }
0xf9: {  	[sflag:s31] =	ssyncadd.s32 $0xFFFFFFB0  }
0xfa: {  	_ =	sfence.sel $0x180000  }
0xfb: {  	[bflag:$0x0] =	sbarrier.arrive $0xFFFF  }
0xfc: {  	_ =	strace $0x90000047  }
0xfd: {  	s0 =	stileid.u32;
	[bflag:$0x2] =	sbarrier.arrive $0xFFFF  }
0xfe: {  	p0 =	sne.s32 s0, $0x0;
	s0 =	rddreg [dreg:$0x4]  }
0xff: {  	s0 =	sadd.s32 @!p0 $0x100000, s0  }
0x100: {  	[sflag:s0] =	ssyncadd.tile.s32 @!p0 $0x1;
	_ =	shalt  }
.Lfunc_end2:
_tile_overlayer_lowered:
.L_overlay_start_2:
0x101: {  	(tag) =	ssettag $0x2  }
0x102: {  	s0 =	rddreg [dreg:$0x0];
	s2 =	stileid.u32  }
0x103: {  	s1 =	rddreg [dreg:$0x1];
	p0 =	sne.s32 s2, $0x0  }
0x104: {  	s3 =	rddreg [dreg:$0x2];
	[bflag:$0x3] =	sbarrier.arrive $0xFFFF;
	s2 =	simm.s32 @!p0 $0x1C05  }
0x105: {  	[timem:s3], [sflag:s2] =	dma.local @!p0 [hbm:s0], s1  }
0x106: {  	s0 =	simm.s32 @!p0 $0x5  }
0x107: {  	_ =	swait.ge @!p0 [sflag:s0], s1  }
0x108: {  	s1 =	ssub.s32 @!p0 $0x0, s1;
	[sflag:s0] =	ssyncset.done @!p0 $0x0  }
0x109: {  	[sflag:s0] =	ssyncadd.s32 @!p0 s1  }
0x10a: {  	[bflag:$0x3] =	sbarrier.arrive $0xFFFF  }
0x10b: {  	_ =	shalt  }

// kernel: kernel.9.cloned.1.call-start
scs
__scs_entry_jumppad:
0x0: {  	(pc) =	sbr.rel $0x88, $3  }
0x1: {  	(tag) =	ssettag $0x0;
	lr =	simm.s32 $0x1  }
0x2: {  	[smem:$0x3F99] =	sst lr;
	_ =	strace $0xD0000000  }
0x3: {  	_ = 	snop  }
0x4: {  	_ = 	snop  }
0x5: {  	_ = 	snop  }
0x6: {  	_ = 	snop  }
0x7: {  	_ = 	snop  }
__scs_overlays_trampoline_lowered:
0x8: {  	[smem:$0x3FA8] =	sst s0  }
0x9: {  	[smem:$0x3FA9] =	sst s1  }
0xa: {  	[smem:$0x3FAA] =	sst s2  }
0xb: {  	[smem:$0x3FAB] =	sst s3  }
0xc: {  	[smem:$0x3FAC] =	sst s4  }
0xd: {  	[smem:$0x3FAD] =	sst s5  }
0xe: {  	[smem:$0x3FAE] =	sst s6  }
0xf: {  	[smem:$0x3FAF] =	sst s7  }
0x10: {  	[smem:$0x3FB0] =	sst s8  }
0x11: {  	[smem:$0x3FB1] =	sst s9;
	s0 =	simm.s32 @!p0 $0x0  }
0x12: {  	s1 =	sld [smem:$0x3F97];
	s0 =	simm.s32 @p0 $0x1  }
0x13: {  	[smem:$0x3FB2] =	sst s0;
	s0 =	simm.s32 @!p1 $0x0  }
0x14: {  	s2 =	sld [smem:$0x3F96];
	s0 =	simm.s32 @p1 $0x1  }
0x15: {  	[smem:$0x3FB3] =	sst s0;
	s0 =	simm.s32 @!p2 $0x0  }
0x16: {  	s3 =	sld [smem:$0x3FDB];
	s0 =	simm.s32 @p2 $0x1  }
0x17: {  	s4 =	simm.s32 $0x1BF5;
	[smem:$0x3FB5] =	sst s0  }
0x18: {  	s0 =	sld [smem:$0x3F98];
	_ =	swait.ge [sflag:s4], $0x0  }
0x19: {  	s7 =	sld [smem:$0x3F99]  }
0x1a: {  	s8 =	sadd.s32 $0xFFFFE003, lr  }
0x1b: {  	s9 =	sadd.s32 $0xFFFFFEF7, lr;
	s5 =	simm.s32 $0xFFFFFFFF;
	p2 =	slt.u32 s8, $0xFFFFF086  }
0x1c: {  	p1 =	slt.u32 s9, $0xF7A;
	s5 =	simm.s32 @!p2 $0x0  }
0x1d: {  	s5 =	simm.s32 @p1 $0x1;
	p0 =	seq.s32 s7, s2  }
0x1e: {  	s7 =	smul.u32 @!p0 $0xF7A, s2;
	p2 =	seq.s32 @!p0 s5, $0x0  }
0x1f: {  	s9 =	smul.u32 $0xF7A, s1;
	s8 =	simm.s32 @!p0 $0x1BF5;
	p2 =	por !p2, p0  }
0x20: {  	[sflag:s8] =	ssyncset.s32 @!p0 $0xFFFFF086;
	s6 =	sadd.s32 @!p0 s3, s7;
	s7 =	simm.s32 @!p0 $0x108  }
0x21: {  	s3 =	sadd.s32 s3, s9;
	s6 =	sadd.s32 @!p0 $0x88, s6;
	s7 =	simm.s32 @p2 $0x1082  }
0x22: {  	[simem:s7], [sflag:s8] =	dma.local @!p0 [hbm:s6], $0xF7A  }
0x23: {  	s9 =	sor.u32 $0xD0000000, s2;
	s6 =	simm.s32 $0x108;
	_ =	swait.ge @!p0 [sflag:s8], $0x0  }
0x24: {  	s3 =	sadd.s32 $0x88, s3;
	s6 =	simm.s32 @!p1 $0x1082;
	[sflag:s4] =	ssyncset.s32 $0xFFFFF086  }
0x25: {  	[simem:s6], [sflag:s4] =	dma.local [hbm:s3], $0xF7A  }
0x26: {  	[smem:$0x3F99] =	sst s1;
	(tag) =	ssettag s2;
	_ =	strace s9  }
0x27: {  	s1 =	sld [smem:$0x3FA9]  }
0x28: {  	s2 =	sld [smem:$0x3FAA]  }
0x29: {  	s4 =	sld [smem:$0x3FAC]  }
0x2a: {  	p0 =	seq.s32 s5, $0x0;
	s5 =	sld [smem:$0x3FAD]  }
0x2b: {  	s6 =	sld [smem:$0x3FAE]  }
0x2c: {  	s7 =	sld [smem:$0x3FAF]  }
0x2d: {  	s3 =	simm.s32 $0x108;
	s8 =	sld [smem:$0x3FB0]  }
0x2e: {  	s3 =	simm.s32 @!p0 $0x1082;
	s9 =	sld [smem:$0x3FB1]  }
0x2f: {  	lr =	sadd.s32 s0, s3;
	s0 =	sld [smem:$0x3FA8]  }
0x30: {  	s3 =	sld [smem:$0x3FAB]  }
0x31: {  	[smem:$0x3FB4] =	sst s10  }
0x32: {  	s10 =	sld [smem:$0x3FB2];
	_ =	sdelay $0x3  }
0x33: {  	p0 =	seq.s32 s10, $0x1;
	s10 =	sld [smem:$0x3FB4];
	_ =	sdelay $0x3  }
0x34: {  	[smem:$0x3FB4] =	sst s10  }
0x35: {  	s10 =	sld [smem:$0x3FB3];
	_ =	sdelay $0x3  }
0x36: {  	p1 =	seq.s32 s10, $0x1;
	s10 =	sld [smem:$0x3FB4];
	_ =	sdelay $0x3  }
0x37: {  	[smem:$0x3FB4] =	sst s10  }
0x38: {  	s10 =	sld [smem:$0x3FB5]  }
0x39: {  	_ = 	snop;
	(pc) =	sbr.ind lr, $3  }
0x3a: {  	_ = 	snop  }
0x3b: {  	_ = 	snop  }
0x3c: {  	p2 =	seq.s32 s10, $0x1;
	s10 =	sld [smem:$0x3FB4]  }
0x3d: {  	_ =	shalt  }
0x3e: {  	_ =	shalt  }
0x3f: {  	_ =	shalt  }
0x40: {  	_ =	shalt  }
0x41: {  	_ =	shalt  }
0x42: {  	_ =	shalt  }
0x43: {  	_ =	shalt  }
0x44: {  	_ =	shalt  }
0x45: {  	_ =	shalt  }
0x46: {  	_ =	shalt  }
0x47: {  	_ =	shalt  }
0x48: {  	_ =	shalt  }
0x49: {  	_ =	shalt  }
0x4a: {  	_ =	shalt  }
0x4b: {  	_ =	shalt  }
0x4c: {  	_ =	shalt  }
0x4d: {  	_ =	shalt  }
0x4e: {  	_ =	shalt  }
0x4f: {  	_ =	shalt  }
0x50: {  	_ =	shalt  }
0x51: {  	_ =	shalt  }
0x52: {  	_ =	shalt  }
0x53: {  	_ =	shalt  }
0x54: {  	_ =	shalt  }
0x55: {  	_ =	shalt  }
0x56: {  	_ =	shalt  }
0x57: {  	_ =	shalt  }
0x58: {  	_ =	shalt  }
0x59: {  	_ =	shalt  }
0x5a: {  	_ =	shalt  }
0x5b: {  	_ =	shalt  }
0x5c: {  	_ =	shalt  }
0x5d: {  	_ =	shalt  }
0x5e: {  	_ =	shalt  }
0x5f: {  	_ =	shalt  }
0x60: {  	_ =	shalt  }
0x61: {  	_ =	shalt  }
0x62: {  	_ =	shalt  }
0x63: {  	_ =	shalt  }
0x64: {  	_ =	shalt  }
0x65: {  	_ =	shalt  }
0x66: {  	_ =	shalt  }
0x67: {  	_ =	shalt  }
0x68: {  	_ =	shalt  }
0x69: {  	_ =	shalt  }
0x6a: {  	_ =	shalt  }
0x6b: {  	_ =	shalt  }
0x6c: {  	_ =	shalt  }
0x6d: {  	_ =	shalt  }
0x6e: {  	_ =	shalt  }
0x6f: {  	_ =	shalt  }
0x70: {  	_ =	shalt  }
0x71: {  	_ =	shalt  }
0x72: {  	_ =	shalt  }
0x73: {  	_ =	shalt  }
0x74: {  	_ =	shalt  }
0x75: {  	_ =	shalt  }
0x76: {  	_ =	shalt  }
0x77: {  	_ =	shalt  }
0x78: {  	_ =	shalt  }
0x79: {  	_ =	shalt  }
0x7a: {  	_ =	shalt  }
0x7b: {  	_ =	shalt  }
0x7c: {  	_ =	shalt  }
0x7d: {  	_ =	shalt  }
0x7e: {  	_ =	shalt  }
0x7f: {  	_ =	shalt  }
0x80: {  	_ =	shalt  }
0x81: {  	_ =	shalt  }
0x82: {  	_ =	shalt  }
0x83: {  	_ =	shalt  }
0x84: {  	_ =	shalt  }
0x85: {  	_ =	shalt  }
0x86: {  	_ =	shalt  }
0x87: {  	_ =	shalt  }
.Lfunc_end0:
.L_simem_size_0:
called_computation.1_lowered:
.L_overlay_start_0:
0x88: {  	s2 =	sld [smem:$0x3FD9]  }
0x89: {  	s3 =	sld [smem:$0x3FFE];
	_ =	sdelay $0x1  }
0x8a: {  	s1 =	srdreg.scid  }
0x8b: {  	s0 =	sand.u32 $0x1, s1  }
0x8c: {  	s17 =	sshll.u32 s0, $0xA;
	s2 =	sadd.s32 s3, s2  }
0x8d: {  	s2 =	sadd.s32 s2, s17  }
0x8e: {  	[smem:$0x3FC0] =	sst s2  }
0x8f: {  	_ = 	snop  }
0x90: {  	s2 =	sld [smem:$0x3FD0];
	(tm) =	ssettm $0x1  }
0x91: {  	s18 =	sld [smem:$0x3FFB];
	_ =	sdelay $0x3  }
0x92: {  	_ =	strace s18  }
0x93: {  	s3 =	sld [smem:$0x3FFC];
	_ =	sdelay $0x3  }
0x94: {  	_ =	strace s3  }
0x95: {  	s3 =	sld [smem:$0x3FFD];
	_ =	sdelay $0x3  }
0x96: {  	_ =	strace s3  }
0x97: {  	_ =	strace $0x8FFFFFFF  }
0x98: {  	s19 =	sld [smem:$0x3FDB];
	_ =	sdelay $0x1  }
0x99: {  	s4 =	simm.s32 $_scs_section_size  }
0x9a: {  	s5 =	simm.s32 $_size__tile_overlayer_lowered;
	s6 =	simm.s32 $_tile_overlayer_lowered  }
0x9b: {  	s22 =	simm.s32 $0x1BFF;
	s21 =	sshll.u32 s6, $0x1;
	s3 =	sadd.s32 s4, s19  }
0x9c: {  	s7 =	simm.s32 $0x0;
	s20 =	sshll.u32 s5, $0x1;
	s5 =	sadd.s32 s21, s3  }
0x9d: {  	[timem:s7], [sflag:s22] =	dma.local [hbm:s5], s20  }
0x9e: {  	_ =	swait.ge [sflag:s22], s20  }
0x9f: {  	s4 =	ssub.s32 $0x0, s20;
	[sflag:s22] =	ssyncset.done $0x0  }
0xa0: {  	[sflag:s22] =	ssyncadd.s32 s4;
	_ =	sdelay $0x1  }
0xa1: {  	s23 =	simm.s32 $0x1B8B  }
0xa2: {  	_ =	swait.ge [sflag:s23], $0x1  }
0xa3: {  	[sflag:s23] =	ssyncset.done $0x0  }
0xa4: {  	s25 =	simm.s32 $0x1B8E;
	s24 =	sld [smem:$0x3FFE];
	[sflag:s23] =	ssyncadd.s32 $0xFFFFFFFF  }
0xa5: {  	s26 =	simm.s32 $execute0_lowered;
	[smem:$0x3FD2] =	sst s25  }
0xa6: {  	s5 =	sshll.u32 s26, $0x1;
	_ =	strace $0x80000049;
	[dreg:$0x1] =	wrdreg $0xFFFFFFFF  }
0xa7: {  	s28 =	simm.s32 $_size_execute0_lowered;
	s3 =	sadd.s32 s3, s5;
	[dreg:$0x0] =	wrdreg $0x0  }
0xa8: {  	s5 =	sshll.u32 s28, $0x1;
	[dreg:$0x2] =	wrdreg s3  }
0xa9: {  	[dreg:$0x3] =	wrdreg s5  }
0xaa: {  	[dreg:$0x4] =	wrdreg $0xC0  }
0xab: {  	_ =	task [dreg:s7], $0x5FFFF  }
0xac: {  	[dreg:$0x1] =	wrdreg $0xFFFFFFFF  }
0xad: {  	[dreg:$0x0] =	wrdreg $0x60  }
0xae: {  	[dreg:$0x2] =	wrdreg s24  }
0xaf: {  	[dreg:$0x3] =	wrdreg s2  }
0xb0: {  	[dreg:$0x4] =	wrdreg $0x9D000  }
0xb1: {  	[dreg:$0x5] =	wrdreg $0x9  }
0xb2: {  	_ =	task.clear_ibuf [dreg:s7], $0x6FFFF;
	_ =	strace $0x90000049  }
0xb3: {  	s29 =	simm.s32 $0x9;
	_ =	strace $0x8000004B  }
0xb4: {  	_ =	swait.ge [sflag:s29], $0x1  }
0xb5: {  	[sflag:s29] =	ssyncadd.s32 $0xFFFFFFFF  }
0xb6: {  	_ =	strace $0x9000004B  }
0xb7: {  	_ =	sfence  }
0xb8: {  	s30 =	sld [smem:$0x0];
	_ =	sdelay $0x2  }
0xb9: {  	s31 =	sshll.u32 s1, $0xD;
	s1 =	sshrl.u32 s1, $0x2  }
0xba: {  	s3 =	sand.u32 $0x4000, s31;
	s1 =	sadd.s32 s1, s30  }
0xbb: {  	s0 =	sor.u32 s3, s0;
	s1 =	sshll.u32 s1, $0x11  }
0xbc: {  	s0 =	sor.u32 s1, s0  }
0xbd: {  	s0 =	sadd.s32 $0x8F2B, s0  }
0xbe: {  	[sflag:s0] =	ssyncadd.remote.s32 $0x1  }
0xbf: {  	_ =	sfence.sel $0xFFFF  }
0xc0: {  	[dreg:$0x0] =	wrdreg $0xFFFFFFFF;
	(pc) =	sbr.abs _section_cstart, $3  }
0xc1: {  	[dreg:$0x1] =	wrdreg $0xFFFFFFFF  }
0xc2: {  	_ =	task.clear_ibuf [dreg:s7], $0x2FFFF;
	_ =	strace $0x9FFFFFFF  }
0xc3: {  	(tm) =	ssettm $0x7FFFFFFF  }
tec
execute0_lowered:
.L_overlay_start_1:
0x0: {  	(tag) =	ssettag $0x1  }
0x1: {  	s0 =	srdreg.scid;
	s1 =	rddreg [dreg:$0x0]  }
0x2: {  	s9 =	stileid.u32;
	s2 =	rddreg [dreg:$0x1];
	s5 =	simm.s32 $0x0  }
0x3: {  	s20 =	simm.s32 $0x5;
	s28 =	simm.s32 $0x6900;
	s29 =	simm.s32 $0x3  }
0x4: {  	s30 =	simm.s32 $0x4;
	s0 =	sand.u32 $0x1, s0;
	s8 =	smul.u32 $0x14000, s9  }
0x5: {  	[smem:$0x7FF] =	sst s5;
	s6 =	sadd.s32 $0xF400, s1;
	s21 =	smul.u32 $0x50000, s9  }
0x6: {  	s3 =	sshll.u32 s0, $0x4;
	s7 =	smul.u32 $0x140000, s0;
	s0 =	ssub.s32 $0x2, s0  }
0x7: {  	s4 =	sor.u32 s9, s3;
	s3 =	rddreg [dreg:$0x2];
	_ =	strace $0x8000004A  }
0x8: {  	s23 =	sshrl.u32 s0, $0x1;
	s4 =	smul.u32 $0x3400, s4;
	s7 =	sadd.s32 s8, s7  }
0x9: {  	s8 =	sshrl.u32 s21, $0x2;
	s0 =	ssub.s32 s0, s23;
	s21 =	simm.s32 $0x3500  }
0xa: {  	s23 =	simm.s32 $0x3480;
	s7 =	sshrl.u32 s7, $0x3;
	s8 =	sadd.s32 s8, s3  }
0xb: {  	s19 =	smax.u32 s0, $0x1;
	s0 =	simm.s32 $0x0;
	s14 =	sshrl.u32 s4, $0x3  }
0xc: {  	s25 =	sadd.s32 $0x2800, s8;
	s26 =	sadd.s32 $0x5000, s8;
	s31 =	sadd.s32 $0x7800, s8  }
0xd: {  	s12 =	sadd.s32 $0xA000, s8;
	s13 =	sadd.s32 $0xC800, s8;
	[dreg:$0x5] =	wrdreg s25  }
0xe: {  	s15 =	sadd.s32 $0xF000, s8;
	s16 =	sadd.s32 $0x11800, s8;
	[dreg:$0x6] =	wrdreg s26  }
0xf: {  	s22 =	sadd.s32 s14, s1;
	s1 =	sadd.s32 s7, s1;
	[dreg:$0x7] =	wrdreg s31  }
0x10: {  	s14 =	sadd.s32 s2, s14;
	s25 =	simm.s32 $0x64;
	s26 =	simm.s32 $0x2  }
0x11: {  	s24 =	sadd.s32 $0x2400, s22;
	s17 =	sadd.s32 $0x10, s14;
	s18 =	sadd.s32 $0x37400, s1  }
0x12: {  	v0 =	vimm.f32 $0.0e+00;
	s22 =	simm.s32 $0x3400;
	[dreg:$0x4] =	wrdreg s24;
	s24 =	simm.s32 $0x1  }
.LBB2_1:
0x13: {  	s1 =	rddreg [dreg:$0x4]  }
0x14: {  	[tilespmem:s5], [sflag:$0x5] =	stream.linear.gather [hbm4b:s1+s5], $0x3200, $0x38;
	[tilespmem:$0x1DD00] =	vst v63  }
0x15: {  	_ =	swait.ge [sflag:s20], $0x3200  }
0x16: {  	[sflag:s20] =	ssyncset.done $0x0  }
0x17: {  	s31 =	simm.s32 $0x200;
	s1 =	simm.s32 $0x0;
	[sflag:s20] =	ssyncadd.s32 $0xFFFFCE00  }
.LBB2_2:
0x18: {  	p0 =	sne.s32 s31, $0x9E00;
	[tilespmem:s1+$0x3570] =	vst v0  }
0x19: {  	[tilespmem:s1+$0x3500] =	vst v0  }
0x1a: {  	[tilespmem:s1+$0x3510] =	vst v0  }
.Ltmp0:
0x1b: {  	[tilespmem:s1+$0x3520] =	vst v0;
	(pc) =	sbr.rel @p0 .LBB2_2-.Ltmp0, $4  }
0x1c: {  	[tilespmem:s1+$0x3530] =	vst v0  }
0x1d: {  	[tilespmem:s1+$0x3540] =	vst v0  }
0x1e: {  	[tilespmem:s1+$0x3550] =	vst v0  }
0x1f: {  	[tilespmem:s1+$0x3560] =	vst v0;
	s1 =	sshra.s32 s31, $0x2;
	s31 =	sadd.s32 $0x200, s31  }
0x20: {  	[tilespmem:s1+$0x3570] =	vst v0  }
0x21: {  	[tilespmem:s1+$0x3500] =	vst v0  }
0x22: {  	[tilespmem:s1+$0x3510] =	vst v0  }
0x23: {  	[tilespmem:s1+$0x3520] =	vst v0  }
0x24: {  	[tilespmem:s1+$0x3530] =	vst v0  }
0x25: {  	[tilespmem:s1+$0x3540] =	vst v0  }
0x26: {  	[tilespmem:s1+$0x3550] =	vst v0  }
0x27: {  	[tilespmem:s1+$0x3560] =	vst v0  }
0x28: {  	[spmem:s8] =	stream.linear.scatter [tilespmem:s21], [sflag:$0x5], $0x2800, $0x38;
	[tilespmem:$0x1DD00] =	vst v63  }
0x29: {  	_ =	swait.ge [sflag:s20], $0x2800  }
0x2a: {  	[sflag:s20] =	ssyncset.done $0x0  }
0x2b: {  	s10 =	rddreg [dreg:$0x5];
	[sflag:s20] =	ssyncadd.s32 $0xFFFFD800  }
0x2c: {  	[spmem:s10] =	stream.linear.scatter [tilespmem:s21], [sflag:$0x5], $0x2800, $0x38;
	[tilespmem:$0x1DD00] =	vst v63  }
0x2d: {  	_ =	swait.ge [sflag:s20], $0x2800  }
0x2e: {  	[sflag:s20] =	ssyncset.done $0x0  }
0x2f: {  	s11 =	rddreg [dreg:$0x6];
	[sflag:s20] =	ssyncadd.s32 $0xFFFFD800  }
0x30: {  	[spmem:s11] =	stream.linear.scatter [tilespmem:s21], [sflag:$0x5], $0x2800, $0x38;
	[tilespmem:$0x1DD00] =	vst v63  }
0x31: {  	_ =	swait.ge [sflag:s20], $0x2800  }
0x32: {  	[sflag:s20] =	ssyncset.done $0x0  }
0x33: {  	s7 =	rddreg [dreg:$0x7];
	[sflag:s20] =	ssyncadd.s32 $0xFFFFD800  }
0x34: {  	[spmem:s7] =	stream.linear.scatter [tilespmem:s21], [sflag:$0x5], $0x2800, $0x38;
	[tilespmem:$0x1DD00] =	vst v63  }
0x35: {  	_ =	swait.ge [sflag:s20], $0x2800  }
0x36: {  	[sflag:s20] =	ssyncset.done $0x0  }
0x37: {  	[sflag:s20] =	ssyncadd.s32 $0xFFFFD800  }
0x38: {  	[spmem:s12] =	stream.linear.scatter [tilespmem:s21], [sflag:$0x5], $0x2800, $0x38;
	[tilespmem:$0x1DD00] =	vst v63  }
0x39: {  	_ =	swait.ge [sflag:s20], $0x2800  }
0x3a: {  	[sflag:s20] =	ssyncset.done $0x0  }
0x3b: {  	[sflag:s20] =	ssyncadd.s32 $0xFFFFD800  }
0x3c: {  	[spmem:s13] =	stream.linear.scatter [tilespmem:s21], [sflag:$0x5], $0x2800, $0x38;
	[tilespmem:$0x1DD00] =	vst v63  }
0x3d: {  	_ =	swait.ge [sflag:s20], $0x2800  }
0x3e: {  	[sflag:s20] =	ssyncset.done $0x0  }
0x3f: {  	[sflag:s20] =	ssyncadd.s32 $0xFFFFD800  }
0x40: {  	[spmem:s15] =	stream.linear.scatter [tilespmem:s21], [sflag:$0x5], $0x2800, $0x38;
	[tilespmem:$0x1DD00] =	vst v63  }
0x41: {  	_ =	swait.ge [sflag:s20], $0x2800  }
0x42: {  	[sflag:s20] =	ssyncset.done $0x0  }
0x43: {  	[sflag:s20] =	ssyncadd.s32 $0xFFFFD800  }
0x44: {  	[spmem:s16] =	stream.linear.scatter [tilespmem:s21], [sflag:$0x5], $0x2800, $0x38;
	[tilespmem:$0x1DD00] =	vst v63  }
0x45: {  	_ =	swait.ge [sflag:s20], $0x2800  }
0x46: {  	[sflag:s20] =	ssyncset.done $0x0  }
0x47: {  	[sflag:s20] =	ssyncadd.s32 $0xFFFFD800  }
0x48: {  	[bflag:$0x0] =	sbarrier.arrive $0xFFFF  }
0x49: {  	[tilespmem:s22], [sflag:$0x1] =	stream.linear.gather [hbm4b:s14+s5], $0x80, $0x38;
	[tilespmem:$0x1DD00] =	vst v63  }
0x4a: {  	_ = 	snop  }
0x4b: {  	[tilespmem:s23], [sflag:$0x2] =	stream.linear.gather [hbm4b:s17+s5], $0x80, $0x38;
	[tilespmem:$0x1DD00] =	vst v63  }
0x4c: {  	_ =	swait.ge [sflag:s24], $0x80  }
0x4d: {  	[sflag:s24] =	ssyncset.done $0x0  }
0x4e: {  	[sflag:s24] =	ssyncadd.s32 $0xFFFFFF80  }
0x4f: {  	[tilespmem:s21], [sflag:$0x3] =	stream.indirect.gather [hbm4b:s6+s25], $0x80, s22, s25, $0xb8;
	[tilespmem:$0x1DD00] =	vst v63  }
0x50: {  	_ =	swait.ge [sflag:s26], $0x80  }
0x51: {  	[sflag:s26] =	ssyncset.done $0x0  }
0x52: {  	[sflag:s26] =	ssyncadd.s32 $0xFFFFFF80  }
0x53: {  	[tilespmem:s28], [sflag:$0x4] =	stream.indirect.gather [hbm4b:s6+s25], $0x80, s23, s25, $0xb8;
	[tilespmem:$0x1DD00] =	vst v63  }
0x54: {  	s9 =	simm.s32 $0x100;
	_ =	swait.ge [sflag:s29], $0x3200  }
0x55: {  	s31 =	sand.u32 $0x7C00, s9;
	s1 =	sand.u32 $0x300, s9;
	[sflag:s29] =	ssyncset.done $0x0  }
0x56: {  	s31 =	sadd.s32 s4, s31;
	s7 =	simm.s32 $0x0;
	[sflag:s29] =	ssyncadd.s32 $0xFFFFCE00  }
0x57: {  	[spmem:s3] =	stream.indirect.scatter.add.f32 [tilespmem:s21], [sflag:$0x5], $0x80, s7, s25, $0xb8;
	[tilespmem:$0x1DD00] =	vst v63  }
0x58: {  	s1 =	sor.u32 s1, s31;
	_ =	swait.ge [sflag:s20], $0x3200  }
0x59: {  	s1 =	sshrl.u32 s1, $0x3;
	[sflag:s20] =	ssyncset.done $0x0  }
0x5a: {  	s1 =	sadd.s32 s2, s1;
	[sflag:s20] =	ssyncadd.s32 $0xFFFFCE00  }
0x5b: {  	[tilespmem:s22], [sflag:$0x1] =	stream.linear.gather [hbm4b:s1+s5], $0x80, $0x38;
	[tilespmem:$0x1DD00] =	vst v63  }
0x5c: {  	_ =	swait.ge [sflag:s24], $0x80  }
0x5d: {  	[sflag:s24] =	ssyncset.done $0x0  }
0x5e: {  	[sflag:s24] =	ssyncadd.s32 $0xFFFFFF80  }
0x5f: {  	[tilespmem:s21], [sflag:$0x3] =	stream.indirect.gather [hbm4b:s6+s25], $0x80, s22, s25, $0xb8;
	[tilespmem:$0x1DD00] =	vst v63  }
0x60: {  	s10 =	simm.s32 $0x180;
	_ =	swait.ge [sflag:s30], $0x3200  }
0x61: {  	s31 =	simm.s32 $0x80;
	s11 =	sand.u32 $0x7C00, s10;
	[sflag:s30] =	ssyncset.done $0x0  }
0x62: {  	s7 =	sadd.s32 s4, s11;
	s1 =	sand.u32 $0x380, s10;
	[sflag:s30] =	ssyncadd.s32 $0xFFFFCE00  }
0x63: {  	[spmem:s3] =	stream.indirect.scatter.add.f32 [tilespmem:s28], [sflag:$0x5], $0x80, s31, s25, $0xb8;
	[tilespmem:$0x1DD00] =	vst v63  }
0x64: {  	s7 =	sor.u32 s1, s7;
	_ =	swait.ge [sflag:s20], $0x3200  }
0x65: {  	s1 =	simm.s32 $0x280;
	s7 =	sshrl.u32 s7, $0x3;
	[sflag:s20] =	ssyncset.done $0x0  }
.LBB2_4:
0x66: {  	[sflag:s20] =	ssyncadd.s32 $0xFFFFCE00  }
0x67: {  	s7 =	sadd.s32 s2, s7;
	s31 =	sadd.s32 $0x100, s31;
	s9 =	smov.u32 s1  }
0x68: {  	[tilespmem:s23], [sflag:$0x2] =	stream.linear.gather [hbm4b:s7+s5], $0x80, $0x38;
	[tilespmem:$0x1DD00] =	vst v63  }
0x69: {  	p0 =	sne.s32 s1, $0x3180;
	s1 =	sadd.s32 $0x100, s1;
	_ =	swait.ge [sflag:s26], $0x80  }
0x6a: {  	[sflag:s26] =	ssyncset.done $0x0  }
0x6b: {  	[sflag:s26] =	ssyncadd.s32 $0xFFFFFF80  }
0x6c: {  	[tilespmem:s28], [sflag:$0x4] =	stream.indirect.gather [hbm4b:s6+s25], $0x80, s23, s25, $0xb8;
	[tilespmem:$0x1DD00] =	vst v63  }
0x6d: {  	s7 =	sadd.s32 $0xFFFFFF80, s9;
	_ =	swait.ge [sflag:s29], $0x3200  }
0x6e: {  	s10 =	sadd.s32 $0xFFFFFF80, s31;
	s11 =	sand.u32 $0x7C00, s7;
	[sflag:s29] =	ssyncset.done $0x0  }
0x6f: {  	s7 =	sand.u32 $0x300, s7;
	s11 =	sadd.s32 s4, s11;
	[sflag:s29] =	ssyncadd.s32 $0xFFFFCE00  }
0x70: {  	[spmem:s3] =	stream.indirect.scatter.add.f32 [tilespmem:s21], [sflag:$0x5], $0x80, s10, s25, $0xb8;
	[tilespmem:$0x1DD00] =	vst v63  }
0x71: {  	s7 =	sor.u32 s7, s11;
	_ =	swait.ge [sflag:s20], $0x3200  }
0x72: {  	s7 =	sshrl.u32 s7, $0x3;
	[sflag:s20] =	ssyncset.done $0x0  }
0x73: {  	s7 =	sadd.s32 s2, s7;
	[sflag:s20] =	ssyncadd.s32 $0xFFFFCE00  }
0x74: {  	[tilespmem:s22], [sflag:$0x1] =	stream.linear.gather [hbm4b:s7+s5], $0x80, $0x38;
	[tilespmem:$0x1DD00] =	vst v63  }
0x75: {  	_ =	swait.ge [sflag:s24], $0x80  }
0x76: {  	[sflag:s24] =	ssyncset.done $0x0  }
0x77: {  	[sflag:s24] =	ssyncadd.s32 $0xFFFFFF80  }
0x78: {  	[tilespmem:s21], [sflag:$0x3] =	stream.indirect.gather [hbm4b:s6+s25], $0x80, s22, s25, $0xb8;
	[tilespmem:$0x1DD00] =	vst v63  }
0x79: {  	_ =	swait.ge [sflag:s30], $0x3200  }
.Ltmp1:
0x7a: {  	s7 =	sand.u32 $0x7C00, s9;
	[sflag:s30] =	ssyncset.done $0x0;
	(pc) =	sbr.rel @p0 .LBB2_4-.Ltmp1, $4  }
0x7b: {  	s9 =	sand.u32 $0x380, s9;
	s7 =	sadd.s32 s4, s7;
	[sflag:s30] =	ssyncadd.s32 $0xFFFFCE00  }
0x7c: {  	[spmem:s3] =	stream.indirect.scatter.add.f32 [tilespmem:s28], [sflag:$0x5], $0x80, s31, s25, $0xb8;
	[tilespmem:$0x1DD00] =	vst v63  }
0x7d: {  	s7 =	sor.u32 s9, s7;
	_ =	swait.ge [sflag:s20], $0x3200  }
0x7e: {  	s7 =	sshrl.u32 s7, $0x3;
	[sflag:s20] =	ssyncset.done $0x0  }
0x7f: {  	[sflag:s20] =	ssyncadd.s32 $0xFFFFCE00;
	s1 =	sadd.s32 s2, s7  }
0x80: {  	[tilespmem:s23], [sflag:$0x2] =	stream.linear.gather [hbm4b:s1+s5], $0x80, $0x38;
	[tilespmem:$0x1DD00] =	vst v63  }
0x81: {  	_ =	swait.ge [sflag:s26], $0x80  }
0x82: {  	[sflag:s26] =	ssyncset.done $0x0  }
0x83: {  	[sflag:s26] =	ssyncadd.s32 $0xFFFFFF80  }
0x84: {  	[tilespmem:s28], [sflag:$0x4] =	stream.indirect.gather [hbm4b:s6+s25], $0x80, s23, s25, $0xb8;
	[tilespmem:$0x1DD00] =	vst v63  }
0x85: {  	_ =	swait.ge [sflag:s29], $0x3200  }
0x86: {  	[sflag:s29] =	ssyncset.done $0x0  }
0x87: {  	s9 =	simm.s32 $0x3100;
	[sflag:s29] =	ssyncadd.s32 $0xFFFFCE00  }
0x88: {  	[spmem:s3] =	stream.indirect.scatter.add.f32 [tilespmem:s21], [sflag:$0x5], $0x80, s9, s25, $0xb8;
	[tilespmem:$0x1DD00] =	vst v63  }
0x89: {  	_ =	swait.ge [sflag:s20], $0x3200  }
0x8a: {  	[sflag:s20] =	ssyncset.done $0x0  }
0x8b: {  	[sflag:s20] =	ssyncadd.s32 $0xFFFFCE00  }
0x8c: {  	_ =	swait.ge [sflag:s30], $0x3200  }
0x8d: {  	[sflag:s30] =	ssyncset.done $0x0  }
0x8e: {  	s10 =	simm.s32 $0x3180;
	[sflag:s30] =	ssyncadd.s32 $0xFFFFCE00  }
0x8f: {  	[spmem:s3] =	stream.indirect.scatter.add.f32 [tilespmem:s28], [sflag:$0x5], $0x80, s10, s25, $0xb8;
	[tilespmem:$0x1DD00] =	vst v63  }
0x90: {  	s11 =	stileid.u32;
	_ =	swait.ge [sflag:s20], $0x3200  }
0x91: {  	s31 =	sshrl.u32 s8, $0x3;
	s0 =	sadd.s32 $0x1, s0;
	[sflag:s20] =	ssyncset.done $0x0  }
0x92: {  	s1 =	sshll.u32 s11, $0x6;
	p0 =	sne.s32 s0, s19;
	[sflag:s20] =	ssyncadd.s32 $0xFFFFCE00  }
.Ltmp2:
0x93: {  	s1 =	sor.u32 $0x1C05, s1;
	[bflag:$0x0] =	sbarrier.arrive $0xFFFF;
	(pc) =	sbr.rel @p0 .LBB2_1-.Ltmp2, $4  }
0x94: {  	[hbm:s18], [sflag:s1] =	dma.local [spmem:s31], $0x2800  }
0x95: {  	_ =	swait.ge [sflag:s20], $0x2800  }
0x96: {  	[sflag:s20] =	ssyncset.done $0x0  }
0x97: {  	[sflag:s20] =	ssyncadd.s32 $0xFFFFD800  }
0x98: {  	_ =	sfence.sel $0x180000  }
0x99: {  	[bflag:$0x0] =	sbarrier.arrive $0xFFFF  }
0x9a: {  	_ =	strace $0x9000004A  }
0x9b: {  	s0 =	stileid.u32;
	[bflag:$0x2] =	sbarrier.arrive $0xFFFF  }
0x9c: {  	p0 =	sne.s32 s0, $0x0;
	s0 =	rddreg [dreg:$0x3]  }
0x9d: {  	s0 =	sadd.s32 @!p0 $0x100000, s0  }
0x9e: {  	[sflag:s0] =	ssyncadd.tile.s32 @!p0 $0x1;
	_ =	shalt  }
.Lfunc_end2:
_tile_overlayer_lowered:
.L_overlay_start_2:
0x9f: {  	(tag) =	ssettag $0x2  }
0xa0: {  	s0 =	rddreg [dreg:$0x0];
	s2 =	stileid.u32  }
0xa1: {  	s1 =	rddreg [dreg:$0x1];
	p0 =	sne.s32 s2, $0x0  }
0xa2: {  	s3 =	rddreg [dreg:$0x2];
	[bflag:$0x3] =	sbarrier.arrive $0xFFFF;
	s2 =	simm.s32 @!p0 $0x1C05  }
0xa3: {  	[timem:s3], [sflag:s2] =	dma.local @!p0 [hbm:s0], s1  }
0xa4: {  	s0 =	simm.s32 @!p0 $0x5  }
0xa5: {  	_ =	swait.ge @!p0 [sflag:s0], s1  }
0xa6: {  	s1 =	ssub.s32 @!p0 $0x0, s1;
	[sflag:s0] =	ssyncset.done @!p0 $0x0  }
0xa7: {  	[sflag:s0] =	ssyncadd.s32 @!p0 s1  }
0xa8: {  	[bflag:$0x3] =	sbarrier.arrive $0xFFFF  }
0xa9: {  	_ =	shalt  }

</sc_bundles>
